<compile_context>
chip_gen: v7x
topology: tpu7x:2x2x1
jax: 0.10.2.dev20260603
libtpu: 0.0.44.dev20260713+nightly
codegen_flags: <defaults>
</compile_context>

<pallas_src>
import functools

import jax
import jax.numpy as jnp
from jax import lax
from jax.experimental import pallas as pl
from jax.experimental.pallas import tpu as pltpu
from jax.experimental.pallas import tpu_sc as plsc

N = 10000
E = 320000
IN_DIM = 128
HID = 64
OUT = 16
NUM_GRAPHS = 64

NC = 2
NS = 16
NW = NC * NS
NPAD = 10240
ROWS_PER = NPAD // NS
C = 128
KW = 80
NCHUNKS = NW * KW
EPAD = NCHUNKS * C

_mesh = plsc.VectorSubcoreMesh(core_axis_name="c", subcore_axis_name="s")
_sc_params = pltpu.CompilerParams(use_tc_tiling_on_sc=False)



HW = 16


def _make_hist():
    @functools.partial(
        pl.kernel,
        out_type=jax.ShapeDtypeStruct((NC, NPAD, HW), jnp.float32),
        mesh=_mesh,
        compiler_params=_sc_params,
        scratch_types=[
            pltpu.VMEM((KW, C), jnp.int32),
            pltpu.VMEM((C, HW), jnp.float32),
            pltpu.VMEM_SHARED((NPAD, HW), jnp.float32),
        ],
    )
    def hist(dst3_hbm, ones_hbm, zeros_hbm, out_hbm, dst_v, ones_v, acc_sh):
        c = lax.axis_index("c")
        s = lax.axis_index("s")
        wid = s * NC + c
        pltpu.sync_copy(zeros_hbm,
                        acc_sh.at[pl.ds(s * ROWS_PER, ROWS_PER)])
        pltpu.sync_copy(dst3_hbm.at[wid], dst_v)
        pltpu.sync_copy(ones_hbm, ones_v)
        plsc.subcore_barrier()

        def body(j, carry):
            pltpu.sync_copy(ones_v, acc_sh.at[dst_v.at[j]], add=True)
            return carry

        lax.fori_loop(0, KW, body, 0)
        plsc.subcore_barrier()
        pltpu.sync_copy(acc_sh.at[pl.ds(s * ROWS_PER, ROWS_PER)],
                        out_hbm.at[c].at[pl.ds(s * ROWS_PER, ROWS_PER)])

    return hist


def _make_prop(F, k_fast, k_slow):
    assert 16 * (k_fast + k_slow) == NCHUNKS
    kmax = max(k_fast, k_slow)
    nparts = 1 if k_slow == 0 else NC

    @functools.partial(
        pl.kernel,
        out_type=jax.ShapeDtypeStruct((nparts, NPAD, F), jnp.float32),
        mesh=_mesh,
        compiler_params=_sc_params,
        scratch_types=[
            pltpu.VMEM((kmax, C), jnp.int32),
            pltpu.VMEM((kmax, C), jnp.int32),
            pltpu.VMEM((C, F), jnp.float32),
            pltpu.VMEM((C, F), jnp.float32),
            pltpu.VMEM_SHARED((NPAD, F), jnp.float32),
            pltpu.SemaphoreType.DMA,
            pltpu.SemaphoreType.DMA,
        ],
    )
    def prop(g_hbm, src_hbm, dst_hbm, zeros_hbm, out_hbm,
             src_v, dst_v, r0, r1, acc_sh, s0, s1):
        rows = [r0, r1]
        sems = [s0, s1]
        c = lax.axis_index("c")
        s = lax.axis_index("s")

        @pl.when(c < nparts)
        def _():
            pltpu.sync_copy(zeros_hbm,
                            acc_sh.at[pl.ds(s * ROWS_PER, ROWS_PER)])

        plsc.subcore_barrier()

        def run(base, k):
            assert k % 2 == 0
            pltpu.sync_copy(src_hbm.at[pl.ds(base, k)], src_v.at[pl.ds(0, k)])
            pltpu.sync_copy(dst_hbm.at[pl.ds(base, k)], dst_v.at[pl.ds(0, k)])
            pltpu.async_copy(g_hbm.at[src_v.at[0]], rows[0], sems[0])

            def body(i, carry):
                for b in range(2):
                    j = 2 * i + b
                    pltpu.make_async_copy(g_hbm.at[src_v.at[j]], rows[b],
                                          sems[b]).wait()

                    @pl.when(j + 1 < k)
                    def _():
                        nb = 1 - b
                        pltpu.async_copy(g_hbm.at[src_v.at[j + 1]],
                                         rows[nb], sems[nb])

                    pltpu.sync_copy(rows[b], acc_sh.at[dst_v.at[j]], add=True)
                return carry

            lax.fori_loop(0, k // 2, body, 0)

        @pl.when(c == 0)
        def _():
            run(s * k_fast, k_fast)

        if k_slow > 0:
            @pl.when(c == 1)
            def _():
                run(16 * k_fast + s * k_slow, k_slow)

        plsc.subcore_barrier()

        @pl.when(c < nparts)
        def _():
            pltpu.sync_copy(acc_sh.at[pl.ds(s * ROWS_PER, ROWS_PER)],
                            out_hbm.at[c].at[pl.ds(s * ROWS_PER, ROWS_PER)])

    return prop


_hist = _make_hist()
_prop64 = _make_prop(HID, 136, 24)
_prop16 = _make_prop(OUT, 104, 56)



_RB = 1280
_GRID = NPAD // _RB


def _stage1_body(x_ref, w_ref, hist_ref, g_ref, dis_ref):
    pid = pl.program_id(0)
    deg = hist_ref[0][:, 0:1] + hist_ref[1][:, 0:1] + 1.0
    row = pid * _RB + lax.broadcasted_iota(jnp.int32, (_RB, 1), 0)
    dis = jnp.where(row < N, lax.rsqrt(deg), 0.0)
    h = jnp.dot(x_ref[...], w_ref[...], preferred_element_type=jnp.float32)
    g_ref[...] = h * dis
    dis_ref[...] = dis


def _tc_stage1(x_pad, W1, hist):
    return pl.pallas_call(
        _stage1_body,
        grid=(_GRID,),
        in_specs=[
            pl.BlockSpec((_RB, IN_DIM), lambda i: (i, 0)),
            pl.BlockSpec((IN_DIM, HID), lambda i: (0, 0)),
            pl.BlockSpec((NC, _RB, HW), lambda i: (0, i, 0)),
        ],
        out_specs=[
            pl.BlockSpec((_RB, HID), lambda i: (i, 0)),
            pl.BlockSpec((_RB, 1), lambda i: (i, 0)),
        ],
        out_shape=[
            jax.ShapeDtypeStruct((NPAD, HID), jnp.float32),
            jax.ShapeDtypeStruct((NPAD, 1), jnp.float32),
        ],
    )(x_pad, W1, hist)


def _mid_body(acc_ref, g_ref, dis_ref, b_ref, w_ref, out_ref):
    dis = dis_ref[...]
    asum = acc_ref[0]
    for p in range(1, acc_ref.shape[0]):
        asum = asum + acc_ref[p]
    z = dis * (asum + g_ref[...]) + b_ref[...]
    z = jnp.maximum(z, 0.0)
    out_ref[...] = jnp.dot(z, w_ref[...], preferred_element_type=jnp.float32) * dis


def _tc_mid(acc, g, dis, b2d, W, fout):
    fin = g.shape[1]
    nparts = acc.shape[0]
    return pl.pallas_call(
        _mid_body,
        grid=(_GRID,),
        in_specs=[
            pl.BlockSpec((nparts, _RB, fin), lambda i: (0, i, 0)),
            pl.BlockSpec((_RB, fin), lambda i: (i, 0)),
            pl.BlockSpec((_RB, 1), lambda i: (i, 0)),
            pl.BlockSpec((1, fin), lambda i: (0, 0)),
            pl.BlockSpec((fin, fout), lambda i: (0, 0)),
        ],
        out_specs=pl.BlockSpec((_RB, fout), lambda i: (i, 0)),
        out_shape=jax.ShapeDtypeStruct((NPAD, fout), jnp.float32),
    )(acc, g, dis, b2d, W)


def _final_body(acc_ref, g_ref, dis_ref, b_ref, batch_ref, out_ref):
    asum = acc_ref[0]
    for p in range(1, acc_ref.shape[0]):
        asum = asum + acc_ref[p]
    node = dis_ref[...] * (asum + g_ref[...]) + b_ref[...]
    gids = lax.broadcasted_iota(jnp.int32, (NUM_GRAPHS, NPAD), 0)
    mask = (batch_ref[...] == gids).astype(jnp.float32)
    sums = jnp.dot(mask, node, preferred_element_type=jnp.float32)
    cnts = jnp.sum(mask, axis=1, keepdims=True)
    out_ref[...] = sums / jnp.maximum(cnts, 1.0)


def _tc_final(acc, g3, dis, b3_2d, batch2d):
    return pl.pallas_call(
        _final_body,
        out_shape=jax.ShapeDtypeStruct((NUM_GRAPHS, OUT), jnp.float32),
    )(acc, g3, dis, b3_2d, batch2d)



def kernel(x, edge_index, batch, W1, b1, W2, b2, W3, b3):
    src = jnp.concatenate([edge_index[0],
                           jnp.full((EPAD - E,), N, dtype=jnp.int32)])
    dst = jnp.concatenate([edge_index[1],
                           jnp.full((EPAD - E,), N, dtype=jnp.int32)])
    src3 = src.reshape(NCHUNKS, C)
    dst3 = dst.reshape(NCHUNKS, C)

    x_pad = jnp.pad(x, ((0, NPAD - N), (0, 0)))
    batch2d = jnp.pad(batch, (0, NPAD - N),
                      constant_values=NUM_GRAPHS).reshape(1, NPAD)
    zeros64 = jnp.zeros((ROWS_PER, HID), jnp.float32)
    zeros16 = jnp.zeros((ROWS_PER, OUT), jnp.float32)
    zeros1 = jnp.zeros((ROWS_PER, HW), jnp.float32)
    ones_c = jnp.ones((C, HW), jnp.float32)

    hist = _hist(dst3.reshape(NW, KW, C), ones_c, zeros1)
    g1, dis = _tc_stage1(x_pad, W1, hist)

    acc1 = _prop64(g1, src3, dst3, zeros64)
    g2 = _tc_mid(acc1, g1, dis, b1.reshape(1, HID), W2, HID)

    acc2 = _prop64(g2, src3, dst3, zeros64)
    g3 = _tc_mid(acc2, g2, dis, b2.reshape(1, HID), W3, OUT)

    acc3 = _prop16(g3, src3, dst3, zeros16)
    return _tc_final(acc3, g3, dis, b3.reshape(1, OUT), batch2d)

# --- scband reference (transcript-rebuilt; emitter-appended) ---
"""Pipeline reference for scband-gnnencoder-12515534701155 (READ-ONLY COPY).

The authoritative reference and input builder live on the scoring server;
editing this copy changes nothing except your own understanding.
"""

import jax, jax.numpy as jnp
import numpy as np

N = 10000
E = 320000
IN_DIM = 128
HID = 64
OUT = 16
NUM_GRAPHS = 64


def setup_inputs(seed: int = 0) -> dict:
    key = jax.random.key(seed)
    ks = jax.random.split(key, 10)
    x = jax.random.normal(ks[0], (N, IN_DIM), dtype=jnp.float32)
    edge_index = jax.random.randint(ks[1], (2, E), 0, N, dtype=jnp.int32)
    batch = jnp.sort(jax.random.randint(ks[2], (N,), 0, NUM_GRAPHS, dtype=jnp.int32))
    W1 = jax.random.normal(ks[3], (IN_DIM, HID), dtype=jnp.float32) * 0.05
    b1 = jnp.zeros((HID,), dtype=jnp.float32)
    W2 = jax.random.normal(ks[4], (HID, HID), dtype=jnp.float32) * 0.05
    b2 = jnp.zeros((HID,), dtype=jnp.float32)
    W3 = jax.random.normal(ks[5], (HID, OUT), dtype=jnp.float32) * 0.05
    b3 = jnp.zeros((OUT,), dtype=jnp.float32)
    return {"x": x, "edge_index": edge_index, "batch": batch,
            "W1": W1, "b1": b1, "W2": W2, "b2": b2, "W3": W3, "b3": b3}


def gcn_conv(x, edge_index, W, b):
    # PyG GCNConv: x' = D^{-1/2} (A + I) D^{-1/2} (X W) + b
    n = x.shape[0]
    loop = jnp.arange(n, dtype=edge_index.dtype)
    src = jnp.concatenate([edge_index[0], loop])
    dst = jnp.concatenate([edge_index[1], loop])
    deg = jnp.zeros((n,), dtype=jnp.float32).at[dst].add(1.0)
    deg_inv_sqrt = jnp.where(deg > 0, jax.lax.rsqrt(jnp.maximum(deg, 1e-12)), 0.0)
    norm = deg_inv_sqrt[src] * deg_inv_sqrt[dst]
    h = x @ W
    msg = h[src] * norm[:, None]
    out = jnp.zeros((n, W.shape[1]), dtype=jnp.float32).at[dst].add(msg)
    return out + b


def reference(x, edge_index, batch, W1, b1, W2, b2, W3, b3):
    h = jax.nn.relu(gcn_conv(x, edge_index, W1, b1))
    h = jax.nn.relu(gcn_conv(h, edge_index, W2, b2))
    h = gcn_conv(h, edge_index, W3, b3)
    # global_mean_pool over batch assignment
    sums = jax.ops.segment_sum(h, batch, num_segments=NUM_GRAPHS)
    cnts = jax.ops.segment_sum(jnp.ones((h.shape[0], 1), dtype=jnp.float32), batch, num_segments=NUM_GRAPHS)
    return sums / jnp.clip(cnts, 1.0)

if __name__ == "__main__":
    import jax
    _d = setup_inputs()
    print(jax.jit(kernel)(*tuple(_d.values())))

</pallas_src>

<mosaic_0001>
#map = affine_map<(d0, d1) -> (0, 0, 0)>
#map1 = affine_map<(d0, d1) -> (0, 0)>
module attributes {stable_mosaic.version = 14 : i64} {
  func.func @hist(%arg0: i32, %arg1: i32, %arg2: memref<32x80x128xi32, #tpu.memory_space<hbm>>, %arg3: memref<128x16xf32, #tpu.memory_space<hbm>>, %arg4: memref<640x16xf32, #tpu.memory_space<hbm>>, %arg5: memref<2x10240x16xf32, #tpu.memory_space<hbm>>, %arg6: memref<80x128xi32, #tpu.memory_space<vmem>>, %arg7: memref<128x16xf32, #tpu.memory_space<vmem>>, %arg8: memref<10240x16xf32, #tpu.memory_space<vmem_shared>>) attributes {dimension_semantics = [#tpu.dimension_semantics<core_parallel>, #tpu.dimension_semantics<subcore_parallel>], iteration_bounds = array<i64: 2, 16>, scalar_prefetch = 0 : i64, scratch_operands = 3 : i64, tpu.core_type = #tpu.core_type<sc_vector_subcore>, window_params = [{transform_indices = #map}, {transform_indices = #map1}, {transform_indices = #map1}, {transform_indices = #map}]} {
    %mul3A = arith.constant 2 : i32
    %mul3A_0 = arith.muli %arg1, %mul3A : i32
    %add3A = arith.addi %mul3A_0, %arg0 : i32
    %mul3A_1 = arith.constant 640 : i32
    %mul3A_2 = arith.muli %arg1, %mul3A_1 : i32
    "tpu.region"() ({
      %run_scoped3A = tpu.sem_alloc : memref<!tpu.dma_semaphore, #tpu.memory_space<semaphore_mem>>
      %dma_start3A = arith.constant 0 : i32
      %dma_start3A_13 = tpu.memref_slice %arg8[%mul3A_2, %dma_start3A] : memref<10240x16xf32, #tpu.memory_space<vmem_shared>> -> memref<640x16xf32, #tpu.memory_space<vmem_shared>>
      tpu.enqueue_dma source(%arg4 : memref<640x16xf32, #tpu.memory_space<hbm>>) target(%dma_start3A_13 : memref<640x16xf32, #tpu.memory_space<vmem_shared>>) target_semaphore(%run_scoped3A : memref<!tpu.dma_semaphore, #tpu.memory_space<semaphore_mem>>)
      %dma_wait3A = arith.constant 0 : i32
      %dma_wait3A_14 = tpu.memref_slice %arg8[%mul3A_2, %dma_wait3A] : memref<10240x16xf32, #tpu.memory_space<vmem_shared>> -> memref<640x16xf32, #tpu.memory_space<vmem_shared>>
      tpu.wait_dma2 semaphore(%run_scoped3A : memref<!tpu.dma_semaphore, #tpu.memory_space<semaphore_mem>>) src(%arg4 : memref<640x16xf32, #tpu.memory_space<hbm>>) dst(%dma_wait3A_14 : memref<640x16xf32, #tpu.memory_space<vmem_shared>>)
      tpu.yield
    }) : () -> ()
    "tpu.region"() ({
      %run_scoped3A = tpu.sem_alloc : memref<!tpu.dma_semaphore, #tpu.memory_space<semaphore_mem>>
      %dma_start3A = arith.constant 0 : i32
      %dma_start3A_13 = arith.constant 0 : i32
      %dma_start3A_14 = tpu.memref_slice %arg2[%add3A, %dma_start3A, %dma_start3A_13] : memref<32x80x128xi32, #tpu.memory_space<hbm>> -> memref<1x80x128xi32, #tpu.memory_space<hbm>>
      %dma_start3A_15 = tpu.memref_squeeze %dma_start3A_14 : memref<1x80x128xi32, #tpu.memory_space<hbm>> -> memref<80x128xi32, #tpu.memory_space<hbm>>
      %dma_start3A_16 = arith.constant 0 : i32
      %dma_start3A_17 = arith.constant 0 : i32
      %dma_start3A_18 = tpu.memref_slice %arg2[%add3A, %dma_start3A_16, %dma_start3A_17] : memref<32x80x128xi32, #tpu.memory_space<hbm>> -> memref<1x80x128xi32, #tpu.memory_space<hbm>>
      %dma_start3A_19 = tpu.memref_squeeze %dma_start3A_18 : memref<1x80x128xi32, #tpu.memory_space<hbm>> -> memref<80x128xi32, #tpu.memory_space<hbm>>
      tpu.enqueue_dma source(%dma_start3A_19 : memref<80x128xi32, #tpu.memory_space<hbm>>) target(%arg6 : memref<80x128xi32, #tpu.memory_space<vmem>>) target_semaphore(%run_scoped3A : memref<!tpu.dma_semaphore, #tpu.memory_space<semaphore_mem>>)
      %dma_wait3A = arith.constant 0 : i32
      %dma_wait3A_20 = arith.constant 0 : i32
      %dma_wait3A_21 = tpu.memref_slice %arg2[%add3A, %dma_wait3A, %dma_wait3A_20] : memref<32x80x128xi32, #tpu.memory_space<hbm>> -> memref<1x80x128xi32, #tpu.memory_space<hbm>>
      %dma_wait3A_22 = tpu.memref_squeeze %dma_wait3A_21 : memref<1x80x128xi32, #tpu.memory_space<hbm>> -> memref<80x128xi32, #tpu.memory_space<hbm>>
      %dma_wait3A_23 = arith.constant 0 : i32
      %dma_wait3A_24 = arith.constant 0 : i32
      %dma_wait3A_25 = tpu.memref_slice %arg2[%add3A, %dma_wait3A_23, %dma_wait3A_24] : memref<32x80x128xi32, #tpu.memory_space<hbm>> -> memref<1x80x128xi32, #tpu.memory_space<hbm>>
      %dma_wait3A_26 = tpu.memref_squeeze %dma_wait3A_25 : memref<1x80x128xi32, #tpu.memory_space<hbm>> -> memref<80x128xi32, #tpu.memory_space<hbm>>
      tpu.wait_dma2 semaphore(%run_scoped3A : memref<!tpu.dma_semaphore, #tpu.memory_space<semaphore_mem>>) src(%dma_wait3A_26 : memref<80x128xi32, #tpu.memory_space<hbm>>) dst(%arg6 : memref<80x128xi32, #tpu.memory_space<vmem>>)
      tpu.yield
    }) : () -> ()
    "tpu.region"() ({
      %run_scoped3A = tpu.sem_alloc : memref<!tpu.dma_semaphore, #tpu.memory_space<semaphore_mem>>
      tpu.enqueue_dma source(%arg3 : memref<128x16xf32, #tpu.memory_space<hbm>>) target(%arg7 : memref<128x16xf32, #tpu.memory_space<vmem>>) target_semaphore(%run_scoped3A : memref<!tpu.dma_semaphore, #tpu.memory_space<semaphore_mem>>)
      tpu.wait_dma2 semaphore(%run_scoped3A : memref<!tpu.dma_semaphore, #tpu.memory_space<semaphore_mem>>) src(%arg3 : memref<128x16xf32, #tpu.memory_space<hbm>>) dst(%arg7 : memref<128x16xf32, #tpu.memory_space<vmem>>)
      tpu.yield
    }) : () -> ()
    %barrier3A = arith.constant 0 : index
    tpu.barrier barrier_id(%barrier3A)
    %scan3A = arith.constant 0 : i32
    %scan3A_3 = arith.constant 0 : i32
    %scan3A_4 = arith.constant 80 : i32
    %scan3A_5 = arith.addi %scan3A_3, %scan3A_4 : i32
    %scan3A_6 = arith.constant 1 : i32
    scf.for %scan3A_13 = %scan3A_3 to %scan3A_5 step %scan3A_6  : i32 {
      "tpu.region"() ({
        %run_scoped3A = tpu.sem_alloc : memref<!tpu.dma_semaphore, #tpu.memory_space<semaphore_mem>>
        %dma_start3A = arith.constant 0 : i32
        %dma_start3A_14 = tpu.memref_slice %arg6[%scan3A_13, %dma_start3A] : memref<80x128xi32, #tpu.memory_space<vmem>> -> memref<1x128xi32, #tpu.memory_space<vmem>>
        %dma_start3A_15 = tpu.memref_squeeze %dma_start3A_14 : memref<1x128xi32, #tpu.memory_space<vmem>> -> memref<128xi32, #tpu.memory_space<vmem>>
        %dma_start3A_16 = arith.constant 0 : i32
        %dma_start3A_17 = arith.constant 0 : i32
        %dma_start3A_18 = tpu.memref_slice %arg8[%dma_start3A_16, %dma_start3A_17] : memref<10240x16xf32, #tpu.memory_space<vmem_shared>> -> memref<10240x16xf32, #tpu.memory_space<vmem_shared>>
        tpu.enqueue_indirect_dma source(%arg7 : memref<128x16xf32, #tpu.memory_space<vmem>>) target(%dma_start3A_18 : memref<10240x16xf32, #tpu.memory_space<vmem_shared>>) offsets(%dma_start3A_15 : memref<128xi32, #tpu.memory_space<vmem>>) semaphore(%run_scoped3A : memref<!tpu.dma_semaphore, #tpu.memory_space<semaphore_mem>>) {add = true}
        %dma_wait3A = arith.constant 0 : i32
        %dma_wait3A_19 = tpu.memref_slice %arg6[%scan3A_13, %dma_wait3A] : memref<80x128xi32, #tpu.memory_space<vmem>> -> memref<1x128xi32, #tpu.memory_space<vmem>>
        %dma_wait3A_20 = tpu.memref_squeeze %dma_wait3A_19 : memref<1x128xi32, #tpu.memory_space<vmem>> -> memref<128xi32, #tpu.memory_space<vmem>>
        %dma_wait3A_21 = arith.constant 0 : i32
        %dma_wait3A_22 = arith.constant 0 : i32
        %dma_wait3A_23 = tpu.memref_slice %arg8[%dma_wait3A_21, %dma_wait3A_22] : memref<10240x16xf32, #tpu.memory_space<vmem_shared>> -> memref<10240x16xf32, #tpu.memory_space<vmem_shared>>
        tpu.wait_indirect_dma semaphore(%run_scoped3A : memref<!tpu.dma_semaphore, #tpu.memory_space<semaphore_mem>>) src(%arg7 : memref<128x16xf32, #tpu.memory_space<vmem>>) dst(%dma_wait3A_23 : memref<10240x16xf32, #tpu.memory_space<vmem_shared>>)
        tpu.yield
      }) : () -> ()
    }
    %scan3A_7 = arith.constant 80 : i32
    %barrier3A_8 = arith.constant 0 : index
    tpu.barrier barrier_id(%barrier3A_8)
    %mul3A_9 = arith.constant 640 : i32
    %mul3A_10 = arith.muli %arg1, %mul3A_9 : i32
    %mul3A_11 = arith.constant 640 : i32
    %mul3A_12 = arith.muli %arg1, %mul3A_11 : i32
    "tpu.region"() ({
      %run_scoped3A = tpu.sem_alloc : memref<!tpu.dma_semaphore, #tpu.memory_space<semaphore_mem>>
      %dma_start3A = arith.constant 0 : i32
      %dma_start3A_13 = arith.constant 0 : i32
      %dma_start3A_14 = tpu.memref_slice %arg5[%arg0, %dma_start3A, %dma_start3A_13] : memref<2x10240x16xf32, #tpu.memory_space<hbm>> -> memref<1x10240x16xf32, #tpu.memory_space<hbm>>
      %dma_start3A_15 = tpu.memref_squeeze %dma_start3A_14 : memref<1x10240x16xf32, #tpu.memory_space<hbm>> -> memref<10240x16xf32, #tpu.memory_space<hbm>>
      %dma_start3A_16 = arith.constant 0 : i32
      %dma_start3A_17 = tpu.memref_slice %dma_start3A_15[%mul3A_12, %dma_start3A_16] : memref<10240x16xf32, #tpu.memory_space<hbm>> -> memref<640x16xf32, #tpu.memory_space<hbm>>
      %dma_start3A_18 = arith.constant 0 : i32
      %dma_start3A_19 = tpu.memref_slice %arg8[%mul3A_10, %dma_start3A_18] : memref<10240x16xf32, #tpu.memory_space<vmem_shared>> -> memref<640x16xf32, #tpu.memory_space<vmem_shared>>
      tpu.enqueue_dma source(%dma_start3A_19 : memref<640x16xf32, #tpu.memory_space<vmem_shared>>) target(%dma_start3A_17 : memref<640x16xf32, #tpu.memory_space<hbm>>) target_semaphore(%run_scoped3A : memref<!tpu.dma_semaphore, #tpu.memory_space<semaphore_mem>>)
      %dma_wait3A = arith.constant 0 : i32
      %dma_wait3A_20 = arith.constant 0 : i32
      %dma_wait3A_21 = tpu.memref_slice %arg5[%arg0, %dma_wait3A, %dma_wait3A_20] : memref<2x10240x16xf32, #tpu.memory_space<hbm>> -> memref<1x10240x16xf32, #tpu.memory_space<hbm>>
      %dma_wait3A_22 = tpu.memref_squeeze %dma_wait3A_21 : memref<1x10240x16xf32, #tpu.memory_space<hbm>> -> memref<10240x16xf32, #tpu.memory_space<hbm>>
      %dma_wait3A_23 = arith.constant 0 : i32
      %dma_wait3A_24 = tpu.memref_slice %dma_wait3A_22[%mul3A_12, %dma_wait3A_23] : memref<10240x16xf32, #tpu.memory_space<hbm>> -> memref<640x16xf32, #tpu.memory_space<hbm>>
      %dma_wait3A_25 = arith.constant 0 : i32
      %dma_wait3A_26 = tpu.memref_slice %arg8[%mul3A_10, %dma_wait3A_25] : memref<10240x16xf32, #tpu.memory_space<vmem_shared>> -> memref<640x16xf32, #tpu.memory_space<vmem_shared>>
      tpu.wait_dma2 semaphore(%run_scoped3A : memref<!tpu.dma_semaphore, #tpu.memory_space<semaphore_mem>>) src(%dma_wait3A_26 : memref<640x16xf32, #tpu.memory_space<vmem_shared>>) dst(%dma_wait3A_24 : memref<640x16xf32, #tpu.memory_space<hbm>>)
      tpu.yield
    }) : () -> ()
    return
  }
}

#map = affine_map<(d0, d1) -> (0, 0)>
#map1 = affine_map<(d0, d1) -> (0, 0, 0)>
module attributes {stable_mosaic.version = 14 : i64} {
  func.func @prop(%arg0: i32, %arg1: i32, %arg2: memref<10240x64xf32, #tpu.memory_space<hbm>>, %arg3: memref<2560x128xi32, #tpu.memory_space<hbm>>, %arg4: memref<2560x128xi32, #tpu.memory_space<hbm>>, %arg5: memref<640x64xf32, #tpu.memory_space<hbm>>, %arg6: memref<2x10240x64xf32, #tpu.memory_space<hbm>>, %arg7: memref<136x128xi32, #tpu.memory_space<vmem>>, %arg8: memref<136x128xi32, #tpu.memory_space<vmem>>, %arg9: memref<128x64xf32, #tpu.memory_space<vmem>>, %arg10: memref<128x64xf32, #tpu.memory_space<vmem>>, %arg11: memref<10240x64xf32, #tpu.memory_space<vmem_shared>>, %arg12: memref<!tpu.dma_semaphore, #tpu.memory_space<semaphore_mem>>, %arg13: memref<!tpu.dma_semaphore, #tpu.memory_space<semaphore_mem>>) attributes {dimension_semantics = [#tpu.dimension_semantics<core_parallel>, #tpu.dimension_semantics<subcore_parallel>], iteration_bounds = array<i64: 2, 16>, scalar_prefetch = 0 : i64, scratch_operands = 7 : i64, tpu.core_type = #tpu.core_type<sc_vector_subcore>, window_params = [{transform_indices = #map}, {transform_indices = #map}, {transform_indices = #map}, {transform_indices = #map}, {transform_indices = #map1}]} {
    %lt3A = arith.constant 2 : i32
    %lt3A_0 = arith.cmpi slt, %arg0, %lt3A : i32
    %convert_element_type3A = arith.extui %lt3A_0 : i1 to i32
    %cond3A = arith.constant 0 : i32
    %cond3A_1 = arith.cmpi ne, %convert_element_type3A, %cond3A : i32
    scf.if %cond3A_1 {
      %mul3A = arith.constant 640 : i32
      %mul3A_17 = arith.muli %arg1, %mul3A : i32
      "tpu.region"() ({
        %run_scoped3A = tpu.sem_alloc : memref<!tpu.dma_semaphore, #tpu.memory_space<semaphore_mem>>
        %dma_start3A = arith.constant 0 : i32
        %dma_start3A_18 = tpu.memref_slice %arg11[%mul3A_17, %dma_start3A] : memref<10240x64xf32, #tpu.memory_space<vmem_shared>> -> memref<640x64xf32, #tpu.memory_space<vmem_shared>>
        tpu.enqueue_dma source(%arg5 : memref<640x64xf32, #tpu.memory_space<hbm>>) target(%dma_start3A_18 : memref<640x64xf32, #tpu.memory_space<vmem_shared>>) target_semaphore(%run_scoped3A : memref<!tpu.dma_semaphore, #tpu.memory_space<semaphore_mem>>)
        %dma_wait3A = arith.constant 0 : i32
        %dma_wait3A_19 = tpu.memref_slice %arg11[%mul3A_17, %dma_wait3A] : memref<10240x64xf32, #tpu.memory_space<vmem_shared>> -> memref<640x64xf32, #tpu.memory_space<vmem_shared>>
        tpu.wait_dma2 semaphore(%run_scoped3A : memref<!tpu.dma_semaphore, #tpu.memory_space<semaphore_mem>>) src(%arg5 : memref<640x64xf32, #tpu.memory_space<hbm>>) dst(%dma_wait3A_19 : memref<640x64xf32, #tpu.memory_space<vmem_shared>>)
        tpu.yield
      }) : () -> ()
    } else {
    }
    %barrier3A = arith.constant 0 : index
    tpu.barrier barrier_id(%barrier3A)
    %eq3A = arith.constant 0 : i32
    %eq3A_2 = arith.cmpi eq, %arg0, %eq3A : i32
    %convert_element_type3A_3 = arith.extui %eq3A_2 : i1 to i32
    %cond3A_4 = arith.constant 0 : i32
    %cond3A_5 = arith.cmpi ne, %convert_element_type3A_3, %cond3A_4 : i32
    scf.if %cond3A_5 {
      %mul3A = arith.constant 136 : i32
      %mul3A_17 = arith.muli %arg1, %mul3A : i32
      "tpu.region"() ({
        %run_scoped3A = tpu.sem_alloc : memref<!tpu.dma_semaphore, #tpu.memory_space<semaphore_mem>>
        %dma_start3A_29 = arith.constant 0 : i32
        %dma_start3A_30 = arith.constant 0 : i32
        %dma_start3A_31 = tpu.memref_slice %arg7[%dma_start3A_29, %dma_start3A_30] : memref<136x128xi32, #tpu.memory_space<vmem>> -> memref<136x128xi32, #tpu.memory_space<vmem>>
        %dma_start3A_32 = arith.constant 0 : i32
        %dma_start3A_33 = tpu.memref_slice %arg3[%mul3A_17, %dma_start3A_32] : memref<2560x128xi32, #tpu.memory_space<hbm>> -> memref<136x128xi32, #tpu.memory_space<hbm>>
        %dma_start3A_34 = arith.constant 0 : i32
        %dma_start3A_35 = arith.constant 0 : i32
        %dma_start3A_36 = tpu.memref_slice %arg7[%dma_start3A_34, %dma_start3A_35] : memref<136x128xi32, #tpu.memory_space<vmem>> -> memref<136x128xi32, #tpu.memory_space<vmem>>
        %dma_start3A_37 = arith.constant 0 : i32
        %dma_start3A_38 = tpu.memref_slice %arg3[%mul3A_17, %dma_start3A_37] : memref<2560x128xi32, #tpu.memory_space<hbm>> -> memref<136x128xi32, #tpu.memory_space<hbm>>
        tpu.enqueue_dma source(%dma_start3A_38 : memref<136x128xi32, #tpu.memory_space<hbm>>) target(%dma_start3A_36 : memref<136x128xi32, #tpu.memory_space<vmem>>) target_semaphore(%run_scoped3A : memref<!tpu.dma_semaphore, #tpu.memory_space<semaphore_mem>>)
        %dma_wait3A = arith.constant 0 : i32
        %dma_wait3A_39 = arith.constant 0 : i32
        %dma_wait3A_40 = tpu.memref_slice %arg7[%dma_wait3A, %dma_wait3A_39] : memref<136x128xi32, #tpu.memory_space<vmem>> -> memref<136x128xi32, #tpu.memory_space<vmem>>
        %dma_wait3A_41 = arith.constant 0 : i32
        %dma_wait3A_42 = tpu.memref_slice %arg3[%mul3A_17, %dma_wait3A_41] : memref<2560x128xi32, #tpu.memory_space<hbm>> -> memref<136x128xi32, #tpu.memory_space<hbm>>
        %dma_wait3A_43 = arith.constant 0 : i32
        %dma_wait3A_44 = arith.constant 0 : i32
        %dma_wait3A_45 = tpu.memref_slice %arg7[%dma_wait3A_43, %dma_wait3A_44] : memref<136x128xi32, #tpu.memory_space<vmem>> -> memref<136x128xi32, #tpu.memory_space<vmem>>
        %dma_wait3A_46 = arith.constant 0 : i32
        %dma_wait3A_47 = tpu.memref_slice %arg3[%mul3A_17, %dma_wait3A_46] : memref<2560x128xi32, #tpu.memory_space<hbm>> -> memref<136x128xi32, #tpu.memory_space<hbm>>
        tpu.wait_dma2 semaphore(%run_scoped3A : memref<!tpu.dma_semaphore, #tpu.memory_space<semaphore_mem>>) src(%dma_wait3A_47 : memref<136x128xi32, #tpu.memory_space<hbm>>) dst(%dma_wait3A_45 : memref<136x128xi32, #tpu.memory_space<vmem>>)
        tpu.yield
      }) : () -> ()
      "tpu.region"() ({
        %run_scoped3A = tpu.sem_alloc : memref<!tpu.dma_semaphore, #tpu.memory_space<semaphore_mem>>
        %dma_start3A_29 = arith.constant 0 : i32
        %dma_start3A_30 = arith.constant 0 : i32
        %dma_start3A_31 = tpu.memref_slice %arg8[%dma_start3A_29, %dma_start3A_30] : memref<136x128xi32, #tpu.memory_space<vmem>> -> memref<136x128xi32, #tpu.memory_space<vmem>>
        %dma_start3A_32 = arith.constant 0 : i32
        %dma_start3A_33 = tpu.memref_slice %arg4[%mul3A_17, %dma_start3A_32] : memref<2560x128xi32, #tpu.memory_space<hbm>> -> memref<136x128xi32, #tpu.memory_space<hbm>>
        %dma_start3A_34 = arith.constant 0 : i32
        %dma_start3A_35 = arith.constant 0 : i32
        %dma_start3A_36 = tpu.memref_slice %arg8[%dma_start3A_34, %dma_start3A_35] : memref<136x128xi32, #tpu.memory_space<vmem>> -> memref<136x128xi32, #tpu.memory_space<vmem>>
        %dma_start3A_37 = arith.constant 0 : i32
        %dma_start3A_38 = tpu.memref_slice %arg4[%mul3A_17, %dma_start3A_37] : memref<2560x128xi32, #tpu.memory_space<hbm>> -> memref<136x128xi32, #tpu.memory_space<hbm>>
        tpu.enqueue_dma source(%dma_start3A_38 : memref<136x128xi32, #tpu.memory_space<hbm>>) target(%dma_start3A_36 : memref<136x128xi32, #tpu.memory_space<vmem>>) target_semaphore(%run_scoped3A : memref<!tpu.dma_semaphore, #tpu.memory_space<semaphore_mem>>)
        %dma_wait3A = arith.constant 0 : i32
        %dma_wait3A_39 = arith.constant 0 : i32
        %dma_wait3A_40 = tpu.memref_slice %arg8[%dma_wait3A, %dma_wait3A_39] : memref<136x128xi32, #tpu.memory_space<vmem>> -> memref<136x128xi32, #tpu.memory_space<vmem>>
        %dma_wait3A_41 = arith.constant 0 : i32
        %dma_wait3A_42 = tpu.memref_slice %arg4[%mul3A_17, %dma_wait3A_41] : memref<2560x128xi32, #tpu.memory_space<hbm>> -> memref<136x128xi32, #tpu.memory_space<hbm>>
        %dma_wait3A_43 = arith.constant 0 : i32
        %dma_wait3A_44 = arith.constant 0 : i32
        %dma_wait3A_45 = tpu.memref_slice %arg8[%dma_wait3A_43, %dma_wait3A_44] : memref<136x128xi32, #tpu.memory_space<vmem>> -> memref<136x128xi32, #tpu.memory_space<vmem>>
        %dma_wait3A_46 = arith.constant 0 : i32
        %dma_wait3A_47 = tpu.memref_slice %arg4[%mul3A_17, %dma_wait3A_46] : memref<2560x128xi32, #tpu.memory_space<hbm>> -> memref<136x128xi32, #tpu.memory_space<hbm>>
        tpu.wait_dma2 semaphore(%run_scoped3A : memref<!tpu.dma_semaphore, #tpu.memory_space<semaphore_mem>>) src(%dma_wait3A_47 : memref<136x128xi32, #tpu.memory_space<hbm>>) dst(%dma_wait3A_45 : memref<136x128xi32, #tpu.memory_space<vmem>>)
        tpu.yield
      }) : () -> ()
      %dma_start3A = arith.constant 0 : i32
      %dma_start3A_18 = arith.constant 0 : i32
      %dma_start3A_19 = tpu.memref_slice %arg7[%dma_start3A, %dma_start3A_18] : memref<136x128xi32, #tpu.memory_space<vmem>> -> memref<1x128xi32, #tpu.memory_space<vmem>>
      %dma_start3A_20 = tpu.memref_squeeze %dma_start3A_19 : memref<1x128xi32, #tpu.memory_space<vmem>> -> memref<128xi32, #tpu.memory_space<vmem>>
      %dma_start3A_21 = arith.constant 0 : i32
      %dma_start3A_22 = arith.constant 0 : i32
      %dma_start3A_23 = tpu.memref_slice %arg2[%dma_start3A_21, %dma_start3A_22] : memref<10240x64xf32, #tpu.memory_space<hbm>> -> memref<10240x64xf32, #tpu.memory_space<hbm>>
      tpu.enqueue_indirect_dma source(%dma_start3A_23 : memref<10240x64xf32, #tpu.memory_space<hbm>>) target(%arg9 : memref<128x64xf32, #tpu.memory_space<vmem>>) offsets(%dma_start3A_20 : memref<128xi32, #tpu.memory_space<vmem>>) semaphore(%arg12 : memref<!tpu.dma_semaphore, #tpu.memory_space<semaphore_mem>>)
      %scan3A = arith.constant 0 : i32
      %scan3A_24 = arith.constant 0 : i32
      %scan3A_25 = arith.constant 68 : i32
      %scan3A_26 = arith.addi %scan3A_24, %scan3A_25 : i32
      %scan3A_27 = arith.constant 1 : i32
      scf.for %scan3A_29 = %scan3A_24 to %scan3A_26 step %scan3A_27  : i32 {
        %mul3A_30 = arith.constant 2 : i32
        %mul3A_31 = arith.muli %mul3A_30, %scan3A_29 : i32
        %add3A = arith.constant 0 : i32
        %add3A_32 = arith.addi %mul3A_31, %add3A : i32
        %dma_wait3A = arith.constant 0 : i32
        %dma_wait3A_33 = tpu.memref_slice %arg7[%add3A_32, %dma_wait3A] : memref<136x128xi32, #tpu.memory_space<vmem>> -> memref<1x128xi32, #tpu.memory_space<vmem>>
        %dma_wait3A_34 = tpu.memref_squeeze %dma_wait3A_33 : memref<1x128xi32, #tpu.memory_space<vmem>> -> memref<128xi32, #tpu.memory_space<vmem>>
        %dma_wait3A_35 = arith.constant 0 : i32
        %dma_wait3A_36 = arith.constant 0 : i32
        %dma_wait3A_37 = tpu.memref_slice %arg2[%dma_wait3A_35, %dma_wait3A_36] : memref<10240x64xf32, #tpu.memory_space<hbm>> -> memref<10240x64xf32, #tpu.memory_space<hbm>>
        tpu.wait_indirect_dma semaphore(%arg12 : memref<!tpu.dma_semaphore, #tpu.memory_space<semaphore_mem>>) src(%dma_wait3A_37 : memref<10240x64xf32, #tpu.memory_space<hbm>>) dst(%arg9 : memref<128x64xf32, #tpu.memory_space<vmem>>)
        %add3A_38 = arith.constant 1 : i32
        %add3A_39 = arith.addi %add3A_32, %add3A_38 : i32
        %lt3A_40 = arith.constant 136 : i32
        %lt3A_41 = arith.cmpi slt, %add3A_39, %lt3A_40 : i32
        %convert_element_type3A_42 = arith.extui %lt3A_41 : i1 to i32
        %cond3A_43 = arith.constant 0 : i32
        %cond3A_44 = arith.cmpi ne, %convert_element_type3A_42, %cond3A_43 : i32
        scf.if %cond3A_44 {
          %add3A_62 = arith.constant 1 : i32
          %add3A_63 = arith.addi %add3A_32, %add3A_62 : i32
          %dma_start3A_64 = arith.constant 0 : i32
          %dma_start3A_65 = tpu.memref_slice %arg7[%add3A_63, %dma_start3A_64] : memref<136x128xi32, #tpu.memory_space<vmem>> -> memref<1x128xi32, #tpu.memory_space<vmem>>
          %dma_start3A_66 = tpu.memref_squeeze %dma_start3A_65 : memref<1x128xi32, #tpu.memory_space<vmem>> -> memref<128xi32, #tpu.memory_space<vmem>>
          %dma_start3A_67 = arith.constant 0 : i32
          %dma_start3A_68 = arith.constant 0 : i32
          %dma_start3A_69 = tpu.memref_slice %arg2[%dma_start3A_67, %dma_start3A_68] : memref<10240x64xf32, #tpu.memory_space<hbm>> -> memref<10240x64xf32, #tpu.memory_space<hbm>>
          tpu.enqueue_indirect_dma source(%dma_start3A_69 : memref<10240x64xf32, #tpu.memory_space<hbm>>) target(%arg10 : memref<128x64xf32, #tpu.memory_space<vmem>>) offsets(%dma_start3A_66 : memref<128xi32, #tpu.memory_space<vmem>>) semaphore(%arg13 : memref<!tpu.dma_semaphore, #tpu.memory_space<semaphore_mem>>)
        } else {
        }
        "tpu.region"() ({
          %run_scoped3A = tpu.sem_alloc : memref<!tpu.dma_semaphore, #tpu.memory_space<semaphore_mem>>
          %dma_start3A_62 = arith.constant 0 : i32
          %dma_start3A_63 = tpu.memref_slice %arg8[%add3A_32, %dma_start3A_62] : memref<136x128xi32, #tpu.memory_space<vmem>> -> memref<1x128xi32, #tpu.memory_space<vmem>>
          %dma_start3A_64 = tpu.memref_squeeze %dma_start3A_63 : memref<1x128xi32, #tpu.memory_space<vmem>> -> memref<128xi32, #tpu.memory_space<vmem>>
          %dma_start3A_65 = arith.constant 0 : i32
          %dma_start3A_66 = arith.constant 0 : i32
          %dma_start3A_67 = tpu.memref_slice %arg11[%dma_start3A_65, %dma_start3A_66] : memref<10240x64xf32, #tpu.memory_space<vmem_shared>> -> memref<10240x64xf32, #tpu.memory_space<vmem_shared>>
          tpu.enqueue_indirect_dma source(%arg9 : memref<128x64xf32, #tpu.memory_space<vmem>>) target(%dma_start3A_67 : memref<10240x64xf32, #tpu.memory_space<vmem_shared>>) offsets(%dma_start3A_64 : memref<128xi32, #tpu.memory_space<vmem>>) semaphore(%run_scoped3A : memref<!tpu.dma_semaphore, #tpu.memory_space<semaphore_mem>>) {add = true}
          %dma_wait3A_68 = arith.constant 0 : i32
          %dma_wait3A_69 = tpu.memref_slice %arg8[%add3A_32, %dma_wait3A_68] : memref<136x128xi32, #tpu.memory_space<vmem>> -> memref<1x128xi32, #tpu.memory_space<vmem>>
          %dma_wait3A_70 = tpu.memref_squeeze %dma_wait3A_69 : memref<1x128xi32, #tpu.memory_space<vmem>> -> memref<128xi32, #tpu.memory_space<vmem>>
          %dma_wait3A_71 = arith.constant 0 : i32
          %dma_wait3A_72 = arith.constant 0 : i32
          %dma_wait3A_73 = tpu.memref_slice %arg11[%dma_wait3A_71, %dma_wait3A_72] : memref<10240x64xf32, #tpu.memory_space<vmem_shared>> -> memref<10240x64xf32, #tpu.memory_space<vmem_shared>>
          tpu.wait_indirect_dma semaphore(%run_scoped3A : memref<!tpu.dma_semaphore, #tpu.memory_space<semaphore_mem>>) src(%arg9 : memref<128x64xf32, #tpu.memory_space<vmem>>) dst(%dma_wait3A_73 : memref<10240x64xf32, #tpu.memory_space<vmem_shared>>)
          tpu.yield
        }) : () -> ()
        %mul3A_45 = arith.constant 2 : i32
        %mul3A_46 = arith.muli %mul3A_45, %scan3A_29 : i32
        %add3A_47 = arith.constant 1 : i32
        %add3A_48 = arith.addi %mul3A_46, %add3A_47 : i32
        %dma_wait3A_49 = arith.constant 0 : i32
        %dma_wait3A_50 = tpu.memref_slice %arg7[%add3A_48, %dma_wait3A_49] : memref<136x128xi32, #tpu.memory_space<vmem>> -> memref<1x128xi32, #tpu.memory_space<vmem>>
        %dma_wait3A_51 = tpu.memref_squeeze %dma_wait3A_50 : memref<1x128xi32, #tpu.memory_space<vmem>> -> memref<128xi32, #tpu.memory_space<vmem>>
        %dma_wait3A_52 = arith.constant 0 : i32
        %dma_wait3A_53 = arith.constant 0 : i32
        %dma_wait3A_54 = tpu.memref_slice %arg2[%dma_wait3A_52, %dma_wait3A_53] : memref<10240x64xf32, #tpu.memory_space<hbm>> -> memref<10240x64xf32, #tpu.memory_space<hbm>>
        tpu.wait_indirect_dma semaphore(%arg13 : memref<!tpu.dma_semaphore, #tpu.memory_space<semaphore_mem>>) src(%dma_wait3A_54 : memref<10240x64xf32, #tpu.memory_space<hbm>>) dst(%arg10 : memref<128x64xf32, #tpu.memory_space<vmem>>)
        %add3A_55 = arith.constant 1 : i32
        %add3A_56 = arith.addi %add3A_48, %add3A_55 : i32
        %lt3A_57 = arith.constant 136 : i32
        %lt3A_58 = arith.cmpi slt, %add3A_56, %lt3A_57 : i32
        %convert_element_type3A_59 = arith.extui %lt3A_58 : i1 to i32
        %cond3A_60 = arith.constant 0 : i32
        %cond3A_61 = arith.cmpi ne, %convert_element_type3A_59, %cond3A_60 : i32
        scf.if %cond3A_61 {
          %add3A_62 = arith.constant 1 : i32
          %add3A_63 = arith.addi %add3A_48, %add3A_62 : i32
          %dma_start3A_64 = arith.constant 0 : i32
          %dma_start3A_65 = tpu.memref_slice %arg7[%add3A_63, %dma_start3A_64] : memref<136x128xi32, #tpu.memory_space<vmem>> -> memref<1x128xi32, #tpu.memory_space<vmem>>
          %dma_start3A_66 = tpu.memref_squeeze %dma_start3A_65 : memref<1x128xi32, #tpu.memory_space<vmem>> -> memref<128xi32, #tpu.memory_space<vmem>>
          %dma_start3A_67 = arith.constant 0 : i32
          %dma_start3A_68 = arith.constant 0 : i32
          %dma_start3A_69 = tpu.memref_slice %arg2[%dma_start3A_67, %dma_start3A_68] : memref<10240x64xf32, #tpu.memory_space<hbm>> -> memref<10240x64xf32, #tpu.memory_space<hbm>>
          tpu.enqueue_indirect_dma source(%dma_start3A_69 : memref<10240x64xf32, #tpu.memory_space<hbm>>) target(%arg9 : memref<128x64xf32, #tpu.memory_space<vmem>>) offsets(%dma_start3A_66 : memref<128xi32, #tpu.memory_space<vmem>>) semaphore(%arg12 : memref<!tpu.dma_semaphore, #tpu.memory_space<semaphore_mem>>)
        } else {
        }
        "tpu.region"() ({
          %run_scoped3A = tpu.sem_alloc : memref<!tpu.dma_semaphore, #tpu.memory_space<semaphore_mem>>
          %dma_start3A_62 = arith.constant 0 : i32
          %dma_start3A_63 = tpu.memref_slice %arg8[%add3A_48, %dma_start3A_62] : memref<136x128xi32, #tpu.memory_space<vmem>> -> memref<1x128xi32, #tpu.memory_space<vmem>>
          %dma_start3A_64 = tpu.memref_squeeze %dma_start3A_63 : memref<1x128xi32, #tpu.memory_space<vmem>> -> memref<128xi32, #tpu.memory_space<vmem>>
          %dma_start3A_65 = arith.constant 0 : i32
          %dma_start3A_66 = arith.constant 0 : i32
          %dma_start3A_67 = tpu.memref_slice %arg11[%dma_start3A_65, %dma_start3A_66] : memref<10240x64xf32, #tpu.memory_space<vmem_shared>> -> memref<10240x64xf32, #tpu.memory_space<vmem_shared>>
          tpu.enqueue_indirect_dma source(%arg10 : memref<128x64xf32, #tpu.memory_space<vmem>>) target(%dma_start3A_67 : memref<10240x64xf32, #tpu.memory_space<vmem_shared>>) offsets(%dma_start3A_64 : memref<128xi32, #tpu.memory_space<vmem>>) semaphore(%run_scoped3A : memref<!tpu.dma_semaphore, #tpu.memory_space<semaphore_mem>>) {add = true}
          %dma_wait3A_68 = arith.constant 0 : i32
          %dma_wait3A_69 = tpu.memref_slice %arg8[%add3A_48, %dma_wait3A_68] : memref<136x128xi32, #tpu.memory_space<vmem>> -> memref<1x128xi32, #tpu.memory_space<vmem>>
          %dma_wait3A_70 = tpu.memref_squeeze %dma_wait3A_69 : memref<1x128xi32, #tpu.memory_space<vmem>> -> memref<128xi32, #tpu.memory_space<vmem>>
          %dma_wait3A_71 = arith.constant 0 : i32
          %dma_wait3A_72 = arith.constant 0 : i32
          %dma_wait3A_73 = tpu.memref_slice %arg11[%dma_wait3A_71, %dma_wait3A_72] : memref<10240x64xf32, #tpu.memory_space<vmem_shared>> -> memref<10240x64xf32, #tpu.memory_space<vmem_shared>>
          tpu.wait_indirect_dma semaphore(%run_scoped3A : memref<!tpu.dma_semaphore, #tpu.memory_space<semaphore_mem>>) src(%arg10 : memref<128x64xf32, #tpu.memory_space<vmem>>) dst(%dma_wait3A_73 : memref<10240x64xf32, #tpu.memory_space<vmem_shared>>)
          tpu.yield
        }) : () -> ()
      }
      %scan3A_28 = arith.constant 68 : i32
    } else {
    }
    %eq3A_6 = arith.constant 1 : i32
    %eq3A_7 = arith.cmpi eq, %arg0, %eq3A_6 : i32
    %convert_element_type3A_8 = arith.extui %eq3A_7 : i1 to i32
    %cond3A_9 = arith.constant 0 : i32
    %cond3A_10 = arith.cmpi ne, %convert_element_type3A_8, %cond3A_9 : i32
    scf.if %cond3A_10 {
      %mul3A = arith.constant 24 : i32
      %mul3A_17 = arith.muli %arg1, %mul3A : i32
      %add3A = arith.constant 2176 : i32
      %add3A_18 = arith.addi %add3A, %mul3A_17 : i32
      "tpu.region"() ({
        %run_scoped3A = tpu.sem_alloc : memref<!tpu.dma_semaphore, #tpu.memory_space<semaphore_mem>>
        %dma_start3A_30 = arith.constant 0 : i32
        %dma_start3A_31 = arith.constant 0 : i32
        %dma_start3A_32 = tpu.memref_slice %arg7[%dma_start3A_30, %dma_start3A_31] : memref<136x128xi32, #tpu.memory_space<vmem>> -> memref<24x128xi32, #tpu.memory_space<vmem>>
        %dma_start3A_33 = arith.constant 0 : i32
        %dma_start3A_34 = tpu.memref_slice %arg3[%add3A_18, %dma_start3A_33] : memref<2560x128xi32, #tpu.memory_space<hbm>> -> memref<24x128xi32, #tpu.memory_space<hbm>>
        %dma_start3A_35 = arith.constant 0 : i32
        %dma_start3A_36 = arith.constant 0 : i32
        %dma_start3A_37 = tpu.memref_slice %arg7[%dma_start3A_35, %dma_start3A_36] : memref<136x128xi32, #tpu.memory_space<vmem>> -> memref<24x128xi32, #tpu.memory_space<vmem>>
        %dma_start3A_38 = arith.constant 0 : i32
        %dma_start3A_39 = tpu.memref_slice %arg3[%add3A_18, %dma_start3A_38] : memref<2560x128xi32, #tpu.memory_space<hbm>> -> memref<24x128xi32, #tpu.memory_space<hbm>>
        tpu.enqueue_dma source(%dma_start3A_39 : memref<24x128xi32, #tpu.memory_space<hbm>>) target(%dma_start3A_37 : memref<24x128xi32, #tpu.memory_space<vmem>>) target_semaphore(%run_scoped3A : memref<!tpu.dma_semaphore, #tpu.memory_space<semaphore_mem>>)
        %dma_wait3A = arith.constant 0 : i32
        %dma_wait3A_40 = arith.constant 0 : i32
        %dma_wait3A_41 = tpu.memref_slice %arg7[%dma_wait3A, %dma_wait3A_40] : memref<136x128xi32, #tpu.memory_space<vmem>> -> memref<24x128xi32, #tpu.memory_space<vmem>>
        %dma_wait3A_42 = arith.constant 0 : i32
        %dma_wait3A_43 = tpu.memref_slice %arg3[%add3A_18, %dma_wait3A_42] : memref<2560x128xi32, #tpu.memory_space<hbm>> -> memref<24x128xi32, #tpu.memory_space<hbm>>
        %dma_wait3A_44 = arith.constant 0 : i32
        %dma_wait3A_45 = arith.constant 0 : i32
        %dma_wait3A_46 = tpu.memref_slice %arg7[%dma_wait3A_44, %dma_wait3A_45] : memref<136x128xi32, #tpu.memory_space<vmem>> -> memref<24x128xi32, #tpu.memory_space<vmem>>
        %dma_wait3A_47 = arith.constant 0 : i32
        %dma_wait3A_48 = tpu.memref_slice %arg3[%add3A_18, %dma_wait3A_47] : memref<2560x128xi32, #tpu.memory_space<hbm>> -> memref<24x128xi32, #tpu.memory_space<hbm>>
        tpu.wait_dma2 semaphore(%run_scoped3A : memref<!tpu.dma_semaphore, #tpu.memory_space<semaphore_mem>>) src(%dma_wait3A_48 : memref<24x128xi32, #tpu.memory_space<hbm>>) dst(%dma_wait3A_46 : memref<24x128xi32, #tpu.memory_space<vmem>>)
        tpu.yield
      }) : () -> ()
      "tpu.region"() ({
        %run_scoped3A = tpu.sem_alloc : memref<!tpu.dma_semaphore, #tpu.memory_space<semaphore_mem>>
        %dma_start3A_30 = arith.constant 0 : i32
        %dma_start3A_31 = arith.constant 0 : i32
        %dma_start3A_32 = tpu.memref_slice %arg8[%dma_start3A_30, %dma_start3A_31] : memref<136x128xi32, #tpu.memory_space<vmem>> -> memref<24x128xi32, #tpu.memory_space<vmem>>
        %dma_start3A_33 = arith.constant 0 : i32
        %dma_start3A_34 = tpu.memref_slice %arg4[%add3A_18, %dma_start3A_33] : memref<2560x128xi32, #tpu.memory_space<hbm>> -> memref<24x128xi32, #tpu.memory_space<hbm>>
        %dma_start3A_35 = arith.constant 0 : i32
        %dma_start3A_36 = arith.constant 0 : i32
        %dma_start3A_37 = tpu.memref_slice %arg8[%dma_start3A_35, %dma_start3A_36] : memref<136x128xi32, #tpu.memory_space<vmem>> -> memref<24x128xi32, #tpu.memory_space<vmem>>
        %dma_start3A_38 = arith.constant 0 : i32
        %dma_start3A_39 = tpu.memref_slice %arg4[%add3A_18, %dma_start3A_38] : memref<2560x128xi32, #tpu.memory_space<hbm>> -> memref<24x128xi32, #tpu.memory_space<hbm>>
        tpu.enqueue_dma source(%dma_start3A_39 : memref<24x128xi32, #tpu.memory_space<hbm>>) target(%dma_start3A_37 : memref<24x128xi32, #tpu.memory_space<vmem>>) target_semaphore(%run_scoped3A : memref<!tpu.dma_semaphore, #tpu.memory_space<semaphore_mem>>)
        %dma_wait3A = arith.constant 0 : i32
        %dma_wait3A_40 = arith.constant 0 : i32
        %dma_wait3A_41 = tpu.memref_slice %arg8[%dma_wait3A, %dma_wait3A_40] : memref<136x128xi32, #tpu.memory_space<vmem>> -> memref<24x128xi32, #tpu.memory_space<vmem>>
        %dma_wait3A_42 = arith.constant 0 : i32
        %dma_wait3A_43 = tpu.memref_slice %arg4[%add3A_18, %dma_wait3A_42] : memref<2560x128xi32, #tpu.memory_space<hbm>> -> memref<24x128xi32, #tpu.memory_space<hbm>>
        %dma_wait3A_44 = arith.constant 0 : i32
        %dma_wait3A_45 = arith.constant 0 : i32
        %dma_wait3A_46 = tpu.memref_slice %arg8[%dma_wait3A_44, %dma_wait3A_45] : memref<136x128xi32, #tpu.memory_space<vmem>> -> memref<24x128xi32, #tpu.memory_space<vmem>>
        %dma_wait3A_47 = arith.constant 0 : i32
        %dma_wait3A_48 = tpu.memref_slice %arg4[%add3A_18, %dma_wait3A_47] : memref<2560x128xi32, #tpu.memory_space<hbm>> -> memref<24x128xi32, #tpu.memory_space<hbm>>
        tpu.wait_dma2 semaphore(%run_scoped3A : memref<!tpu.dma_semaphore, #tpu.memory_space<semaphore_mem>>) src(%dma_wait3A_48 : memref<24x128xi32, #tpu.memory_space<hbm>>) dst(%dma_wait3A_46 : memref<24x128xi32, #tpu.memory_space<vmem>>)
        tpu.yield
      }) : () -> ()
      %dma_start3A = arith.constant 0 : i32
      %dma_start3A_19 = arith.constant 0 : i32
      %dma_start3A_20 = tpu.memref_slice %arg7[%dma_start3A, %dma_start3A_19] : memref<136x128xi32, #tpu.memory_space<vmem>> -> memref<1x128xi32, #tpu.memory_space<vmem>>
      %dma_start3A_21 = tpu.memref_squeeze %dma_start3A_20 : memref<1x128xi32, #tpu.memory_space<vmem>> -> memref<128xi32, #tpu.memory_space<vmem>>
      %dma_start3A_22 = arith.constant 0 : i32
      %dma_start3A_23 = arith.constant 0 : i32
      %dma_start3A_24 = tpu.memref_slice %arg2[%dma_start3A_22, %dma_start3A_23] : memref<10240x64xf32, #tpu.memory_space<hbm>> -> memref<10240x64xf32, #tpu.memory_space<hbm>>
      tpu.enqueue_indirect_dma source(%dma_start3A_24 : memref<10240x64xf32, #tpu.memory_space<hbm>>) target(%arg9 : memref<128x64xf32, #tpu.memory_space<vmem>>) offsets(%dma_start3A_21 : memref<128xi32, #tpu.memory_space<vmem>>) semaphore(%arg12 : memref<!tpu.dma_semaphore, #tpu.memory_space<semaphore_mem>>)
      %scan3A = arith.constant 0 : i32
      %scan3A_25 = arith.constant 0 : i32
      %scan3A_26 = arith.constant 12 : i32
      %scan3A_27 = arith.addi %scan3A_25, %scan3A_26 : i32
      %scan3A_28 = arith.constant 1 : i32
      scf.for %scan3A_30 = %scan3A_25 to %scan3A_27 step %scan3A_28  : i32 {
        %mul3A_31 = arith.constant 2 : i32
        %mul3A_32 = arith.muli %mul3A_31, %scan3A_30 : i32
        %add3A_33 = arith.constant 0 : i32
        %add3A_34 = arith.addi %mul3A_32, %add3A_33 : i32
        %dma_wait3A = arith.constant 0 : i32
        %dma_wait3A_35 = tpu.memref_slice %arg7[%add3A_34, %dma_wait3A] : memref<136x128xi32, #tpu.memory_space<vmem>> -> memref<1x128xi32, #tpu.memory_space<vmem>>
        %dma_wait3A_36 = tpu.memref_squeeze %dma_wait3A_35 : memref<1x128xi32, #tpu.memory_space<vmem>> -> memref<128xi32, #tpu.memory_space<vmem>>
        %dma_wait3A_37 = arith.constant 0 : i32
        %dma_wait3A_38 = arith.constant 0 : i32
        %dma_wait3A_39 = tpu.memref_slice %arg2[%dma_wait3A_37, %dma_wait3A_38] : memref<10240x64xf32, #tpu.memory_space<hbm>> -> memref<10240x64xf32, #tpu.memory_space<hbm>>
        tpu.wait_indirect_dma semaphore(%arg12 : memref<!tpu.dma_semaphore, #tpu.memory_space<semaphore_mem>>) src(%dma_wait3A_39 : memref<10240x64xf32, #tpu.memory_space<hbm>>) dst(%arg9 : memref<128x64xf32, #tpu.memory_space<vmem>>)
        %add3A_40 = arith.constant 1 : i32
        %add3A_41 = arith.addi %add3A_34, %add3A_40 : i32
        %lt3A_42 = arith.constant 24 : i32
        %lt3A_43 = arith.cmpi slt, %add3A_41, %lt3A_42 : i32
        %convert_element_type3A_44 = arith.extui %lt3A_43 : i1 to i32
        %cond3A_45 = arith.constant 0 : i32
        %cond3A_46 = arith.cmpi ne, %convert_element_type3A_44, %cond3A_45 : i32
        scf.if %cond3A_46 {
          %add3A_64 = arith.constant 1 : i32
          %add3A_65 = arith.addi %add3A_34, %add3A_64 : i32
          %dma_start3A_66 = arith.constant 0 : i32
          %dma_start3A_67 = tpu.memref_slice %arg7[%add3A_65, %dma_start3A_66] : memref<136x128xi32, #tpu.memory_space<vmem>> -> memref<1x128xi32, #tpu.memory_space<vmem>>
          %dma_start3A_68 = tpu.memref_squeeze %dma_start3A_67 : memref<1x128xi32, #tpu.memory_space<vmem>> -> memref<128xi32, #tpu.memory_space<vmem>>
          %dma_start3A_69 = arith.constant 0 : i32
          %dma_start3A_70 = arith.constant 0 : i32
          %dma_start3A_71 = tpu.memref_slice %arg2[%dma_start3A_69, %dma_start3A_70] : memref<10240x64xf32, #tpu.memory_space<hbm>> -> memref<10240x64xf32, #tpu.memory_space<hbm>>
          tpu.enqueue_indirect_dma source(%dma_start3A_71 : memref<10240x64xf32, #tpu.memory_space<hbm>>) target(%arg10 : memref<128x64xf32, #tpu.memory_space<vmem>>) offsets(%dma_start3A_68 : memref<128xi32, #tpu.memory_space<vmem>>) semaphore(%arg13 : memref<!tpu.dma_semaphore, #tpu.memory_space<semaphore_mem>>)
        } else {
        }
        "tpu.region"() ({
          %run_scoped3A = tpu.sem_alloc : memref<!tpu.dma_semaphore, #tpu.memory_space<semaphore_mem>>
          %dma_start3A_64 = arith.constant 0 : i32
          %dma_start3A_65 = tpu.memref_slice %arg8[%add3A_34, %dma_start3A_64] : memref<136x128xi32, #tpu.memory_space<vmem>> -> memref<1x128xi32, #tpu.memory_space<vmem>>
          %dma_start3A_66 = tpu.memref_squeeze %dma_start3A_65 : memref<1x128xi32, #tpu.memory_space<vmem>> -> memref<128xi32, #tpu.memory_space<vmem>>
          %dma_start3A_67 = arith.constant 0 : i32
          %dma_start3A_68 = arith.constant 0 : i32
          %dma_start3A_69 = tpu.memref_slice %arg11[%dma_start3A_67, %dma_start3A_68] : memref<10240x64xf32, #tpu.memory_space<vmem_shared>> -> memref<10240x64xf32, #tpu.memory_space<vmem_shared>>
          tpu.enqueue_indirect_dma source(%arg9 : memref<128x64xf32, #tpu.memory_space<vmem>>) target(%dma_start3A_69 : memref<10240x64xf32, #tpu.memory_space<vmem_shared>>) offsets(%dma_start3A_66 : memref<128xi32, #tpu.memory_space<vmem>>) semaphore(%run_scoped3A : memref<!tpu.dma_semaphore, #tpu.memory_space<semaphore_mem>>) {add = true}
          %dma_wait3A_70 = arith.constant 0 : i32
          %dma_wait3A_71 = tpu.memref_slice %arg8[%add3A_34, %dma_wait3A_70] : memref<136x128xi32, #tpu.memory_space<vmem>> -> memref<1x128xi32, #tpu.memory_space<vmem>>
          %dma_wait3A_72 = tpu.memref_squeeze %dma_wait3A_71 : memref<1x128xi32, #tpu.memory_space<vmem>> -> memref<128xi32, #tpu.memory_space<vmem>>
          %dma_wait3A_73 = arith.constant 0 : i32
          %dma_wait3A_74 = arith.constant 0 : i32
          %dma_wait3A_75 = tpu.memref_slice %arg11[%dma_wait3A_73, %dma_wait3A_74] : memref<10240x64xf32, #tpu.memory_space<vmem_shared>> -> memref<10240x64xf32, #tpu.memory_space<vmem_shared>>
          tpu.wait_indirect_dma semaphore(%run_scoped3A : memref<!tpu.dma_semaphore, #tpu.memory_space<semaphore_mem>>) src(%arg9 : memref<128x64xf32, #tpu.memory_space<vmem>>) dst(%dma_wait3A_75 : memref<10240x64xf32, #tpu.memory_space<vmem_shared>>)
          tpu.yield
        }) : () -> ()
        %mul3A_47 = arith.constant 2 : i32
        %mul3A_48 = arith.muli %mul3A_47, %scan3A_30 : i32
        %add3A_49 = arith.constant 1 : i32
        %add3A_50 = arith.addi %mul3A_48, %add3A_49 : i32
        %dma_wait3A_51 = arith.constant 0 : i32
        %dma_wait3A_52 = tpu.memref_slice %arg7[%add3A_50, %dma_wait3A_51] : memref<136x128xi32, #tpu.memory_space<vmem>> -> memref<1x128xi32, #tpu.memory_space<vmem>>
        %dma_wait3A_53 = tpu.memref_squeeze %dma_wait3A_52 : memref<1x128xi32, #tpu.memory_space<vmem>> -> memref<128xi32, #tpu.memory_space<vmem>>
        %dma_wait3A_54 = arith.constant 0 : i32
        %dma_wait3A_55 = arith.constant 0 : i32
        %dma_wait3A_56 = tpu.memref_slice %arg2[%dma_wait3A_54, %dma_wait3A_55] : memref<10240x64xf32, #tpu.memory_space<hbm>> -> memref<10240x64xf32, #tpu.memory_space<hbm>>
        tpu.wait_indirect_dma semaphore(%arg13 : memref<!tpu.dma_semaphore, #tpu.memory_space<semaphore_mem>>) src(%dma_wait3A_56 : memref<10240x64xf32, #tpu.memory_space<hbm>>) dst(%arg10 : memref<128x64xf32, #tpu.memory_space<vmem>>)
        %add3A_57 = arith.constant 1 : i32
        %add3A_58 = arith.addi %add3A_50, %add3A_57 : i32
        %lt3A_59 = arith.constant 24 : i32
        %lt3A_60 = arith.cmpi slt, %add3A_58, %lt3A_59 : i32
        %convert_element_type3A_61 = arith.extui %lt3A_60 : i1 to i32
        %cond3A_62 = arith.constant 0 : i32
        %cond3A_63 = arith.cmpi ne, %convert_element_type3A_61, %cond3A_62 : i32
        scf.if %cond3A_63 {
          %add3A_64 = arith.constant 1 : i32
          %add3A_65 = arith.addi %add3A_50, %add3A_64 : i32
          %dma_start3A_66 = arith.constant 0 : i32
          %dma_start3A_67 = tpu.memref_slice %arg7[%add3A_65, %dma_start3A_66] : memref<136x128xi32, #tpu.memory_space<vmem>> -> memref<1x128xi32, #tpu.memory_space<vmem>>
          %dma_start3A_68 = tpu.memref_squeeze %dma_start3A_67 : memref<1x128xi32, #tpu.memory_space<vmem>> -> memref<128xi32, #tpu.memory_space<vmem>>
          %dma_start3A_69 = arith.constant 0 : i32
          %dma_start3A_70 = arith.constant 0 : i32
          %dma_start3A_71 = tpu.memref_slice %arg2[%dma_start3A_69, %dma_start3A_70] : memref<10240x64xf32, #tpu.memory_space<hbm>> -> memref<10240x64xf32, #tpu.memory_space<hbm>>
          tpu.enqueue_indirect_dma source(%dma_start3A_71 : memref<10240x64xf32, #tpu.memory_space<hbm>>) target(%arg9 : memref<128x64xf32, #tpu.memory_space<vmem>>) offsets(%dma_start3A_68 : memref<128xi32, #tpu.memory_space<vmem>>) semaphore(%arg12 : memref<!tpu.dma_semaphore, #tpu.memory_space<semaphore_mem>>)
        } else {
        }
        "tpu.region"() ({
          %run_scoped3A = tpu.sem_alloc : memref<!tpu.dma_semaphore, #tpu.memory_space<semaphore_mem>>
          %dma_start3A_64 = arith.constant 0 : i32
          %dma_start3A_65 = tpu.memref_slice %arg8[%add3A_50, %dma_start3A_64] : memref<136x128xi32, #tpu.memory_space<vmem>> -> memref<1x128xi32, #tpu.memory_space<vmem>>
          %dma_start3A_66 = tpu.memref_squeeze %dma_start3A_65 : memref<1x128xi32, #tpu.memory_space<vmem>> -> memref<128xi32, #tpu.memory_space<vmem>>
          %dma_start3A_67 = arith.constant 0 : i32
          %dma_start3A_68 = arith.constant 0 : i32
          %dma_start3A_69 = tpu.memref_slice %arg11[%dma_start3A_67, %dma_start3A_68] : memref<10240x64xf32, #tpu.memory_space<vmem_shared>> -> memref<10240x64xf32, #tpu.memory_space<vmem_shared>>
          tpu.enqueue_indirect_dma source(%arg10 : memref<128x64xf32, #tpu.memory_space<vmem>>) target(%dma_start3A_69 : memref<10240x64xf32, #tpu.memory_space<vmem_shared>>) offsets(%dma_start3A_66 : memref<128xi32, #tpu.memory_space<vmem>>) semaphore(%run_scoped3A : memref<!tpu.dma_semaphore, #tpu.memory_space<semaphore_mem>>) {add = true}
          %dma_wait3A_70 = arith.constant 0 : i32
          %dma_wait3A_71 = tpu.memref_slice %arg8[%add3A_50, %dma_wait3A_70] : memref<136x128xi32, #tpu.memory_space<vmem>> -> memref<1x128xi32, #tpu.memory_space<vmem>>
          %dma_wait3A_72 = tpu.memref_squeeze %dma_wait3A_71 : memref<1x128xi32, #tpu.memory_space<vmem>> -> memref<128xi32, #tpu.memory_space<vmem>>
          %dma_wait3A_73 = arith.constant 0 : i32
          %dma_wait3A_74 = arith.constant 0 : i32
          %dma_wait3A_75 = tpu.memref_slice %arg11[%dma_wait3A_73, %dma_wait3A_74] : memref<10240x64xf32, #tpu.memory_space<vmem_shared>> -> memref<10240x64xf32, #tpu.memory_space<vmem_shared>>
          tpu.wait_indirect_dma semaphore(%run_scoped3A : memref<!tpu.dma_semaphore, #tpu.memory_space<semaphore_mem>>) src(%arg10 : memref<128x64xf32, #tpu.memory_space<vmem>>) dst(%dma_wait3A_75 : memref<10240x64xf32, #tpu.memory_space<vmem_shared>>)
          tpu.yield
        }) : () -> ()
      }
      %scan3A_29 = arith.constant 12 : i32
    } else {
    }
    %barrier3A_11 = arith.constant 0 : index
    tpu.barrier barrier_id(%barrier3A_11)
    %lt3A_12 = arith.constant 2 : i32
    %lt3A_13 = arith.cmpi slt, %arg0, %lt3A_12 : i32
    %convert_element_type3A_14 = arith.extui %lt3A_13 : i1 to i32
    %cond3A_15 = arith.constant 0 : i32
    %cond3A_16 = arith.cmpi ne, %convert_element_type3A_14, %cond3A_15 : i32
    scf.if %cond3A_16 {
      %mul3A = arith.constant 640 : i32
      %mul3A_17 = arith.muli %arg1, %mul3A : i32
      %mul3A_18 = arith.constant 640 : i32
      %mul3A_19 = arith.muli %arg1, %mul3A_18 : i32
      "tpu.region"() ({
        %run_scoped3A = tpu.sem_alloc : memref<!tpu.dma_semaphore, #tpu.memory_space<semaphore_mem>>
        %dma_start3A = arith.constant 0 : i32
        %dma_start3A_20 = arith.constant 0 : i32
        %dma_start3A_21 = tpu.memref_slice %arg6[%arg0, %dma_start3A, %dma_start3A_20] : memref<2x10240x64xf32, #tpu.memory_space<hbm>> -> memref<1x10240x64xf32, #tpu.memory_space<hbm>>
        %dma_start3A_22 = tpu.memref_squeeze %dma_start3A_21 : memref<1x10240x64xf32, #tpu.memory_space<hbm>> -> memref<10240x64xf32, #tpu.memory_space<hbm>>
        %dma_start3A_23 = arith.constant 0 : i32
        %dma_start3A_24 = tpu.memref_slice %dma_start3A_22[%mul3A_19, %dma_start3A_23] : memref<10240x64xf32, #tpu.memory_space<hbm>> -> memref<640x64xf32, #tpu.memory_space<hbm>>
        %dma_start3A_25 = arith.constant 0 : i32
        %dma_start3A_26 = tpu.memref_slice %arg11[%mul3A_17, %dma_start3A_25] : memref<10240x64xf32, #tpu.memory_space<vmem_shared>> -> memref<640x64xf32, #tpu.memory_space<vmem_shared>>
        tpu.enqueue_dma source(%dma_start3A_26 : memref<640x64xf32, #tpu.memory_space<vmem_shared>>) target(%dma_start3A_24 : memref<640x64xf32, #tpu.memory_space<hbm>>) target_semaphore(%run_scoped3A : memref<!tpu.dma_semaphore, #tpu.memory_space<semaphore_mem>>)
        %dma_wait3A = arith.constant 0 : i32
        %dma_wait3A_27 = arith.constant 0 : i32
        %dma_wait3A_28 = tpu.memref_slice %arg6[%arg0, %dma_wait3A, %dma_wait3A_27] : memref<2x10240x64xf32, #tpu.memory_space<hbm>> -> memref<1x10240x64xf32, #tpu.memory_space<hbm>>
        %dma_wait3A_29 = tpu.memref_squeeze %dma_wait3A_28 : memref<1x10240x64xf32, #tpu.memory_space<hbm>> -> memref<10240x64xf32, #tpu.memory_space<hbm>>
        %dma_wait3A_30 = arith.constant 0 : i32
        %dma_wait3A_31 = tpu.memref_slice %dma_wait3A_29[%mul3A_19, %dma_wait3A_30] : memref<10240x64xf32, #tpu.memory_space<hbm>> -> memref<640x64xf32, #tpu.memory_space<hbm>>
        %dma_wait3A_32 = arith.constant 0 : i32
        %dma_wait3A_33 = tpu.memref_slice %arg11[%mul3A_17, %dma_wait3A_32] : memref<10240x64xf32, #tpu.memory_space<vmem_shared>> -> memref<640x64xf32, #tpu.memory_space<vmem_shared>>
        tpu.wait_dma2 semaphore(%run_scoped3A : memref<!tpu.dma_semaphore, #tpu.memory_space<semaphore_mem>>) src(%dma_wait3A_33 : memref<640x64xf32, #tpu.memory_space<vmem_shared>>) dst(%dma_wait3A_31 : memref<640x64xf32, #tpu.memory_space<hbm>>)
        tpu.yield
      }) : () -> ()
    } else {
    }
    return
  }
}

#map = affine_map<(d0, d1) -> (0, 0)>
#map1 = affine_map<(d0, d1) -> (0, 0, 0)>
module attributes {stable_mosaic.version = 14 : i64} {
  func.func @prop(%arg0: i32, %arg1: i32, %arg2: memref<10240x16xf32, #tpu.memory_space<hbm>>, %arg3: memref<2560x128xi32, #tpu.memory_space<hbm>>, %arg4: memref<2560x128xi32, #tpu.memory_space<hbm>>, %arg5: memref<640x16xf32, #tpu.memory_space<hbm>>, %arg6: memref<2x10240x16xf32, #tpu.memory_space<hbm>>, %arg7: memref<104x128xi32, #tpu.memory_space<vmem>>, %arg8: memref<104x128xi32, #tpu.memory_space<vmem>>, %arg9: memref<128x16xf32, #tpu.memory_space<vmem>>, %arg10: memref<128x16xf32, #tpu.memory_space<vmem>>, %arg11: memref<10240x16xf32, #tpu.memory_space<vmem_shared>>, %arg12: memref<!tpu.dma_semaphore, #tpu.memory_space<semaphore_mem>>, %arg13: memref<!tpu.dma_semaphore, #tpu.memory_space<semaphore_mem>>) attributes {dimension_semantics = [#tpu.dimension_semantics<core_parallel>, #tpu.dimension_semantics<subcore_parallel>], iteration_bounds = array<i64: 2, 16>, scalar_prefetch = 0 : i64, scratch_operands = 7 : i64, tpu.core_type = #tpu.core_type<sc_vector_subcore>, window_params = [{transform_indices = #map}, {transform_indices = #map}, {transform_indices = #map}, {transform_indices = #map}, {transform_indices = #map1}]} {
    %lt3A = arith.constant 2 : i32
    %lt3A_0 = arith.cmpi slt, %arg0, %lt3A : i32
    %convert_element_type3A = arith.extui %lt3A_0 : i1 to i32
    %cond3A = arith.constant 0 : i32
    %cond3A_1 = arith.cmpi ne, %convert_element_type3A, %cond3A : i32
    scf.if %cond3A_1 {
      %mul3A = arith.constant 640 : i32
      %mul3A_17 = arith.muli %arg1, %mul3A : i32
      "tpu.region"() ({
        %run_scoped3A = tpu.sem_alloc : memref<!tpu.dma_semaphore, #tpu.memory_space<semaphore_mem>>
        %dma_start3A = arith.constant 0 : i32
        %dma_start3A_18 = tpu.memref_slice %arg11[%mul3A_17, %dma_start3A] : memref<10240x16xf32, #tpu.memory_space<vmem_shared>> -> memref<640x16xf32, #tpu.memory_space<vmem_shared>>
        tpu.enqueue_dma source(%arg5 : memref<640x16xf32, #tpu.memory_space<hbm>>) target(%dma_start3A_18 : memref<640x16xf32, #tpu.memory_space<vmem_shared>>) target_semaphore(%run_scoped3A : memref<!tpu.dma_semaphore, #tpu.memory_space<semaphore_mem>>)
        %dma_wait3A = arith.constant 0 : i32
        %dma_wait3A_19 = tpu.memref_slice %arg11[%mul3A_17, %dma_wait3A] : memref<10240x16xf32, #tpu.memory_space<vmem_shared>> -> memref<640x16xf32, #tpu.memory_space<vmem_shared>>
        tpu.wait_dma2 semaphore(%run_scoped3A : memref<!tpu.dma_semaphore, #tpu.memory_space<semaphore_mem>>) src(%arg5 : memref<640x16xf32, #tpu.memory_space<hbm>>) dst(%dma_wait3A_19 : memref<640x16xf32, #tpu.memory_space<vmem_shared>>)
        tpu.yield
      }) : () -> ()
    } else {
    }
    %barrier3A = arith.constant 0 : index
    tpu.barrier barrier_id(%barrier3A)
    %eq3A = arith.constant 0 : i32
    %eq3A_2 = arith.cmpi eq, %arg0, %eq3A : i32
    %convert_element_type3A_3 = arith.extui %eq3A_2 : i1 to i32
    %cond3A_4 = arith.constant 0 : i32
    %cond3A_5 = arith.cmpi ne, %convert_element_type3A_3, %cond3A_4 : i32
    scf.if %cond3A_5 {
      %mul3A = arith.constant 104 : i32
      %mul3A_17 = arith.muli %arg1, %mul3A : i32
      "tpu.region"() ({
        %run_scoped3A = tpu.sem_alloc : memref<!tpu.dma_semaphore, #tpu.memory_space<semaphore_mem>>
        %dma_start3A_29 = arith.constant 0 : i32
        %dma_start3A_30 = arith.constant 0 : i32
        %dma_start3A_31 = tpu.memref_slice %arg7[%dma_start3A_29, %dma_start3A_30] : memref<104x128xi32, #tpu.memory_space<vmem>> -> memref<104x128xi32, #tpu.memory_space<vmem>>
        %dma_start3A_32 = arith.constant 0 : i32
        %dma_start3A_33 = tpu.memref_slice %arg3[%mul3A_17, %dma_start3A_32] : memref<2560x128xi32, #tpu.memory_space<hbm>> -> memref<104x128xi32, #tpu.memory_space<hbm>>
        %dma_start3A_34 = arith.constant 0 : i32
        %dma_start3A_35 = arith.constant 0 : i32
        %dma_start3A_36 = tpu.memref_slice %arg7[%dma_start3A_34, %dma_start3A_35] : memref<104x128xi32, #tpu.memory_space<vmem>> -> memref<104x128xi32, #tpu.memory_space<vmem>>
        %dma_start3A_37 = arith.constant 0 : i32
        %dma_start3A_38 = tpu.memref_slice %arg3[%mul3A_17, %dma_start3A_37] : memref<2560x128xi32, #tpu.memory_space<hbm>> -> memref<104x128xi32, #tpu.memory_space<hbm>>
        tpu.enqueue_dma source(%dma_start3A_38 : memref<104x128xi32, #tpu.memory_space<hbm>>) target(%dma_start3A_36 : memref<104x128xi32, #tpu.memory_space<vmem>>) target_semaphore(%run_scoped3A : memref<!tpu.dma_semaphore, #tpu.memory_space<semaphore_mem>>)
        %dma_wait3A = arith.constant 0 : i32
        %dma_wait3A_39 = arith.constant 0 : i32
        %dma_wait3A_40 = tpu.memref_slice %arg7[%dma_wait3A, %dma_wait3A_39] : memref<104x128xi32, #tpu.memory_space<vmem>> -> memref<104x128xi32, #tpu.memory_space<vmem>>
        %dma_wait3A_41 = arith.constant 0 : i32
        %dma_wait3A_42 = tpu.memref_slice %arg3[%mul3A_17, %dma_wait3A_41] : memref<2560x128xi32, #tpu.memory_space<hbm>> -> memref<104x128xi32, #tpu.memory_space<hbm>>
        %dma_wait3A_43 = arith.constant 0 : i32
        %dma_wait3A_44 = arith.constant 0 : i32
        %dma_wait3A_45 = tpu.memref_slice %arg7[%dma_wait3A_43, %dma_wait3A_44] : memref<104x128xi32, #tpu.memory_space<vmem>> -> memref<104x128xi32, #tpu.memory_space<vmem>>
        %dma_wait3A_46 = arith.constant 0 : i32
        %dma_wait3A_47 = tpu.memref_slice %arg3[%mul3A_17, %dma_wait3A_46] : memref<2560x128xi32, #tpu.memory_space<hbm>> -> memref<104x128xi32, #tpu.memory_space<hbm>>
        tpu.wait_dma2 semaphore(%run_scoped3A : memref<!tpu.dma_semaphore, #tpu.memory_space<semaphore_mem>>) src(%dma_wait3A_47 : memref<104x128xi32, #tpu.memory_space<hbm>>) dst(%dma_wait3A_45 : memref<104x128xi32, #tpu.memory_space<vmem>>)
        tpu.yield
      }) : () -> ()
      "tpu.region"() ({
        %run_scoped3A = tpu.sem_alloc : memref<!tpu.dma_semaphore, #tpu.memory_space<semaphore_mem>>
        %dma_start3A_29 = arith.constant 0 : i32
        %dma_start3A_30 = arith.constant 0 : i32
        %dma_start3A_31 = tpu.memref_slice %arg8[%dma_start3A_29, %dma_start3A_30] : memref<104x128xi32, #tpu.memory_space<vmem>> -> memref<104x128xi32, #tpu.memory_space<vmem>>
        %dma_start3A_32 = arith.constant 0 : i32
        %dma_start3A_33 = tpu.memref_slice %arg4[%mul3A_17, %dma_start3A_32] : memref<2560x128xi32, #tpu.memory_space<hbm>> -> memref<104x128xi32, #tpu.memory_space<hbm>>
        %dma_start3A_34 = arith.constant 0 : i32
        %dma_start3A_35 = arith.constant 0 : i32
        %dma_start3A_36 = tpu.memref_slice %arg8[%dma_start3A_34, %dma_start3A_35] : memref<104x128xi32, #tpu.memory_space<vmem>> -> memref<104x128xi32, #tpu.memory_space<vmem>>
        %dma_start3A_37 = arith.constant 0 : i32
        %dma_start3A_38 = tpu.memref_slice %arg4[%mul3A_17, %dma_start3A_37] : memref<2560x128xi32, #tpu.memory_space<hbm>> -> memref<104x128xi32, #tpu.memory_space<hbm>>
        tpu.enqueue_dma source(%dma_start3A_38 : memref<104x128xi32, #tpu.memory_space<hbm>>) target(%dma_start3A_36 : memref<104x128xi32, #tpu.memory_space<vmem>>) target_semaphore(%run_scoped3A : memref<!tpu.dma_semaphore, #tpu.memory_space<semaphore_mem>>)
        %dma_wait3A = arith.constant 0 : i32
        %dma_wait3A_39 = arith.constant 0 : i32
        %dma_wait3A_40 = tpu.memref_slice %arg8[%dma_wait3A, %dma_wait3A_39] : memref<104x128xi32, #tpu.memory_space<vmem>> -> memref<104x128xi32, #tpu.memory_space<vmem>>
        %dma_wait3A_41 = arith.constant 0 : i32
        %dma_wait3A_42 = tpu.memref_slice %arg4[%mul3A_17, %dma_wait3A_41] : memref<2560x128xi32, #tpu.memory_space<hbm>> -> memref<104x128xi32, #tpu.memory_space<hbm>>
        %dma_wait3A_43 = arith.constant 0 : i32
        %dma_wait3A_44 = arith.constant 0 : i32
        %dma_wait3A_45 = tpu.memref_slice %arg8[%dma_wait3A_43, %dma_wait3A_44] : memref<104x128xi32, #tpu.memory_space<vmem>> -> memref<104x128xi32, #tpu.memory_space<vmem>>
        %dma_wait3A_46 = arith.constant 0 : i32
        %dma_wait3A_47 = tpu.memref_slice %arg4[%mul3A_17, %dma_wait3A_46] : memref<2560x128xi32, #tpu.memory_space<hbm>> -> memref<104x128xi32, #tpu.memory_space<hbm>>
        tpu.wait_dma2 semaphore(%run_scoped3A : memref<!tpu.dma_semaphore, #tpu.memory_space<semaphore_mem>>) src(%dma_wait3A_47 : memref<104x128xi32, #tpu.memory_space<hbm>>) dst(%dma_wait3A_45 : memref<104x128xi32, #tpu.memory_space<vmem>>)
        tpu.yield
      }) : () -> ()
      %dma_start3A = arith.constant 0 : i32
      %dma_start3A_18 = arith.constant 0 : i32
      %dma_start3A_19 = tpu.memref_slice %arg7[%dma_start3A, %dma_start3A_18] : memref<104x128xi32, #tpu.memory_space<vmem>> -> memref<1x128xi32, #tpu.memory_space<vmem>>
      %dma_start3A_20 = tpu.memref_squeeze %dma_start3A_19 : memref<1x128xi32, #tpu.memory_space<vmem>> -> memref<128xi32, #tpu.memory_space<vmem>>
      %dma_start3A_21 = arith.constant 0 : i32
      %dma_start3A_22 = arith.constant 0 : i32
      %dma_start3A_23 = tpu.memref_slice %arg2[%dma_start3A_21, %dma_start3A_22] : memref<10240x16xf32, #tpu.memory_space<hbm>> -> memref<10240x16xf32, #tpu.memory_space<hbm>>
      tpu.enqueue_indirect_dma source(%dma_start3A_23 : memref<10240x16xf32, #tpu.memory_space<hbm>>) target(%arg9 : memref<128x16xf32, #tpu.memory_space<vmem>>) offsets(%dma_start3A_20 : memref<128xi32, #tpu.memory_space<vmem>>) semaphore(%arg12 : memref<!tpu.dma_semaphore, #tpu.memory_space<semaphore_mem>>)
      %scan3A = arith.constant 0 : i32
      %scan3A_24 = arith.constant 0 : i32
      %scan3A_25 = arith.constant 52 : i32
      %scan3A_26 = arith.addi %scan3A_24, %scan3A_25 : i32
      %scan3A_27 = arith.constant 1 : i32
      scf.for %scan3A_29 = %scan3A_24 to %scan3A_26 step %scan3A_27  : i32 {
        %mul3A_30 = arith.constant 2 : i32
        %mul3A_31 = arith.muli %mul3A_30, %scan3A_29 : i32
        %add3A = arith.constant 0 : i32
        %add3A_32 = arith.addi %mul3A_31, %add3A : i32
        %dma_wait3A = arith.constant 0 : i32
        %dma_wait3A_33 = tpu.memref_slice %arg7[%add3A_32, %dma_wait3A] : memref<104x128xi32, #tpu.memory_space<vmem>> -> memref<1x128xi32, #tpu.memory_space<vmem>>
        %dma_wait3A_34 = tpu.memref_squeeze %dma_wait3A_33 : memref<1x128xi32, #tpu.memory_space<vmem>> -> memref<128xi32, #tpu.memory_space<vmem>>
        %dma_wait3A_35 = arith.constant 0 : i32
        %dma_wait3A_36 = arith.constant 0 : i32
        %dma_wait3A_37 = tpu.memref_slice %arg2[%dma_wait3A_35, %dma_wait3A_36] : memref<10240x16xf32, #tpu.memory_space<hbm>> -> memref<10240x16xf32, #tpu.memory_space<hbm>>
        tpu.wait_indirect_dma semaphore(%arg12 : memref<!tpu.dma_semaphore, #tpu.memory_space<semaphore_mem>>) src(%dma_wait3A_37 : memref<10240x16xf32, #tpu.memory_space<hbm>>) dst(%arg9 : memref<128x16xf32, #tpu.memory_space<vmem>>)
        %add3A_38 = arith.constant 1 : i32
        %add3A_39 = arith.addi %add3A_32, %add3A_38 : i32
        %lt3A_40 = arith.constant 104 : i32
        %lt3A_41 = arith.cmpi slt, %add3A_39, %lt3A_40 : i32
        %convert_element_type3A_42 = arith.extui %lt3A_41 : i1 to i32
        %cond3A_43 = arith.constant 0 : i32
        %cond3A_44 = arith.cmpi ne, %convert_element_type3A_42, %cond3A_43 : i32
        scf.if %cond3A_44 {
          %add3A_62 = arith.constant 1 : i32
          %add3A_63 = arith.addi %add3A_32, %add3A_62 : i32
          %dma_start3A_64 = arith.constant 0 : i32
          %dma_start3A_65 = tpu.memref_slice %arg7[%add3A_63, %dma_start3A_64] : memref<104x128xi32, #tpu.memory_space<vmem>> -> memref<1x128xi32, #tpu.memory_space<vmem>>
          %dma_start3A_66 = tpu.memref_squeeze %dma_start3A_65 : memref<1x128xi32, #tpu.memory_space<vmem>> -> memref<128xi32, #tpu.memory_space<vmem>>
          %dma_start3A_67 = arith.constant 0 : i32
          %dma_start3A_68 = arith.constant 0 : i32
          %dma_start3A_69 = tpu.memref_slice %arg2[%dma_start3A_67, %dma_start3A_68] : memref<10240x16xf32, #tpu.memory_space<hbm>> -> memref<10240x16xf32, #tpu.memory_space<hbm>>
          tpu.enqueue_indirect_dma source(%dma_start3A_69 : memref<10240x16xf32, #tpu.memory_space<hbm>>) target(%arg10 : memref<128x16xf32, #tpu.memory_space<vmem>>) offsets(%dma_start3A_66 : memref<128xi32, #tpu.memory_space<vmem>>) semaphore(%arg13 : memref<!tpu.dma_semaphore, #tpu.memory_space<semaphore_mem>>)
        } else {
        }
        "tpu.region"() ({
          %run_scoped3A = tpu.sem_alloc : memref<!tpu.dma_semaphore, #tpu.memory_space<semaphore_mem>>
          %dma_start3A_62 = arith.constant 0 : i32
          %dma_start3A_63 = tpu.memref_slice %arg8[%add3A_32, %dma_start3A_62] : memref<104x128xi32, #tpu.memory_space<vmem>> -> memref<1x128xi32, #tpu.memory_space<vmem>>
          %dma_start3A_64 = tpu.memref_squeeze %dma_start3A_63 : memref<1x128xi32, #tpu.memory_space<vmem>> -> memref<128xi32, #tpu.memory_space<vmem>>
          %dma_start3A_65 = arith.constant 0 : i32
          %dma_start3A_66 = arith.constant 0 : i32
          %dma_start3A_67 = tpu.memref_slice %arg11[%dma_start3A_65, %dma_start3A_66] : memref<10240x16xf32, #tpu.memory_space<vmem_shared>> -> memref<10240x16xf32, #tpu.memory_space<vmem_shared>>
          tpu.enqueue_indirect_dma source(%arg9 : memref<128x16xf32, #tpu.memory_space<vmem>>) target(%dma_start3A_67 : memref<10240x16xf32, #tpu.memory_space<vmem_shared>>) offsets(%dma_start3A_64 : memref<128xi32, #tpu.memory_space<vmem>>) semaphore(%run_scoped3A : memref<!tpu.dma_semaphore, #tpu.memory_space<semaphore_mem>>) {add = true}
          %dma_wait3A_68 = arith.constant 0 : i32
          %dma_wait3A_69 = tpu.memref_slice %arg8[%add3A_32, %dma_wait3A_68] : memref<104x128xi32, #tpu.memory_space<vmem>> -> memref<1x128xi32, #tpu.memory_space<vmem>>
          %dma_wait3A_70 = tpu.memref_squeeze %dma_wait3A_69 : memref<1x128xi32, #tpu.memory_space<vmem>> -> memref<128xi32, #tpu.memory_space<vmem>>
          %dma_wait3A_71 = arith.constant 0 : i32
          %dma_wait3A_72 = arith.constant 0 : i32
          %dma_wait3A_73 = tpu.memref_slice %arg11[%dma_wait3A_71, %dma_wait3A_72] : memref<10240x16xf32, #tpu.memory_space<vmem_shared>> -> memref<10240x16xf32, #tpu.memory_space<vmem_shared>>
          tpu.wait_indirect_dma semaphore(%run_scoped3A : memref<!tpu.dma_semaphore, #tpu.memory_space<semaphore_mem>>) src(%arg9 : memref<128x16xf32, #tpu.memory_space<vmem>>) dst(%dma_wait3A_73 : memref<10240x16xf32, #tpu.memory_space<vmem_shared>>)
          tpu.yield
        }) : () -> ()
        %mul3A_45 = arith.constant 2 : i32
        %mul3A_46 = arith.muli %mul3A_45, %scan3A_29 : i32
        %add3A_47 = arith.constant 1 : i32
        %add3A_48 = arith.addi %mul3A_46, %add3A_47 : i32
        %dma_wait3A_49 = arith.constant 0 : i32
        %dma_wait3A_50 = tpu.memref_slice %arg7[%add3A_48, %dma_wait3A_49] : memref<104x128xi32, #tpu.memory_space<vmem>> -> memref<1x128xi32, #tpu.memory_space<vmem>>
        %dma_wait3A_51 = tpu.memref_squeeze %dma_wait3A_50 : memref<1x128xi32, #tpu.memory_space<vmem>> -> memref<128xi32, #tpu.memory_space<vmem>>
        %dma_wait3A_52 = arith.constant 0 : i32
        %dma_wait3A_53 = arith.constant 0 : i32
        %dma_wait3A_54 = tpu.memref_slice %arg2[%dma_wait3A_52, %dma_wait3A_53] : memref<10240x16xf32, #tpu.memory_space<hbm>> -> memref<10240x16xf32, #tpu.memory_space<hbm>>
        tpu.wait_indirect_dma semaphore(%arg13 : memref<!tpu.dma_semaphore, #tpu.memory_space<semaphore_mem>>) src(%dma_wait3A_54 : memref<10240x16xf32, #tpu.memory_space<hbm>>) dst(%arg10 : memref<128x16xf32, #tpu.memory_space<vmem>>)
        %add3A_55 = arith.constant 1 : i32
        %add3A_56 = arith.addi %add3A_48, %add3A_55 : i32
        %lt3A_57 = arith.constant 104 : i32
        %lt3A_58 = arith.cmpi slt, %add3A_56, %lt3A_57 : i32
        %convert_element_type3A_59 = arith.extui %lt3A_58 : i1 to i32
        %cond3A_60 = arith.constant 0 : i32
        %cond3A_61 = arith.cmpi ne, %convert_element_type3A_59, %cond3A_60 : i32
        scf.if %cond3A_61 {
          %add3A_62 = arith.constant 1 : i32
          %add3A_63 = arith.addi %add3A_48, %add3A_62 : i32
          %dma_start3A_64 = arith.constant 0 : i32
          %dma_start3A_65 = tpu.memref_slice %arg7[%add3A_63, %dma_start3A_64] : memref<104x128xi32, #tpu.memory_space<vmem>> -> memref<1x128xi32, #tpu.memory_space<vmem>>
          %dma_start3A_66 = tpu.memref_squeeze %dma_start3A_65 : memref<1x128xi32, #tpu.memory_space<vmem>> -> memref<128xi32, #tpu.memory_space<vmem>>
          %dma_start3A_67 = arith.constant 0 : i32
          %dma_start3A_68 = arith.constant 0 : i32
          %dma_start3A_69 = tpu.memref_slice %arg2[%dma_start3A_67, %dma_start3A_68] : memref<10240x16xf32, #tpu.memory_space<hbm>> -> memref<10240x16xf32, #tpu.memory_space<hbm>>
          tpu.enqueue_indirect_dma source(%dma_start3A_69 : memref<10240x16xf32, #tpu.memory_space<hbm>>) target(%arg9 : memref<128x16xf32, #tpu.memory_space<vmem>>) offsets(%dma_start3A_66 : memref<128xi32, #tpu.memory_space<vmem>>) semaphore(%arg12 : memref<!tpu.dma_semaphore, #tpu.memory_space<semaphore_mem>>)
        } else {
        }
        "tpu.region"() ({
          %run_scoped3A = tpu.sem_alloc : memref<!tpu.dma_semaphore, #tpu.memory_space<semaphore_mem>>
          %dma_start3A_62 = arith.constant 0 : i32
          %dma_start3A_63 = tpu.memref_slice %arg8[%add3A_48, %dma_start3A_62] : memref<104x128xi32, #tpu.memory_space<vmem>> -> memref<1x128xi32, #tpu.memory_space<vmem>>
          %dma_start3A_64 = tpu.memref_squeeze %dma_start3A_63 : memref<1x128xi32, #tpu.memory_space<vmem>> -> memref<128xi32, #tpu.memory_space<vmem>>
          %dma_start3A_65 = arith.constant 0 : i32
          %dma_start3A_66 = arith.constant 0 : i32
          %dma_start3A_67 = tpu.memref_slice %arg11[%dma_start3A_65, %dma_start3A_66] : memref<10240x16xf32, #tpu.memory_space<vmem_shared>> -> memref<10240x16xf32, #tpu.memory_space<vmem_shared>>
          tpu.enqueue_indirect_dma source(%arg10 : memref<128x16xf32, #tpu.memory_space<vmem>>) target(%dma_start3A_67 : memref<10240x16xf32, #tpu.memory_space<vmem_shared>>) offsets(%dma_start3A_64 : memref<128xi32, #tpu.memory_space<vmem>>) semaphore(%run_scoped3A : memref<!tpu.dma_semaphore, #tpu.memory_space<semaphore_mem>>) {add = true}
          %dma_wait3A_68 = arith.constant 0 : i32
          %dma_wait3A_69 = tpu.memref_slice %arg8[%add3A_48, %dma_wait3A_68] : memref<104x128xi32, #tpu.memory_space<vmem>> -> memref<1x128xi32, #tpu.memory_space<vmem>>
          %dma_wait3A_70 = tpu.memref_squeeze %dma_wait3A_69 : memref<1x128xi32, #tpu.memory_space<vmem>> -> memref<128xi32, #tpu.memory_space<vmem>>
          %dma_wait3A_71 = arith.constant 0 : i32
          %dma_wait3A_72 = arith.constant 0 : i32
          %dma_wait3A_73 = tpu.memref_slice %arg11[%dma_wait3A_71, %dma_wait3A_72] : memref<10240x16xf32, #tpu.memory_space<vmem_shared>> -> memref<10240x16xf32, #tpu.memory_space<vmem_shared>>
          tpu.wait_indirect_dma semaphore(%run_scoped3A : memref<!tpu.dma_semaphore, #tpu.memory_space<semaphore_mem>>) src(%arg10 : memref<128x16xf32, #tpu.memory_space<vmem>>) dst(%dma_wait3A_73 : memref<10240x16xf32, #tpu.memory_space<vmem_shared>>)
          tpu.yield
        }) : () -> ()
      }
      %scan3A_28 = arith.constant 52 : i32
    } else {
    }
    %eq3A_6 = arith.constant 1 : i32
    %eq3A_7 = arith.cmpi eq, %arg0, %eq3A_6 : i32
    %convert_element_type3A_8 = arith.extui %eq3A_7 : i1 to i32
    %cond3A_9 = arith.constant 0 : i32
    %cond3A_10 = arith.cmpi ne, %convert_element_type3A_8, %cond3A_9 : i32
    scf.if %cond3A_10 {
      %mul3A = arith.constant 56 : i32
      %mul3A_17 = arith.muli %arg1, %mul3A : i32
      %add3A = arith.constant 1664 : i32
      %add3A_18 = arith.addi %add3A, %mul3A_17 : i32
      "tpu.region"() ({
        %run_scoped3A = tpu.sem_alloc : memref<!tpu.dma_semaphore, #tpu.memory_space<semaphore_mem>>
        %dma_start3A_30 = arith.constant 0 : i32
        %dma_start3A_31 = arith.constant 0 : i32
        %dma_start3A_32 = tpu.memref_slice %arg7[%dma_start3A_30, %dma_start3A_31] : memref<104x128xi32, #tpu.memory_space<vmem>> -> memref<56x128xi32, #tpu.memory_space<vmem>>
        %dma_start3A_33 = arith.constant 0 : i32
        %dma_start3A_34 = tpu.memref_slice %arg3[%add3A_18, %dma_start3A_33] : memref<2560x128xi32, #tpu.memory_space<hbm>> -> memref<56x128xi32, #tpu.memory_space<hbm>>
        %dma_start3A_35 = arith.constant 0 : i32
        %dma_start3A_36 = arith.constant 0 : i32
        %dma_start3A_37 = tpu.memref_slice %arg7[%dma_start3A_35, %dma_start3A_36] : memref<104x128xi32, #tpu.memory_space<vmem>> -> memref<56x128xi32, #tpu.memory_space<vmem>>
        %dma_start3A_38 = arith.constant 0 : i32
        %dma_start3A_39 = tpu.memref_slice %arg3[%add3A_18, %dma_start3A_38] : memref<2560x128xi32, #tpu.memory_space<hbm>> -> memref<56x128xi32, #tpu.memory_space<hbm>>
        tpu.enqueue_dma source(%dma_start3A_39 : memref<56x128xi32, #tpu.memory_space<hbm>>) target(%dma_start3A_37 : memref<56x128xi32, #tpu.memory_space<vmem>>) target_semaphore(%run_scoped3A : memref<!tpu.dma_semaphore, #tpu.memory_space<semaphore_mem>>)
        %dma_wait3A = arith.constant 0 : i32
        %dma_wait3A_40 = arith.constant 0 : i32
        %dma_wait3A_41 = tpu.memref_slice %arg7[%dma_wait3A, %dma_wait3A_40] : memref<104x128xi32, #tpu.memory_space<vmem>> -> memref<56x128xi32, #tpu.memory_space<vmem>>
        %dma_wait3A_42 = arith.constant 0 : i32
        %dma_wait3A_43 = tpu.memref_slice %arg3[%add3A_18, %dma_wait3A_42] : memref<2560x128xi32, #tpu.memory_space<hbm>> -> memref<56x128xi32, #tpu.memory_space<hbm>>
        %dma_wait3A_44 = arith.constant 0 : i32
        %dma_wait3A_45 = arith.constant 0 : i32
        %dma_wait3A_46 = tpu.memref_slice %arg7[%dma_wait3A_44, %dma_wait3A_45] : memref<104x128xi32, #tpu.memory_space<vmem>> -> memref<56x128xi32, #tpu.memory_space<vmem>>
        %dma_wait3A_47 = arith.constant 0 : i32
        %dma_wait3A_48 = tpu.memref_slice %arg3[%add3A_18, %dma_wait3A_47] : memref<2560x128xi32, #tpu.memory_space<hbm>> -> memref<56x128xi32, #tpu.memory_space<hbm>>
        tpu.wait_dma2 semaphore(%run_scoped3A : memref<!tpu.dma_semaphore, #tpu.memory_space<semaphore_mem>>) src(%dma_wait3A_48 : memref<56x128xi32, #tpu.memory_space<hbm>>) dst(%dma_wait3A_46 : memref<56x128xi32, #tpu.memory_space<vmem>>)
        tpu.yield
      }) : () -> ()
      "tpu.region"() ({
        %run_scoped3A = tpu.sem_alloc : memref<!tpu.dma_semaphore, #tpu.memory_space<semaphore_mem>>
        %dma_start3A_30 = arith.constant 0 : i32
        %dma_start3A_31 = arith.constant 0 : i32
        %dma_start3A_32 = tpu.memref_slice %arg8[%dma_start3A_30, %dma_start3A_31] : memref<104x128xi32, #tpu.memory_space<vmem>> -> memref<56x128xi32, #tpu.memory_space<vmem>>
        %dma_start3A_33 = arith.constant 0 : i32
        %dma_start3A_34 = tpu.memref_slice %arg4[%add3A_18, %dma_start3A_33] : memref<2560x128xi32, #tpu.memory_space<hbm>> -> memref<56x128xi32, #tpu.memory_space<hbm>>
        %dma_start3A_35 = arith.constant 0 : i32
        %dma_start3A_36 = arith.constant 0 : i32
        %dma_start3A_37 = tpu.memref_slice %arg8[%dma_start3A_35, %dma_start3A_36] : memref<104x128xi32, #tpu.memory_space<vmem>> -> memref<56x128xi32, #tpu.memory_space<vmem>>
        %dma_start3A_38 = arith.constant 0 : i32
        %dma_start3A_39 = tpu.memref_slice %arg4[%add3A_18, %dma_start3A_38] : memref<2560x128xi32, #tpu.memory_space<hbm>> -> memref<56x128xi32, #tpu.memory_space<hbm>>
        tpu.enqueue_dma source(%dma_start3A_39 : memref<56x128xi32, #tpu.memory_space<hbm>>) target(%dma_start3A_37 : memref<56x128xi32, #tpu.memory_space<vmem>>) target_semaphore(%run_scoped3A : memref<!tpu.dma_semaphore, #tpu.memory_space<semaphore_mem>>)
        %dma_wait3A = arith.constant 0 : i32
        %dma_wait3A_40 = arith.constant 0 : i32
        %dma_wait3A_41 = tpu.memref_slice %arg8[%dma_wait3A, %dma_wait3A_40] : memref<104x128xi32, #tpu.memory_space<vmem>> -> memref<56x128xi32, #tpu.memory_space<vmem>>
        %dma_wait3A_42 = arith.constant 0 : i32
        %dma_wait3A_43 = tpu.memref_slice %arg4[%add3A_18, %dma_wait3A_42] : memref<2560x128xi32, #tpu.memory_space<hbm>> -> memref<56x128xi32, #tpu.memory_space<hbm>>
        %dma_wait3A_44 = arith.constant 0 : i32
        %dma_wait3A_45 = arith.constant 0 : i32
        %dma_wait3A_46 = tpu.memref_slice %arg8[%dma_wait3A_44, %dma_wait3A_45] : memref<104x128xi32, #tpu.memory_space<vmem>> -> memref<56x128xi32, #tpu.memory_space<vmem>>
        %dma_wait3A_47 = arith.constant 0 : i32
        %dma_wait3A_48 = tpu.memref_slice %arg4[%add3A_18, %dma_wait3A_47] : memref<2560x128xi32, #tpu.memory_space<hbm>> -> memref<56x128xi32, #tpu.memory_space<hbm>>
        tpu.wait_dma2 semaphore(%run_scoped3A : memref<!tpu.dma_semaphore, #tpu.memory_space<semaphore_mem>>) src(%dma_wait3A_48 : memref<56x128xi32, #tpu.memory_space<hbm>>) dst(%dma_wait3A_46 : memref<56x128xi32, #tpu.memory_space<vmem>>)
        tpu.yield
      }) : () -> ()
      %dma_start3A = arith.constant 0 : i32
      %dma_start3A_19 = arith.constant 0 : i32
      %dma_start3A_20 = tpu.memref_slice %arg7[%dma_start3A, %dma_start3A_19] : memref<104x128xi32, #tpu.memory_space<vmem>> -> memref<1x128xi32, #tpu.memory_space<vmem>>
      %dma_start3A_21 = tpu.memref_squeeze %dma_start3A_20 : memref<1x128xi32, #tpu.memory_space<vmem>> -> memref<128xi32, #tpu.memory_space<vmem>>
      %dma_start3A_22 = arith.constant 0 : i32
      %dma_start3A_23 = arith.constant 0 : i32
      %dma_start3A_24 = tpu.memref_slice %arg2[%dma_start3A_22, %dma_start3A_23] : memref<10240x16xf32, #tpu.memory_space<hbm>> -> memref<10240x16xf32, #tpu.memory_space<hbm>>
      tpu.enqueue_indirect_dma source(%dma_start3A_24 : memref<10240x16xf32, #tpu.memory_space<hbm>>) target(%arg9 : memref<128x16xf32, #tpu.memory_space<vmem>>) offsets(%dma_start3A_21 : memref<128xi32, #tpu.memory_space<vmem>>) semaphore(%arg12 : memref<!tpu.dma_semaphore, #tpu.memory_space<semaphore_mem>>)
      %scan3A = arith.constant 0 : i32
      %scan3A_25 = arith.constant 0 : i32
      %scan3A_26 = arith.constant 28 : i32
      %scan3A_27 = arith.addi %scan3A_25, %scan3A_26 : i32
      %scan3A_28 = arith.constant 1 : i32
      scf.for %scan3A_30 = %scan3A_25 to %scan3A_27 step %scan3A_28  : i32 {
        %mul3A_31 = arith.constant 2 : i32
        %mul3A_32 = arith.muli %mul3A_31, %scan3A_30 : i32
        %add3A_33 = arith.constant 0 : i32
        %add3A_34 = arith.addi %mul3A_32, %add3A_33 : i32
        %dma_wait3A = arith.constant 0 : i32
        %dma_wait3A_35 = tpu.memref_slice %arg7[%add3A_34, %dma_wait3A] : memref<104x128xi32, #tpu.memory_space<vmem>> -> memref<1x128xi32, #tpu.memory_space<vmem>>
        %dma_wait3A_36 = tpu.memref_squeeze %dma_wait3A_35 : memref<1x128xi32, #tpu.memory_space<vmem>> -> memref<128xi32, #tpu.memory_space<vmem>>
        %dma_wait3A_37 = arith.constant 0 : i32
        %dma_wait3A_38 = arith.constant 0 : i32
        %dma_wait3A_39 = tpu.memref_slice %arg2[%dma_wait3A_37, %dma_wait3A_38] : memref<10240x16xf32, #tpu.memory_space<hbm>> -> memref<10240x16xf32, #tpu.memory_space<hbm>>
        tpu.wait_indirect_dma semaphore(%arg12 : memref<!tpu.dma_semaphore, #tpu.memory_space<semaphore_mem>>) src(%dma_wait3A_39 : memref<10240x16xf32, #tpu.memory_space<hbm>>) dst(%arg9 : memref<128x16xf32, #tpu.memory_space<vmem>>)
        %add3A_40 = arith.constant 1 : i32
        %add3A_41 = arith.addi %add3A_34, %add3A_40 : i32
        %lt3A_42 = arith.constant 56 : i32
        %lt3A_43 = arith.cmpi slt, %add3A_41, %lt3A_42 : i32
        %convert_element_type3A_44 = arith.extui %lt3A_43 : i1 to i32
        %cond3A_45 = arith.constant 0 : i32
        %cond3A_46 = arith.cmpi ne, %convert_element_type3A_44, %cond3A_45 : i32
        scf.if %cond3A_46 {
          %add3A_64 = arith.constant 1 : i32
          %add3A_65 = arith.addi %add3A_34, %add3A_64 : i32
          %dma_start3A_66 = arith.constant 0 : i32
          %dma_start3A_67 = tpu.memref_slice %arg7[%add3A_65, %dma_start3A_66] : memref<104x128xi32, #tpu.memory_space<vmem>> -> memref<1x128xi32, #tpu.memory_space<vmem>>
          %dma_start3A_68 = tpu.memref_squeeze %dma_start3A_67 : memref<1x128xi32, #tpu.memory_space<vmem>> -> memref<128xi32, #tpu.memory_space<vmem>>
          %dma_start3A_69 = arith.constant 0 : i32
          %dma_start3A_70 = arith.constant 0 : i32
          %dma_start3A_71 = tpu.memref_slice %arg2[%dma_start3A_69, %dma_start3A_70] : memref<10240x16xf32, #tpu.memory_space<hbm>> -> memref<10240x16xf32, #tpu.memory_space<hbm>>
          tpu.enqueue_indirect_dma source(%dma_start3A_71 : memref<10240x16xf32, #tpu.memory_space<hbm>>) target(%arg10 : memref<128x16xf32, #tpu.memory_space<vmem>>) offsets(%dma_start3A_68 : memref<128xi32, #tpu.memory_space<vmem>>) semaphore(%arg13 : memref<!tpu.dma_semaphore, #tpu.memory_space<semaphore_mem>>)
        } else {
        }
        "tpu.region"() ({
          %run_scoped3A = tpu.sem_alloc : memref<!tpu.dma_semaphore, #tpu.memory_space<semaphore_mem>>
          %dma_start3A_64 = arith.constant 0 : i32
          %dma_start3A_65 = tpu.memref_slice %arg8[%add3A_34, %dma_start3A_64] : memref<104x128xi32, #tpu.memory_space<vmem>> -> memref<1x128xi32, #tpu.memory_space<vmem>>
          %dma_start3A_66 = tpu.memref_squeeze %dma_start3A_65 : memref<1x128xi32, #tpu.memory_space<vmem>> -> memref<128xi32, #tpu.memory_space<vmem>>
          %dma_start3A_67 = arith.constant 0 : i32
          %dma_start3A_68 = arith.constant 0 : i32
          %dma_start3A_69 = tpu.memref_slice %arg11[%dma_start3A_67, %dma_start3A_68] : memref<10240x16xf32, #tpu.memory_space<vmem_shared>> -> memref<10240x16xf32, #tpu.memory_space<vmem_shared>>
          tpu.enqueue_indirect_dma source(%arg9 : memref<128x16xf32, #tpu.memory_space<vmem>>) target(%dma_start3A_69 : memref<10240x16xf32, #tpu.memory_space<vmem_shared>>) offsets(%dma_start3A_66 : memref<128xi32, #tpu.memory_space<vmem>>) semaphore(%run_scoped3A : memref<!tpu.dma_semaphore, #tpu.memory_space<semaphore_mem>>) {add = true}
          %dma_wait3A_70 = arith.constant 0 : i32
          %dma_wait3A_71 = tpu.memref_slice %arg8[%add3A_34, %dma_wait3A_70] : memref<104x128xi32, #tpu.memory_space<vmem>> -> memref<1x128xi32, #tpu.memory_space<vmem>>
          %dma_wait3A_72 = tpu.memref_squeeze %dma_wait3A_71 : memref<1x128xi32, #tpu.memory_space<vmem>> -> memref<128xi32, #tpu.memory_space<vmem>>
          %dma_wait3A_73 = arith.constant 0 : i32
          %dma_wait3A_74 = arith.constant 0 : i32
          %dma_wait3A_75 = tpu.memref_slice %arg11[%dma_wait3A_73, %dma_wait3A_74] : memref<10240x16xf32, #tpu.memory_space<vmem_shared>> -> memref<10240x16xf32, #tpu.memory_space<vmem_shared>>
          tpu.wait_indirect_dma semaphore(%run_scoped3A : memref<!tpu.dma_semaphore, #tpu.memory_space<semaphore_mem>>) src(%arg9 : memref<128x16xf32, #tpu.memory_space<vmem>>) dst(%dma_wait3A_75 : memref<10240x16xf32, #tpu.memory_space<vmem_shared>>)
          tpu.yield
        }) : () -> ()
        %mul3A_47 = arith.constant 2 : i32
        %mul3A_48 = arith.muli %mul3A_47, %scan3A_30 : i32
        %add3A_49 = arith.constant 1 : i32
        %add3A_50 = arith.addi %mul3A_48, %add3A_49 : i32
        %dma_wait3A_51 = arith.constant 0 : i32
        %dma_wait3A_52 = tpu.memref_slice %arg7[%add3A_50, %dma_wait3A_51] : memref<104x128xi32, #tpu.memory_space<vmem>> -> memref<1x128xi32, #tpu.memory_space<vmem>>
        %dma_wait3A_53 = tpu.memref_squeeze %dma_wait3A_52 : memref<1x128xi32, #tpu.memory_space<vmem>> -> memref<128xi32, #tpu.memory_space<vmem>>
        %dma_wait3A_54 = arith.constant 0 : i32
        %dma_wait3A_55 = arith.constant 0 : i32
        %dma_wait3A_56 = tpu.memref_slice %arg2[%dma_wait3A_54, %dma_wait3A_55] : memref<10240x16xf32, #tpu.memory_space<hbm>> -> memref<10240x16xf32, #tpu.memory_space<hbm>>
        tpu.wait_indirect_dma semaphore(%arg13 : memref<!tpu.dma_semaphore, #tpu.memory_space<semaphore_mem>>) src(%dma_wait3A_56 : memref<10240x16xf32, #tpu.memory_space<hbm>>) dst(%arg10 : memref<128x16xf32, #tpu.memory_space<vmem>>)
        %add3A_57 = arith.constant 1 : i32
        %add3A_58 = arith.addi %add3A_50, %add3A_57 : i32
        %lt3A_59 = arith.constant 56 : i32
        %lt3A_60 = arith.cmpi slt, %add3A_58, %lt3A_59 : i32
        %convert_element_type3A_61 = arith.extui %lt3A_60 : i1 to i32
        %cond3A_62 = arith.constant 0 : i32
        %cond3A_63 = arith.cmpi ne, %convert_element_type3A_61, %cond3A_62 : i32
        scf.if %cond3A_63 {
          %add3A_64 = arith.constant 1 : i32
          %add3A_65 = arith.addi %add3A_50, %add3A_64 : i32
          %dma_start3A_66 = arith.constant 0 : i32
          %dma_start3A_67 = tpu.memref_slice %arg7[%add3A_65, %dma_start3A_66] : memref<104x128xi32, #tpu.memory_space<vmem>> -> memref<1x128xi32, #tpu.memory_space<vmem>>
          %dma_start3A_68 = tpu.memref_squeeze %dma_start3A_67 : memref<1x128xi32, #tpu.memory_space<vmem>> -> memref<128xi32, #tpu.memory_space<vmem>>
          %dma_start3A_69 = arith.constant 0 : i32
          %dma_start3A_70 = arith.constant 0 : i32
          %dma_start3A_71 = tpu.memref_slice %arg2[%dma_start3A_69, %dma_start3A_70] : memref<10240x16xf32, #tpu.memory_space<hbm>> -> memref<10240x16xf32, #tpu.memory_space<hbm>>
          tpu.enqueue_indirect_dma source(%dma_start3A_71 : memref<10240x16xf32, #tpu.memory_space<hbm>>) target(%arg9 : memref<128x16xf32, #tpu.memory_space<vmem>>) offsets(%dma_start3A_68 : memref<128xi32, #tpu.memory_space<vmem>>) semaphore(%arg12 : memref<!tpu.dma_semaphore, #tpu.memory_space<semaphore_mem>>)
        } else {
        }
        "tpu.region"() ({
          %run_scoped3A = tpu.sem_alloc : memref<!tpu.dma_semaphore, #tpu.memory_space<semaphore_mem>>
          %dma_start3A_64 = arith.constant 0 : i32
          %dma_start3A_65 = tpu.memref_slice %arg8[%add3A_50, %dma_start3A_64] : memref<104x128xi32, #tpu.memory_space<vmem>> -> memref<1x128xi32, #tpu.memory_space<vmem>>
          %dma_start3A_66 = tpu.memref_squeeze %dma_start3A_65 : memref<1x128xi32, #tpu.memory_space<vmem>> -> memref<128xi32, #tpu.memory_space<vmem>>
          %dma_start3A_67 = arith.constant 0 : i32
          %dma_start3A_68 = arith.constant 0 : i32
          %dma_start3A_69 = tpu.memref_slice %arg11[%dma_start3A_67, %dma_start3A_68] : memref<10240x16xf32, #tpu.memory_space<vmem_shared>> -> memref<10240x16xf32, #tpu.memory_space<vmem_shared>>
          tpu.enqueue_indirect_dma source(%arg10 : memref<128x16xf32, #tpu.memory_space<vmem>>) target(%dma_start3A_69 : memref<10240x16xf32, #tpu.memory_space<vmem_shared>>) offsets(%dma_start3A_66 : memref<128xi32, #tpu.memory_space<vmem>>) semaphore(%run_scoped3A : memref<!tpu.dma_semaphore, #tpu.memory_space<semaphore_mem>>) {add = true}
          %dma_wait3A_70 = arith.constant 0 : i32
          %dma_wait3A_71 = tpu.memref_slice %arg8[%add3A_50, %dma_wait3A_70] : memref<104x128xi32, #tpu.memory_space<vmem>> -> memref<1x128xi32, #tpu.memory_space<vmem>>
          %dma_wait3A_72 = tpu.memref_squeeze %dma_wait3A_71 : memref<1x128xi32, #tpu.memory_space<vmem>> -> memref<128xi32, #tpu.memory_space<vmem>>
          %dma_wait3A_73 = arith.constant 0 : i32
          %dma_wait3A_74 = arith.constant 0 : i32
          %dma_wait3A_75 = tpu.memref_slice %arg11[%dma_wait3A_73, %dma_wait3A_74] : memref<10240x16xf32, #tpu.memory_space<vmem_shared>> -> memref<10240x16xf32, #tpu.memory_space<vmem_shared>>
          tpu.wait_indirect_dma semaphore(%run_scoped3A : memref<!tpu.dma_semaphore, #tpu.memory_space<semaphore_mem>>) src(%arg10 : memref<128x16xf32, #tpu.memory_space<vmem>>) dst(%dma_wait3A_75 : memref<10240x16xf32, #tpu.memory_space<vmem_shared>>)
          tpu.yield
        }) : () -> ()
      }
      %scan3A_29 = arith.constant 28 : i32
    } else {
    }
    %barrier3A_11 = arith.constant 0 : index
    tpu.barrier barrier_id(%barrier3A_11)
    %lt3A_12 = arith.constant 2 : i32
    %lt3A_13 = arith.cmpi slt, %arg0, %lt3A_12 : i32
    %convert_element_type3A_14 = arith.extui %lt3A_13 : i1 to i32
    %cond3A_15 = arith.constant 0 : i32
    %cond3A_16 = arith.cmpi ne, %convert_element_type3A_14, %cond3A_15 : i32
    scf.if %cond3A_16 {
      %mul3A = arith.constant 640 : i32
      %mul3A_17 = arith.muli %arg1, %mul3A : i32
      %mul3A_18 = arith.constant 640 : i32
      %mul3A_19 = arith.muli %arg1, %mul3A_18 : i32
      "tpu.region"() ({
        %run_scoped3A = tpu.sem_alloc : memref<!tpu.dma_semaphore, #tpu.memory_space<semaphore_mem>>
        %dma_start3A = arith.constant 0 : i32
        %dma_start3A_20 = arith.constant 0 : i32
        %dma_start3A_21 = tpu.memref_slice %arg6[%arg0, %dma_start3A, %dma_start3A_20] : memref<2x10240x16xf32, #tpu.memory_space<hbm>> -> memref<1x10240x16xf32, #tpu.memory_space<hbm>>
        %dma_start3A_22 = tpu.memref_squeeze %dma_start3A_21 : memref<1x10240x16xf32, #tpu.memory_space<hbm>> -> memref<10240x16xf32, #tpu.memory_space<hbm>>
        %dma_start3A_23 = arith.constant 0 : i32
        %dma_start3A_24 = tpu.memref_slice %dma_start3A_22[%mul3A_19, %dma_start3A_23] : memref<10240x16xf32, #tpu.memory_space<hbm>> -> memref<640x16xf32, #tpu.memory_space<hbm>>
        %dma_start3A_25 = arith.constant 0 : i32
        %dma_start3A_26 = tpu.memref_slice %arg11[%mul3A_17, %dma_start3A_25] : memref<10240x16xf32, #tpu.memory_space<vmem_shared>> -> memref<640x16xf32, #tpu.memory_space<vmem_shared>>
        tpu.enqueue_dma source(%dma_start3A_26 : memref<640x16xf32, #tpu.memory_space<vmem_shared>>) target(%dma_start3A_24 : memref<640x16xf32, #tpu.memory_space<hbm>>) target_semaphore(%run_scoped3A : memref<!tpu.dma_semaphore, #tpu.memory_space<semaphore_mem>>)
        %dma_wait3A = arith.constant 0 : i32
        %dma_wait3A_27 = arith.constant 0 : i32
        %dma_wait3A_28 = tpu.memref_slice %arg6[%arg0, %dma_wait3A, %dma_wait3A_27] : memref<2x10240x16xf32, #tpu.memory_space<hbm>> -> memref<1x10240x16xf32, #tpu.memory_space<hbm>>
        %dma_wait3A_29 = tpu.memref_squeeze %dma_wait3A_28 : memref<1x10240x16xf32, #tpu.memory_space<hbm>> -> memref<10240x16xf32, #tpu.memory_space<hbm>>
        %dma_wait3A_30 = arith.constant 0 : i32
        %dma_wait3A_31 = tpu.memref_slice %dma_wait3A_29[%mul3A_19, %dma_wait3A_30] : memref<10240x16xf32, #tpu.memory_space<hbm>> -> memref<640x16xf32, #tpu.memory_space<hbm>>
        %dma_wait3A_32 = arith.constant 0 : i32
        %dma_wait3A_33 = tpu.memref_slice %arg11[%mul3A_17, %dma_wait3A_32] : memref<10240x16xf32, #tpu.memory_space<vmem_shared>> -> memref<640x16xf32, #tpu.memory_space<vmem_shared>>
        tpu.wait_dma2 semaphore(%run_scoped3A : memref<!tpu.dma_semaphore, #tpu.memory_space<semaphore_mem>>) src(%dma_wait3A_33 : memref<640x16xf32, #tpu.memory_space<vmem_shared>>) dst(%dma_wait3A_31 : memref<640x16xf32, #tpu.memory_space<hbm>>)
        tpu.yield
      }) : () -> ()
    } else {
    }
    return
  }
}

#map = affine_map<(d0, d1) -> (0, 0)>
#map1 = affine_map<(d0, d1) -> (0, 0, 0)>
module attributes {stable_mosaic.version = 14 : i64} {
  func.func @prop(%arg0: i32, %arg1: i32, %arg2: memref<10240x64xf32, #tpu.memory_space<hbm>>, %arg3: memref<2560x128xi32, #tpu.memory_space<hbm>>, %arg4: memref<2560x128xi32, #tpu.memory_space<hbm>>, %arg5: memref<640x64xf32, #tpu.memory_space<hbm>>, %arg6: memref<2x10240x64xf32, #tpu.memory_space<hbm>>, %arg7: memref<136x128xi32, #tpu.memory_space<vmem>>, %arg8: memref<136x128xi32, #tpu.memory_space<vmem>>, %arg9: memref<128x64xf32, #tpu.memory_space<vmem>>, %arg10: memref<128x64xf32, #tpu.memory_space<vmem>>, %arg11: memref<10240x64xf32, #tpu.memory_space<vmem_shared>>, %arg12: memref<!tpu.dma_semaphore, #tpu.memory_space<semaphore_mem>>, %arg13: memref<!tpu.dma_semaphore, #tpu.memory_space<semaphore_mem>>) attributes {dimension_semantics = [#tpu.dimension_semantics<core_parallel>, #tpu.dimension_semantics<subcore_parallel>], iteration_bounds = array<i64: 2, 16>, scalar_prefetch = 0 : i64, scratch_operands = 7 : i64, tpu.core_type = #tpu.core_type<sc_vector_subcore>, window_params = [{transform_indices = #map}, {transform_indices = #map}, {transform_indices = #map}, {transform_indices = #map}, {transform_indices = #map1}]} {
    %lt3A = arith.constant 2 : i32
    %lt3A_0 = arith.cmpi slt, %arg0, %lt3A : i32
    %convert_element_type3A = arith.extui %lt3A_0 : i1 to i32
    %cond3A = arith.constant 0 : i32
    %cond3A_1 = arith.cmpi ne, %convert_element_type3A, %cond3A : i32
    scf.if %cond3A_1 {
      %mul3A = arith.constant 640 : i32
      %mul3A_17 = arith.muli %arg1, %mul3A : i32
      "tpu.region"() ({
        %run_scoped3A = tpu.sem_alloc : memref<!tpu.dma_semaphore, #tpu.memory_space<semaphore_mem>>
        %dma_start3A = arith.constant 0 : i32
        %dma_start3A_18 = tpu.memref_slice %arg11[%mul3A_17, %dma_start3A] : memref<10240x64xf32, #tpu.memory_space<vmem_shared>> -> memref<640x64xf32, #tpu.memory_space<vmem_shared>>
        tpu.enqueue_dma source(%arg5 : memref<640x64xf32, #tpu.memory_space<hbm>>) target(%dma_start3A_18 : memref<640x64xf32, #tpu.memory_space<vmem_shared>>) target_semaphore(%run_scoped3A : memref<!tpu.dma_semaphore, #tpu.memory_space<semaphore_mem>>)
        %dma_wait3A = arith.constant 0 : i32
        %dma_wait3A_19 = tpu.memref_slice %arg11[%mul3A_17, %dma_wait3A] : memref<10240x64xf32, #tpu.memory_space<vmem_shared>> -> memref<640x64xf32, #tpu.memory_space<vmem_shared>>
        tpu.wait_dma2 semaphore(%run_scoped3A : memref<!tpu.dma_semaphore, #tpu.memory_space<semaphore_mem>>) src(%arg5 : memref<640x64xf32, #tpu.memory_space<hbm>>) dst(%dma_wait3A_19 : memref<640x64xf32, #tpu.memory_space<vmem_shared>>)
        tpu.yield
      }) : () -> ()
    } else {
    }
    %barrier3A = arith.constant 0 : index
    tpu.barrier barrier_id(%barrier3A)
    %eq3A = arith.constant 0 : i32
    %eq3A_2 = arith.cmpi eq, %arg0, %eq3A : i32
    %convert_element_type3A_3 = arith.extui %eq3A_2 : i1 to i32
    %cond3A_4 = arith.constant 0 : i32
    %cond3A_5 = arith.cmpi ne, %convert_element_type3A_3, %cond3A_4 : i32
    scf.if %cond3A_5 {
      %mul3A = arith.constant 136 : i32
      %mul3A_17 = arith.muli %arg1, %mul3A : i32
      "tpu.region"() ({
        %run_scoped3A = tpu.sem_alloc : memref<!tpu.dma_semaphore, #tpu.memory_space<semaphore_mem>>
        %dma_start3A_29 = arith.constant 0 : i32
        %dma_start3A_30 = arith.constant 0 : i32
        %dma_start3A_31 = tpu.memref_slice %arg7[%dma_start3A_29, %dma_start3A_30] : memref<136x128xi32, #tpu.memory_space<vmem>> -> memref<136x128xi32, #tpu.memory_space<vmem>>
        %dma_start3A_32 = arith.constant 0 : i32
        %dma_start3A_33 = tpu.memref_slice %arg3[%mul3A_17, %dma_start3A_32] : memref<2560x128xi32, #tpu.memory_space<hbm>> -> memref<136x128xi32, #tpu.memory_space<hbm>>
        %dma_start3A_34 = arith.constant 0 : i32
        %dma_start3A_35 = arith.constant 0 : i32
        %dma_start3A_36 = tpu.memref_slice %arg7[%dma_start3A_34, %dma_start3A_35] : memref<136x128xi32, #tpu.memory_space<vmem>> -> memref<136x128xi32, #tpu.memory_space<vmem>>
        %dma_start3A_37 = arith.constant 0 : i32
        %dma_start3A_38 = tpu.memref_slice %arg3[%mul3A_17, %dma_start3A_37] : memref<2560x128xi32, #tpu.memory_space<hbm>> -> memref<136x128xi32, #tpu.memory_space<hbm>>
        tpu.enqueue_dma source(%dma_start3A_38 : memref<136x128xi32, #tpu.memory_space<hbm>>) target(%dma_start3A_36 : memref<136x128xi32, #tpu.memory_space<vmem>>) target_semaphore(%run_scoped3A : memref<!tpu.dma_semaphore, #tpu.memory_space<semaphore_mem>>)
        %dma_wait3A = arith.constant 0 : i32
        %dma_wait3A_39 = arith.constant 0 : i32
        %dma_wait3A_40 = tpu.memref_slice %arg7[%dma_wait3A, %dma_wait3A_39] : memref<136x128xi32, #tpu.memory_space<vmem>> -> memref<136x128xi32, #tpu.memory_space<vmem>>
        %dma_wait3A_41 = arith.constant 0 : i32
        %dma_wait3A_42 = tpu.memref_slice %arg3[%mul3A_17, %dma_wait3A_41] : memref<2560x128xi32, #tpu.memory_space<hbm>> -> memref<136x128xi32, #tpu.memory_space<hbm>>
        %dma_wait3A_43 = arith.constant 0 : i32
        %dma_wait3A_44 = arith.constant 0 : i32
        %dma_wait3A_45 = tpu.memref_slice %arg7[%dma_wait3A_43, %dma_wait3A_44] : memref<136x128xi32, #tpu.memory_space<vmem>> -> memref<136x128xi32, #tpu.memory_space<vmem>>
        %dma_wait3A_46 = arith.constant 0 : i32
        %dma_wait3A_47 = tpu.memref_slice %arg3[%mul3A_17, %dma_wait3A_46] : memref<2560x128xi32, #tpu.memory_space<hbm>> -> memref<136x128xi32, #tpu.memory_space<hbm>>
        tpu.wait_dma2 semaphore(%run_scoped3A : memref<!tpu.dma_semaphore, #tpu.memory_space<semaphore_mem>>) src(%dma_wait3A_47 : memref<136x128xi32, #tpu.memory_space<hbm>>) dst(%dma_wait3A_45 : memref<136x128xi32, #tpu.memory_space<vmem>>)
        tpu.yield
      }) : () -> ()
      "tpu.region"() ({
        %run_scoped3A = tpu.sem_alloc : memref<!tpu.dma_semaphore, #tpu.memory_space<semaphore_mem>>
        %dma_start3A_29 = arith.constant 0 : i32
        %dma_start3A_30 = arith.constant 0 : i32
        %dma_start3A_31 = tpu.memref_slice %arg8[%dma_start3A_29, %dma_start3A_30] : memref<136x128xi32, #tpu.memory_space<vmem>> -> memref<136x128xi32, #tpu.memory_space<vmem>>
        %dma_start3A_32 = arith.constant 0 : i32
        %dma_start3A_33 = tpu.memref_slice %arg4[%mul3A_17, %dma_start3A_32] : memref<2560x128xi32, #tpu.memory_space<hbm>> -> memref<136x128xi32, #tpu.memory_space<hbm>>
        %dma_start3A_34 = arith.constant 0 : i32
        %dma_start3A_35 = arith.constant 0 : i32
        %dma_start3A_36 = tpu.memref_slice %arg8[%dma_start3A_34, %dma_start3A_35] : memref<136x128xi32, #tpu.memory_space<vmem>> -> memref<136x128xi32, #tpu.memory_space<vmem>>
        %dma_start3A_37 = arith.constant 0 : i32
        %dma_start3A_38 = tpu.memref_slice %arg4[%mul3A_17, %dma_start3A_37] : memref<2560x128xi32, #tpu.memory_space<hbm>> -> memref<136x128xi32, #tpu.memory_space<hbm>>
        tpu.enqueue_dma source(%dma_start3A_38 : memref<136x128xi32, #tpu.memory_space<hbm>>) target(%dma_start3A_36 : memref<136x128xi32, #tpu.memory_space<vmem>>) target_semaphore(%run_scoped3A : memref<!tpu.dma_semaphore, #tpu.memory_space<semaphore_mem>>)
        %dma_wait3A = arith.constant 0 : i32
        %dma_wait3A_39 = arith.constant 0 : i32
        %dma_wait3A_40 = tpu.memref_slice %arg8[%dma_wait3A, %dma_wait3A_39] : memref<136x128xi32, #tpu.memory_space<vmem>> -> memref<136x128xi32, #tpu.memory_space<vmem>>
        %dma_wait3A_41 = arith.constant 0 : i32
        %dma_wait3A_42 = tpu.memref_slice %arg4[%mul3A_17, %dma_wait3A_41] : memref<2560x128xi32, #tpu.memory_space<hbm>> -> memref<136x128xi32, #tpu.memory_space<hbm>>
        %dma_wait3A_43 = arith.constant 0 : i32
        %dma_wait3A_44 = arith.constant 0 : i32
        %dma_wait3A_45 = tpu.memref_slice %arg8[%dma_wait3A_43, %dma_wait3A_44] : memref<136x128xi32, #tpu.memory_space<vmem>> -> memref<136x128xi32, #tpu.memory_space<vmem>>
        %dma_wait3A_46 = arith.constant 0 : i32
        %dma_wait3A_47 = tpu.memref_slice %arg4[%mul3A_17, %dma_wait3A_46] : memref<2560x128xi32, #tpu.memory_space<hbm>> -> memref<136x128xi32, #tpu.memory_space<hbm>>
        tpu.wait_dma2 semaphore(%run_scoped3A : memref<!tpu.dma_semaphore, #tpu.memory_space<semaphore_mem>>) src(%dma_wait3A_47 : memref<136x128xi32, #tpu.memory_space<hbm>>) dst(%dma_wait3A_45 : memref<136x128xi32, #tpu.memory_space<vmem>>)
        tpu.yield
      }) : () -> ()
      %dma_start3A = arith.constant 0 : i32
      %dma_start3A_18 = arith.constant 0 : i32
      %dma_start3A_19 = tpu.memref_slice %arg7[%dma_start3A, %dma_start3A_18] : memref<136x128xi32, #tpu.memory_space<vmem>> -> memref<1x128xi32, #tpu.memory_space<vmem>>
      %dma_start3A_20 = tpu.memref_squeeze %dma_start3A_19 : memref<1x128xi32, #tpu.memory_space<vmem>> -> memref<128xi32, #tpu.memory_space<vmem>>
      %dma_start3A_21 = arith.constant 0 : i32
      %dma_start3A_22 = arith.constant 0 : i32
      %dma_start3A_23 = tpu.memref_slice %arg2[%dma_start3A_21, %dma_start3A_22] : memref<10240x64xf32, #tpu.memory_space<hbm>> -> memref<10240x64xf32, #tpu.memory_space<hbm>>
      tpu.enqueue_indirect_dma source(%dma_start3A_23 : memref<10240x64xf32, #tpu.memory_space<hbm>>) target(%arg9 : memref<128x64xf32, #tpu.memory_space<vmem>>) offsets(%dma_start3A_20 : memref<128xi32, #tpu.memory_space<vmem>>) semaphore(%arg12 : memref<!tpu.dma_semaphore, #tpu.memory_space<semaphore_mem>>)
      %scan3A = arith.constant 0 : i32
      %scan3A_24 = arith.constant 0 : i32
      %scan3A_25 = arith.constant 68 : i32
      %scan3A_26 = arith.addi %scan3A_24, %scan3A_25 : i32
      %scan3A_27 = arith.constant 1 : i32
      scf.for %scan3A_29 = %scan3A_24 to %scan3A_26 step %scan3A_27  : i32 {
        %mul3A_30 = arith.constant 2 : i32
        %mul3A_31 = arith.muli %mul3A_30, %scan3A_29 : i32
        %add3A = arith.constant 0 : i32
        %add3A_32 = arith.addi %mul3A_31, %add3A : i32
        %dma_wait3A = arith.constant 0 : i32
        %dma_wait3A_33 = tpu.memref_slice %arg7[%add3A_32, %dma_wait3A] : memref<136x128xi32, #tpu.memory_space<vmem>> -> memref<1x128xi32, #tpu.memory_space<vmem>>
        %dma_wait3A_34 = tpu.memref_squeeze %dma_wait3A_33 : memref<1x128xi32, #tpu.memory_space<vmem>> -> memref<128xi32, #tpu.memory_space<vmem>>
        %dma_wait3A_35 = arith.constant 0 : i32
        %dma_wait3A_36 = arith.constant 0 : i32
        %dma_wait3A_37 = tpu.memref_slice %arg2[%dma_wait3A_35, %dma_wait3A_36] : memref<10240x64xf32, #tpu.memory_space<hbm>> -> memref<10240x64xf32, #tpu.memory_space<hbm>>
        tpu.wait_indirect_dma semaphore(%arg12 : memref<!tpu.dma_semaphore, #tpu.memory_space<semaphore_mem>>) src(%dma_wait3A_37 : memref<10240x64xf32, #tpu.memory_space<hbm>>) dst(%arg9 : memref<128x64xf32, #tpu.memory_space<vmem>>)
        %add3A_38 = arith.constant 1 : i32
        %add3A_39 = arith.addi %add3A_32, %add3A_38 : i32
        %lt3A_40 = arith.constant 136 : i32
        %lt3A_41 = arith.cmpi slt, %add3A_39, %lt3A_40 : i32
        %convert_element_type3A_42 = arith.extui %lt3A_41 : i1 to i32
        %cond3A_43 = arith.constant 0 : i32
        %cond3A_44 = arith.cmpi ne, %convert_element_type3A_42, %cond3A_43 : i32
        scf.if %cond3A_44 {
          %add3A_62 = arith.constant 1 : i32
          %add3A_63 = arith.addi %add3A_32, %add3A_62 : i32
          %dma_start3A_64 = arith.constant 0 : i32
          %dma_start3A_65 = tpu.memref_slice %arg7[%add3A_63, %dma_start3A_64] : memref<136x128xi32, #tpu.memory_space<vmem>> -> memref<1x128xi32, #tpu.memory_space<vmem>>
          %dma_start3A_66 = tpu.memref_squeeze %dma_start3A_65 : memref<1x128xi32, #tpu.memory_space<vmem>> -> memref<128xi32, #tpu.memory_space<vmem>>
          %dma_start3A_67 = arith.constant 0 : i32
          %dma_start3A_68 = arith.constant 0 : i32
          %dma_start3A_69 = tpu.memref_slice %arg2[%dma_start3A_67, %dma_start3A_68] : memref<10240x64xf32, #tpu.memory_space<hbm>> -> memref<10240x64xf32, #tpu.memory_space<hbm>>
          tpu.enqueue_indirect_dma source(%dma_start3A_69 : memref<10240x64xf32, #tpu.memory_space<hbm>>) target(%arg10 : memref<128x64xf32, #tpu.memory_space<vmem>>) offsets(%dma_start3A_66 : memref<128xi32, #tpu.memory_space<vmem>>) semaphore(%arg13 : memref<!tpu.dma_semaphore, #tpu.memory_space<semaphore_mem>>)
        } else {
        }
        "tpu.region"() ({
          %run_scoped3A = tpu.sem_alloc : memref<!tpu.dma_semaphore, #tpu.memory_space<semaphore_mem>>
          %dma_start3A_62 = arith.constant 0 : i32
          %dma_start3A_63 = tpu.memref_slice %arg8[%add3A_32, %dma_start3A_62] : memref<136x128xi32, #tpu.memory_space<vmem>> -> memref<1x128xi32, #tpu.memory_space<vmem>>
          %dma_start3A_64 = tpu.memref_squeeze %dma_start3A_63 : memref<1x128xi32, #tpu.memory_space<vmem>> -> memref<128xi32, #tpu.memory_space<vmem>>
          %dma_start3A_65 = arith.constant 0 : i32
          %dma_start3A_66 = arith.constant 0 : i32
          %dma_start3A_67 = tpu.memref_slice %arg11[%dma_start3A_65, %dma_start3A_66] : memref<10240x64xf32, #tpu.memory_space<vmem_shared>> -> memref<10240x64xf32, #tpu.memory_space<vmem_shared>>
          tpu.enqueue_indirect_dma source(%arg9 : memref<128x64xf32, #tpu.memory_space<vmem>>) target(%dma_start3A_67 : memref<10240x64xf32, #tpu.memory_space<vmem_shared>>) offsets(%dma_start3A_64 : memref<128xi32, #tpu.memory_space<vmem>>) semaphore(%run_scoped3A : memref<!tpu.dma_semaphore, #tpu.memory_space<semaphore_mem>>) {add = true}
          %dma_wait3A_68 = arith.constant 0 : i32
          %dma_wait3A_69 = tpu.memref_slice %arg8[%add3A_32, %dma_wait3A_68] : memref<136x128xi32, #tpu.memory_space<vmem>> -> memref<1x128xi32, #tpu.memory_space<vmem>>
          %dma_wait3A_70 = tpu.memref_squeeze %dma_wait3A_69 : memref<1x128xi32, #tpu.memory_space<vmem>> -> memref<128xi32, #tpu.memory_space<vmem>>
          %dma_wait3A_71 = arith.constant 0 : i32
          %dma_wait3A_72 = arith.constant 0 : i32
          %dma_wait3A_73 = tpu.memref_slice %arg11[%dma_wait3A_71, %dma_wait3A_72] : memref<10240x64xf32, #tpu.memory_space<vmem_shared>> -> memref<10240x64xf32, #tpu.memory_space<vmem_shared>>
          tpu.wait_indirect_dma semaphore(%run_scoped3A : memref<!tpu.dma_semaphore, #tpu.memory_space<semaphore_mem>>) src(%arg9 : memref<128x64xf32, #tpu.memory_space<vmem>>) dst(%dma_wait3A_73 : memref<10240x64xf32, #tpu.memory_space<vmem_shared>>)
          tpu.yield
        }) : () -> ()
        %mul3A_45 = arith.constant 2 : i32
        %mul3A_46 = arith.muli %mul3A_45, %scan3A_29 : i32
        %add3A_47 = arith.constant 1 : i32
        %add3A_48 = arith.addi %mul3A_46, %add3A_47 : i32
        %dma_wait3A_49 = arith.constant 0 : i32
        %dma_wait3A_50 = tpu.memref_slice %arg7[%add3A_48, %dma_wait3A_49] : memref<136x128xi32, #tpu.memory_space<vmem>> -> memref<1x128xi32, #tpu.memory_space<vmem>>
        %dma_wait3A_51 = tpu.memref_squeeze %dma_wait3A_50 : memref<1x128xi32, #tpu.memory_space<vmem>> -> memref<128xi32, #tpu.memory_space<vmem>>
        %dma_wait3A_52 = arith.constant 0 : i32
        %dma_wait3A_53 = arith.constant 0 : i32
        %dma_wait3A_54 = tpu.memref_slice %arg2[%dma_wait3A_52, %dma_wait3A_53] : memref<10240x64xf32, #tpu.memory_space<hbm>> -> memref<10240x64xf32, #tpu.memory_space<hbm>>
        tpu.wait_indirect_dma semaphore(%arg13 : memref<!tpu.dma_semaphore, #tpu.memory_space<semaphore_mem>>) src(%dma_wait3A_54 : memref<10240x64xf32, #tpu.memory_space<hbm>>) dst(%arg10 : memref<128x64xf32, #tpu.memory_space<vmem>>)
        %add3A_55 = arith.constant 1 : i32
        %add3A_56 = arith.addi %add3A_48, %add3A_55 : i32
        %lt3A_57 = arith.constant 136 : i32
        %lt3A_58 = arith.cmpi slt, %add3A_56, %lt3A_57 : i32
        %convert_element_type3A_59 = arith.extui %lt3A_58 : i1 to i32
        %cond3A_60 = arith.constant 0 : i32
        %cond3A_61 = arith.cmpi ne, %convert_element_type3A_59, %cond3A_60 : i32
        scf.if %cond3A_61 {
          %add3A_62 = arith.constant 1 : i32
          %add3A_63 = arith.addi %add3A_48, %add3A_62 : i32
          %dma_start3A_64 = arith.constant 0 : i32
          %dma_start3A_65 = tpu.memref_slice %arg7[%add3A_63, %dma_start3A_64] : memref<136x128xi32, #tpu.memory_space<vmem>> -> memref<1x128xi32, #tpu.memory_space<vmem>>
          %dma_start3A_66 = tpu.memref_squeeze %dma_start3A_65 : memref<1x128xi32, #tpu.memory_space<vmem>> -> memref<128xi32, #tpu.memory_space<vmem>>
          %dma_start3A_67 = arith.constant 0 : i32
          %dma_start3A_68 = arith.constant 0 : i32
          %dma_start3A_69 = tpu.memref_slice %arg2[%dma_start3A_67, %dma_start3A_68] : memref<10240x64xf32, #tpu.memory_space<hbm>> -> memref<10240x64xf32, #tpu.memory_space<hbm>>
          tpu.enqueue_indirect_dma source(%dma_start3A_69 : memref<10240x64xf32, #tpu.memory_space<hbm>>) target(%arg9 : memref<128x64xf32, #tpu.memory_space<vmem>>) offsets(%dma_start3A_66 : memref<128xi32, #tpu.memory_space<vmem>>) semaphore(%arg12 : memref<!tpu.dma_semaphore, #tpu.memory_space<semaphore_mem>>)
        } else {
        }
        "tpu.region"() ({
          %run_scoped3A = tpu.sem_alloc : memref<!tpu.dma_semaphore, #tpu.memory_space<semaphore_mem>>
          %dma_start3A_62 = arith.constant 0 : i32
          %dma_start3A_63 = tpu.memref_slice %arg8[%add3A_48, %dma_start3A_62] : memref<136x128xi32, #tpu.memory_space<vmem>> -> memref<1x128xi32, #tpu.memory_space<vmem>>
          %dma_start3A_64 = tpu.memref_squeeze %dma_start3A_63 : memref<1x128xi32, #tpu.memory_space<vmem>> -> memref<128xi32, #tpu.memory_space<vmem>>
          %dma_start3A_65 = arith.constant 0 : i32
          %dma_start3A_66 = arith.constant 0 : i32
          %dma_start3A_67 = tpu.memref_slice %arg11[%dma_start3A_65, %dma_start3A_66] : memref<10240x64xf32, #tpu.memory_space<vmem_shared>> -> memref<10240x64xf32, #tpu.memory_space<vmem_shared>>
          tpu.enqueue_indirect_dma source(%arg10 : memref<128x64xf32, #tpu.memory_space<vmem>>) target(%dma_start3A_67 : memref<10240x64xf32, #tpu.memory_space<vmem_shared>>) offsets(%dma_start3A_64 : memref<128xi32, #tpu.memory_space<vmem>>) semaphore(%run_scoped3A : memref<!tpu.dma_semaphore, #tpu.memory_space<semaphore_mem>>) {add = true}
          %dma_wait3A_68 = arith.constant 0 : i32
          %dma_wait3A_69 = tpu.memref_slice %arg8[%add3A_48, %dma_wait3A_68] : memref<136x128xi32, #tpu.memory_space<vmem>> -> memref<1x128xi32, #tpu.memory_space<vmem>>
          %dma_wait3A_70 = tpu.memref_squeeze %dma_wait3A_69 : memref<1x128xi32, #tpu.memory_space<vmem>> -> memref<128xi32, #tpu.memory_space<vmem>>
          %dma_wait3A_71 = arith.constant 0 : i32
          %dma_wait3A_72 = arith.constant 0 : i32
          %dma_wait3A_73 = tpu.memref_slice %arg11[%dma_wait3A_71, %dma_wait3A_72] : memref<10240x64xf32, #tpu.memory_space<vmem_shared>> -> memref<10240x64xf32, #tpu.memory_space<vmem_shared>>
          tpu.wait_indirect_dma semaphore(%run_scoped3A : memref<!tpu.dma_semaphore, #tpu.memory_space<semaphore_mem>>) src(%arg10 : memref<128x64xf32, #tpu.memory_space<vmem>>) dst(%dma_wait3A_73 : memref<10240x64xf32, #tpu.memory_space<vmem_shared>>)
          tpu.yield
        }) : () -> ()
      }
      %scan3A_28 = arith.constant 68 : i32
    } else {
    }
    %eq3A_6 = arith.constant 1 : i32
    %eq3A_7 = arith.cmpi eq, %arg0, %eq3A_6 : i32
    %convert_element_type3A_8 = arith.extui %eq3A_7 : i1 to i32
    %cond3A_9 = arith.constant 0 : i32
    %cond3A_10 = arith.cmpi ne, %convert_element_type3A_8, %cond3A_9 : i32
    scf.if %cond3A_10 {
      %mul3A = arith.constant 24 : i32
      %mul3A_17 = arith.muli %arg1, %mul3A : i32
      %add3A = arith.constant 2176 : i32
      %add3A_18 = arith.addi %add3A, %mul3A_17 : i32
      "tpu.region"() ({
        %run_scoped3A = tpu.sem_alloc : memref<!tpu.dma_semaphore, #tpu.memory_space<semaphore_mem>>
        %dma_start3A_30 = arith.constant 0 : i32
        %dma_start3A_31 = arith.constant 0 : i32
        %dma_start3A_32 = tpu.memref_slice %arg7[%dma_start3A_30, %dma_start3A_31] : memref<136x128xi32, #tpu.memory_space<vmem>> -> memref<24x128xi32, #tpu.memory_space<vmem>>
        %dma_start3A_33 = arith.constant 0 : i32
        %dma_start3A_34 = tpu.memref_slice %arg3[%add3A_18, %dma_start3A_33] : memref<2560x128xi32, #tpu.memory_space<hbm>> -> memref<24x128xi32, #tpu.memory_space<hbm>>
        %dma_start3A_35 = arith.constant 0 : i32
        %dma_start3A_36 = arith.constant 0 : i32
        %dma_start3A_37 = tpu.memref_slice %arg7[%dma_start3A_35, %dma_start3A_36] : memref<136x128xi32, #tpu.memory_space<vmem>> -> memref<24x128xi32, #tpu.memory_space<vmem>>
        %dma_start3A_38 = arith.constant 0 : i32
        %dma_start3A_39 = tpu.memref_slice %arg3[%add3A_18, %dma_start3A_38] : memref<2560x128xi32, #tpu.memory_space<hbm>> -> memref<24x128xi32, #tpu.memory_space<hbm>>
        tpu.enqueue_dma source(%dma_start3A_39 : memref<24x128xi32, #tpu.memory_space<hbm>>) target(%dma_start3A_37 : memref<24x128xi32, #tpu.memory_space<vmem>>) target_semaphore(%run_scoped3A : memref<!tpu.dma_semaphore, #tpu.memory_space<semaphore_mem>>)
        %dma_wait3A = arith.constant 0 : i32
        %dma_wait3A_40 = arith.constant 0 : i32
        %dma_wait3A_41 = tpu.memref_slice %arg7[%dma_wait3A, %dma_wait3A_40] : memref<136x128xi32, #tpu.memory_space<vmem>> -> memref<24x128xi32, #tpu.memory_space<vmem>>
        %dma_wait3A_42 = arith.constant 0 : i32
        %dma_wait3A_43 = tpu.memref_slice %arg3[%add3A_18, %dma_wait3A_42] : memref<2560x128xi32, #tpu.memory_space<hbm>> -> memref<24x128xi32, #tpu.memory_space<hbm>>
        %dma_wait3A_44 = arith.constant 0 : i32
        %dma_wait3A_45 = arith.constant 0 : i32
        %dma_wait3A_46 = tpu.memref_slice %arg7[%dma_wait3A_44, %dma_wait3A_45] : memref<136x128xi32, #tpu.memory_space<vmem>> -> memref<24x128xi32, #tpu.memory_space<vmem>>
        %dma_wait3A_47 = arith.constant 0 : i32
        %dma_wait3A_48 = tpu.memref_slice %arg3[%add3A_18, %dma_wait3A_47] : memref<2560x128xi32, #tpu.memory_space<hbm>> -> memref<24x128xi32, #tpu.memory_space<hbm>>
        tpu.wait_dma2 semaphore(%run_scoped3A : memref<!tpu.dma_semaphore, #tpu.memory_space<semaphore_mem>>) src(%dma_wait3A_48 : memref<24x128xi32, #tpu.memory_space<hbm>>) dst(%dma_wait3A_46 : memref<24x128xi32, #tpu.memory_space<vmem>>)
        tpu.yield
      }) : () -> ()
      "tpu.region"() ({
        %run_scoped3A = tpu.sem_alloc : memref<!tpu.dma_semaphore, #tpu.memory_space<semaphore_mem>>
        %dma_start3A_30 = arith.constant 0 : i32
        %dma_start3A_31 = arith.constant 0 : i32
        %dma_start3A_32 = tpu.memref_slice %arg8[%dma_start3A_30, %dma_start3A_31] : memref<136x128xi32, #tpu.memory_space<vmem>> -> memref<24x128xi32, #tpu.memory_space<vmem>>
        %dma_start3A_33 = arith.constant 0 : i32
        %dma_start3A_34 = tpu.memref_slice %arg4[%add3A_18, %dma_start3A_33] : memref<2560x128xi32, #tpu.memory_space<hbm>> -> memref<24x128xi32, #tpu.memory_space<hbm>>
        %dma_start3A_35 = arith.constant 0 : i32
        %dma_start3A_36 = arith.constant 0 : i32
        %dma_start3A_37 = tpu.memref_slice %arg8[%dma_start3A_35, %dma_start3A_36] : memref<136x128xi32, #tpu.memory_space<vmem>> -> memref<24x128xi32, #tpu.memory_space<vmem>>
        %dma_start3A_38 = arith.constant 0 : i32
        %dma_start3A_39 = tpu.memref_slice %arg4[%add3A_18, %dma_start3A_38] : memref<2560x128xi32, #tpu.memory_space<hbm>> -> memref<24x128xi32, #tpu.memory_space<hbm>>
        tpu.enqueue_dma source(%dma_start3A_39 : memref<24x128xi32, #tpu.memory_space<hbm>>) target(%dma_start3A_37 : memref<24x128xi32, #tpu.memory_space<vmem>>) target_semaphore(%run_scoped3A : memref<!tpu.dma_semaphore, #tpu.memory_space<semaphore_mem>>)
        %dma_wait3A = arith.constant 0 : i32
        %dma_wait3A_40 = arith.constant 0 : i32
        %dma_wait3A_41 = tpu.memref_slice %arg8[%dma_wait3A, %dma_wait3A_40] : memref<136x128xi32, #tpu.memory_space<vmem>> -> memref<24x128xi32, #tpu.memory_space<vmem>>
        %dma_wait3A_42 = arith.constant 0 : i32
        %dma_wait3A_43 = tpu.memref_slice %arg4[%add3A_18, %dma_wait3A_42] : memref<2560x128xi32, #tpu.memory_space<hbm>> -> memref<24x128xi32, #tpu.memory_space<hbm>>
        %dma_wait3A_44 = arith.constant 0 : i32
        %dma_wait3A_45 = arith.constant 0 : i32
        %dma_wait3A_46 = tpu.memref_slice %arg8[%dma_wait3A_44, %dma_wait3A_45] : memref<136x128xi32, #tpu.memory_space<vmem>> -> memref<24x128xi32, #tpu.memory_space<vmem>>
        %dma_wait3A_47 = arith.constant 0 : i32
        %dma_wait3A_48 = tpu.memref_slice %arg4[%add3A_18, %dma_wait3A_47] : memref<2560x128xi32, #tpu.memory_space<hbm>> -> memref<24x128xi32, #tpu.memory_space<hbm>>
        tpu.wait_dma2 semaphore(%run_scoped3A : memref<!tpu.dma_semaphore, #tpu.memory_space<semaphore_mem>>) src(%dma_wait3A_48 : memref<24x128xi32, #tpu.memory_space<hbm>>) dst(%dma_wait3A_46 : memref<24x128xi32, #tpu.memory_space<vmem>>)
        tpu.yield
      }) : () -> ()
      %dma_start3A = arith.constant 0 : i32
      %dma_start3A_19 = arith.constant 0 : i32
      %dma_start3A_20 = tpu.memref_slice %arg7[%dma_start3A, %dma_start3A_19] : memref<136x128xi32, #tpu.memory_space<vmem>> -> memref<1x128xi32, #tpu.memory_space<vmem>>
      %dma_start3A_21 = tpu.memref_squeeze %dma_start3A_20 : memref<1x128xi32, #tpu.memory_space<vmem>> -> memref<128xi32, #tpu.memory_space<vmem>>
      %dma_start3A_22 = arith.constant 0 : i32
      %dma_start3A_23 = arith.constant 0 : i32
      %dma_start3A_24 = tpu.memref_slice %arg2[%dma_start3A_22, %dma_start3A_23] : memref<10240x64xf32, #tpu.memory_space<hbm>> -> memref<10240x64xf32, #tpu.memory_space<hbm>>
      tpu.enqueue_indirect_dma source(%dma_start3A_24 : memref<10240x64xf32, #tpu.memory_space<hbm>>) target(%arg9 : memref<128x64xf32, #tpu.memory_space<vmem>>) offsets(%dma_start3A_21 : memref<128xi32, #tpu.memory_space<vmem>>) semaphore(%arg12 : memref<!tpu.dma_semaphore, #tpu.memory_space<semaphore_mem>>)
      %scan3A = arith.constant 0 : i32
      %scan3A_25 = arith.constant 0 : i32
      %scan3A_26 = arith.constant 12 : i32
      %scan3A_27 = arith.addi %scan3A_25, %scan3A_26 : i32
      %scan3A_28 = arith.constant 1 : i32
      scf.for %scan3A_30 = %scan3A_25 to %scan3A_27 step %scan3A_28  : i32 {
        %mul3A_31 = arith.constant 2 : i32
        %mul3A_32 = arith.muli %mul3A_31, %scan3A_30 : i32
        %add3A_33 = arith.constant 0 : i32
        %add3A_34 = arith.addi %mul3A_32, %add3A_33 : i32
        %dma_wait3A = arith.constant 0 : i32
        %dma_wait3A_35 = tpu.memref_slice %arg7[%add3A_34, %dma_wait3A] : memref<136x128xi32, #tpu.memory_space<vmem>> -> memref<1x128xi32, #tpu.memory_space<vmem>>
        %dma_wait3A_36 = tpu.memref_squeeze %dma_wait3A_35 : memref<1x128xi32, #tpu.memory_space<vmem>> -> memref<128xi32, #tpu.memory_space<vmem>>
        %dma_wait3A_37 = arith.constant 0 : i32
        %dma_wait3A_38 = arith.constant 0 : i32
        %dma_wait3A_39 = tpu.memref_slice %arg2[%dma_wait3A_37, %dma_wait3A_38] : memref<10240x64xf32, #tpu.memory_space<hbm>> -> memref<10240x64xf32, #tpu.memory_space<hbm>>
        tpu.wait_indirect_dma semaphore(%arg12 : memref<!tpu.dma_semaphore, #tpu.memory_space<semaphore_mem>>) src(%dma_wait3A_39 : memref<10240x64xf32, #tpu.memory_space<hbm>>) dst(%arg9 : memref<128x64xf32, #tpu.memory_space<vmem>>)
        %add3A_40 = arith.constant 1 : i32
        %add3A_41 = arith.addi %add3A_34, %add3A_40 : i32
        %lt3A_42 = arith.constant 24 : i32
        %lt3A_43 = arith.cmpi slt, %add3A_41, %lt3A_42 : i32
        %convert_element_type3A_44 = arith.extui %lt3A_43 : i1 to i32
        %cond3A_45 = arith.constant 0 : i32
        %cond3A_46 = arith.cmpi ne, %convert_element_type3A_44, %cond3A_45 : i32
        scf.if %cond3A_46 {
          %add3A_64 = arith.constant 1 : i32
          %add3A_65 = arith.addi %add3A_34, %add3A_64 : i32
          %dma_start3A_66 = arith.constant 0 : i32
          %dma_start3A_67 = tpu.memref_slice %arg7[%add3A_65, %dma_start3A_66] : memref<136x128xi32, #tpu.memory_space<vmem>> -> memref<1x128xi32, #tpu.memory_space<vmem>>
          %dma_start3A_68 = tpu.memref_squeeze %dma_start3A_67 : memref<1x128xi32, #tpu.memory_space<vmem>> -> memref<128xi32, #tpu.memory_space<vmem>>
          %dma_start3A_69 = arith.constant 0 : i32
          %dma_start3A_70 = arith.constant 0 : i32
          %dma_start3A_71 = tpu.memref_slice %arg2[%dma_start3A_69, %dma_start3A_70] : memref<10240x64xf32, #tpu.memory_space<hbm>> -> memref<10240x64xf32, #tpu.memory_space<hbm>>
          tpu.enqueue_indirect_dma source(%dma_start3A_71 : memref<10240x64xf32, #tpu.memory_space<hbm>>) target(%arg10 : memref<128x64xf32, #tpu.memory_space<vmem>>) offsets(%dma_start3A_68 : memref<128xi32, #tpu.memory_space<vmem>>) semaphore(%arg13 : memref<!tpu.dma_semaphore, #tpu.memory_space<semaphore_mem>>)
        } else {
        }
        "tpu.region"() ({
          %run_scoped3A = tpu.sem_alloc : memref<!tpu.dma_semaphore, #tpu.memory_space<semaphore_mem>>
          %dma_start3A_64 = arith.constant 0 : i32
          %dma_start3A_65 = tpu.memref_slice %arg8[%add3A_34, %dma_start3A_64] : memref<136x128xi32, #tpu.memory_space<vmem>> -> memref<1x128xi32, #tpu.memory_space<vmem>>
          %dma_start3A_66 = tpu.memref_squeeze %dma_start3A_65 : memref<1x128xi32, #tpu.memory_space<vmem>> -> memref<128xi32, #tpu.memory_space<vmem>>
          %dma_start3A_67 = arith.constant 0 : i32
          %dma_start3A_68 = arith.constant 0 : i32
          %dma_start3A_69 = tpu.memref_slice %arg11[%dma_start3A_67, %dma_start3A_68] : memref<10240x64xf32, #tpu.memory_space<vmem_shared>> -> memref<10240x64xf32, #tpu.memory_space<vmem_shared>>
          tpu.enqueue_indirect_dma source(%arg9 : memref<128x64xf32, #tpu.memory_space<vmem>>) target(%dma_start3A_69 : memref<10240x64xf32, #tpu.memory_space<vmem_shared>>) offsets(%dma_start3A_66 : memref<128xi32, #tpu.memory_space<vmem>>) semaphore(%run_scoped3A : memref<!tpu.dma_semaphore, #tpu.memory_space<semaphore_mem>>) {add = true}
          %dma_wait3A_70 = arith.constant 0 : i32
          %dma_wait3A_71 = tpu.memref_slice %arg8[%add3A_34, %dma_wait3A_70] : memref<136x128xi32, #tpu.memory_space<vmem>> -> memref<1x128xi32, #tpu.memory_space<vmem>>
          %dma_wait3A_72 = tpu.memref_squeeze %dma_wait3A_71 : memref<1x128xi32, #tpu.memory_space<vmem>> -> memref<128xi32, #tpu.memory_space<vmem>>
          %dma_wait3A_73 = arith.constant 0 : i32
          %dma_wait3A_74 = arith.constant 0 : i32
          %dma_wait3A_75 = tpu.memref_slice %arg11[%dma_wait3A_73, %dma_wait3A_74] : memref<10240x64xf32, #tpu.memory_space<vmem_shared>> -> memref<10240x64xf32, #tpu.memory_space<vmem_shared>>
          tpu.wait_indirect_dma semaphore(%run_scoped3A : memref<!tpu.dma_semaphore, #tpu.memory_space<semaphore_mem>>) src(%arg9 : memref<128x64xf32, #tpu.memory_space<vmem>>) dst(%dma_wait3A_75 : memref<10240x64xf32, #tpu.memory_space<vmem_shared>>)
          tpu.yield
        }) : () -> ()
        %mul3A_47 = arith.constant 2 : i32
        %mul3A_48 = arith.muli %mul3A_47, %scan3A_30 : i32
        %add3A_49 = arith.constant 1 : i32
        %add3A_50 = arith.addi %mul3A_48, %add3A_49 : i32
        %dma_wait3A_51 = arith.constant 0 : i32
        %dma_wait3A_52 = tpu.memref_slice %arg7[%add3A_50, %dma_wait3A_51] : memref<136x128xi32, #tpu.memory_space<vmem>> -> memref<1x128xi32, #tpu.memory_space<vmem>>
        %dma_wait3A_53 = tpu.memref_squeeze %dma_wait3A_52 : memref<1x128xi32, #tpu.memory_space<vmem>> -> memref<128xi32, #tpu.memory_space<vmem>>
        %dma_wait3A_54 = arith.constant 0 : i32
        %dma_wait3A_55 = arith.constant 0 : i32
        %dma_wait3A_56 = tpu.memref_slice %arg2[%dma_wait3A_54, %dma_wait3A_55] : memref<10240x64xf32, #tpu.memory_space<hbm>> -> memref<10240x64xf32, #tpu.memory_space<hbm>>
        tpu.wait_indirect_dma semaphore(%arg13 : memref<!tpu.dma_semaphore, #tpu.memory_space<semaphore_mem>>) src(%dma_wait3A_56 : memref<10240x64xf32, #tpu.memory_space<hbm>>) dst(%arg10 : memref<128x64xf32, #tpu.memory_space<vmem>>)
        %add3A_57 = arith.constant 1 : i32
        %add3A_58 = arith.addi %add3A_50, %add3A_57 : i32
        %lt3A_59 = arith.constant 24 : i32
        %lt3A_60 = arith.cmpi slt, %add3A_58, %lt3A_59 : i32
        %convert_element_type3A_61 = arith.extui %lt3A_60 : i1 to i32
        %cond3A_62 = arith.constant 0 : i32
        %cond3A_63 = arith.cmpi ne, %convert_element_type3A_61, %cond3A_62 : i32
        scf.if %cond3A_63 {
          %add3A_64 = arith.constant 1 : i32
          %add3A_65 = arith.addi %add3A_50, %add3A_64 : i32
          %dma_start3A_66 = arith.constant 0 : i32
          %dma_start3A_67 = tpu.memref_slice %arg7[%add3A_65, %dma_start3A_66] : memref<136x128xi32, #tpu.memory_space<vmem>> -> memref<1x128xi32, #tpu.memory_space<vmem>>
          %dma_start3A_68 = tpu.memref_squeeze %dma_start3A_67 : memref<1x128xi32, #tpu.memory_space<vmem>> -> memref<128xi32, #tpu.memory_space<vmem>>
          %dma_start3A_69 = arith.constant 0 : i32
          %dma_start3A_70 = arith.constant 0 : i32
          %dma_start3A_71 = tpu.memref_slice %arg2[%dma_start3A_69, %dma_start3A_70] : memref<10240x64xf32, #tpu.memory_space<hbm>> -> memref<10240x64xf32, #tpu.memory_space<hbm>>
          tpu.enqueue_indirect_dma source(%dma_start3A_71 : memref<10240x64xf32, #tpu.memory_space<hbm>>) target(%arg9 : memref<128x64xf32, #tpu.memory_space<vmem>>) offsets(%dma_start3A_68 : memref<128xi32, #tpu.memory_space<vmem>>) semaphore(%arg12 : memref<!tpu.dma_semaphore, #tpu.memory_space<semaphore_mem>>)
        } else {
        }
        "tpu.region"() ({
          %run_scoped3A = tpu.sem_alloc : memref<!tpu.dma_semaphore, #tpu.memory_space<semaphore_mem>>
          %dma_start3A_64 = arith.constant 0 : i32
          %dma_start3A_65 = tpu.memref_slice %arg8[%add3A_50, %dma_start3A_64] : memref<136x128xi32, #tpu.memory_space<vmem>> -> memref<1x128xi32, #tpu.memory_space<vmem>>
          %dma_start3A_66 = tpu.memref_squeeze %dma_start3A_65 : memref<1x128xi32, #tpu.memory_space<vmem>> -> memref<128xi32, #tpu.memory_space<vmem>>
          %dma_start3A_67 = arith.constant 0 : i32
          %dma_start3A_68 = arith.constant 0 : i32
          %dma_start3A_69 = tpu.memref_slice %arg11[%dma_start3A_67, %dma_start3A_68] : memref<10240x64xf32, #tpu.memory_space<vmem_shared>> -> memref<10240x64xf32, #tpu.memory_space<vmem_shared>>
          tpu.enqueue_indirect_dma source(%arg10 : memref<128x64xf32, #tpu.memory_space<vmem>>) target(%dma_start3A_69 : memref<10240x64xf32, #tpu.memory_space<vmem_shared>>) offsets(%dma_start3A_66 : memref<128xi32, #tpu.memory_space<vmem>>) semaphore(%run_scoped3A : memref<!tpu.dma_semaphore, #tpu.memory_space<semaphore_mem>>) {add = true}
          %dma_wait3A_70 = arith.constant 0 : i32
          %dma_wait3A_71 = tpu.memref_slice %arg8[%add3A_50, %dma_wait3A_70] : memref<136x128xi32, #tpu.memory_space<vmem>> -> memref<1x128xi32, #tpu.memory_space<vmem>>
          %dma_wait3A_72 = tpu.memref_squeeze %dma_wait3A_71 : memref<1x128xi32, #tpu.memory_space<vmem>> -> memref<128xi32, #tpu.memory_space<vmem>>
          %dma_wait3A_73 = arith.constant 0 : i32
          %dma_wait3A_74 = arith.constant 0 : i32
          %dma_wait3A_75 = tpu.memref_slice %arg11[%dma_wait3A_73, %dma_wait3A_74] : memref<10240x64xf32, #tpu.memory_space<vmem_shared>> -> memref<10240x64xf32, #tpu.memory_space<vmem_shared>>
          tpu.wait_indirect_dma semaphore(%run_scoped3A : memref<!tpu.dma_semaphore, #tpu.memory_space<semaphore_mem>>) src(%arg10 : memref<128x64xf32, #tpu.memory_space<vmem>>) dst(%dma_wait3A_75 : memref<10240x64xf32, #tpu.memory_space<vmem_shared>>)
          tpu.yield
        }) : () -> ()
      }
      %scan3A_29 = arith.constant 12 : i32
    } else {
    }
    %barrier3A_11 = arith.constant 0 : index
    tpu.barrier barrier_id(%barrier3A_11)
    %lt3A_12 = arith.constant 2 : i32
    %lt3A_13 = arith.cmpi slt, %arg0, %lt3A_12 : i32
    %convert_element_type3A_14 = arith.extui %lt3A_13 : i1 to i32
    %cond3A_15 = arith.constant 0 : i32
    %cond3A_16 = arith.cmpi ne, %convert_element_type3A_14, %cond3A_15 : i32
    scf.if %cond3A_16 {
      %mul3A = arith.constant 640 : i32
      %mul3A_17 = arith.muli %arg1, %mul3A : i32
      %mul3A_18 = arith.constant 640 : i32
      %mul3A_19 = arith.muli %arg1, %mul3A_18 : i32
      "tpu.region"() ({
        %run_scoped3A = tpu.sem_alloc : memref<!tpu.dma_semaphore, #tpu.memory_space<semaphore_mem>>
        %dma_start3A = arith.constant 0 : i32
        %dma_start3A_20 = arith.constant 0 : i32
        %dma_start3A_21 = tpu.memref_slice %arg6[%arg0, %dma_start3A, %dma_start3A_20] : memref<2x10240x64xf32, #tpu.memory_space<hbm>> -> memref<1x10240x64xf32, #tpu.memory_space<hbm>>
        %dma_start3A_22 = tpu.memref_squeeze %dma_start3A_21 : memref<1x10240x64xf32, #tpu.memory_space<hbm>> -> memref<10240x64xf32, #tpu.memory_space<hbm>>
        %dma_start3A_23 = arith.constant 0 : i32
        %dma_start3A_24 = tpu.memref_slice %dma_start3A_22[%mul3A_19, %dma_start3A_23] : memref<10240x64xf32, #tpu.memory_space<hbm>> -> memref<640x64xf32, #tpu.memory_space<hbm>>
        %dma_start3A_25 = arith.constant 0 : i32
        %dma_start3A_26 = tpu.memref_slice %arg11[%mul3A_17, %dma_start3A_25] : memref<10240x64xf32, #tpu.memory_space<vmem_shared>> -> memref<640x64xf32, #tpu.memory_space<vmem_shared>>
        tpu.enqueue_dma source(%dma_start3A_26 : memref<640x64xf32, #tpu.memory_space<vmem_shared>>) target(%dma_start3A_24 : memref<640x64xf32, #tpu.memory_space<hbm>>) target_semaphore(%run_scoped3A : memref<!tpu.dma_semaphore, #tpu.memory_space<semaphore_mem>>)
        %dma_wait3A = arith.constant 0 : i32
        %dma_wait3A_27 = arith.constant 0 : i32
        %dma_wait3A_28 = tpu.memref_slice %arg6[%arg0, %dma_wait3A, %dma_wait3A_27] : memref<2x10240x64xf32, #tpu.memory_space<hbm>> -> memref<1x10240x64xf32, #tpu.memory_space<hbm>>
        %dma_wait3A_29 = tpu.memref_squeeze %dma_wait3A_28 : memref<1x10240x64xf32, #tpu.memory_space<hbm>> -> memref<10240x64xf32, #tpu.memory_space<hbm>>
        %dma_wait3A_30 = arith.constant 0 : i32
        %dma_wait3A_31 = tpu.memref_slice %dma_wait3A_29[%mul3A_19, %dma_wait3A_30] : memref<10240x64xf32, #tpu.memory_space<hbm>> -> memref<640x64xf32, #tpu.memory_space<hbm>>
        %dma_wait3A_32 = arith.constant 0 : i32
        %dma_wait3A_33 = tpu.memref_slice %arg11[%mul3A_17, %dma_wait3A_32] : memref<10240x64xf32, #tpu.memory_space<vmem_shared>> -> memref<640x64xf32, #tpu.memory_space<vmem_shared>>
        tpu.wait_dma2 semaphore(%run_scoped3A : memref<!tpu.dma_semaphore, #tpu.memory_space<semaphore_mem>>) src(%dma_wait3A_33 : memref<640x64xf32, #tpu.memory_space<vmem_shared>>) dst(%dma_wait3A_31 : memref<640x64xf32, #tpu.memory_space<hbm>>)
        tpu.yield
      }) : () -> ()
    } else {
    }
    return
  }
}

module attributes {stable_mosaic.version = 14 : i64} {
  func.func @_stage1_body(%arg0: i32, %arg1: memref<1280x128xf32, #tpu.memory_space<vmem>>, %arg2: memref<128x64xf32, #tpu.memory_space<vmem>>, %arg3: memref<2x1280x16xf32, #tpu.memory_space<vmem>>, %arg4: memref<1280x64xf32, #tpu.memory_space<vmem>>, %arg5: memref<1280x1xf32, #tpu.memory_space<vmem>>) attributes {dimension_semantics = [#tpu.dimension_semantics<arbitrary>], iteration_bounds = array<i64: 8>, scalar_prefetch = 0 : i64, scratch_operands = 0 : i64, tpu.core_type = #tpu.core_type<tc>, window_params = [{transform_indices = @transform_0, window_bounds = array<i64: 1280, 128>}, {pipeline_mode = #tpu.pipeline_mode<synchronous>, transform_indices = @transform_1, window_bounds = array<i64: 128, 64>}, {transform_indices = @transform_2, window_bounds = array<i64: 2, 1280, 16>}, {transform_indices = @transform_3, window_bounds = array<i64: 1280, 64>}, {transform_indices = @transform_4, window_bounds = array<i64: 1280, 1>}]} {
    %get3A = arith.constant 0 : index
    %get3A_0 = arith.constant 0 : index
    %get3A_1 = arith.constant 0 : index
    %get3A_2 = vector.load %arg3[%get3A, %get3A_0, %get3A_1] : memref<2x1280x16xf32, #tpu.memory_space<vmem>>, vector<1x1280x16xf32>
    %get3A_3 = vector.shape_cast %get3A_2 : vector<1x1280x16xf32> to vector<1280x16xf32>
    %slice3A = vector.extract_strided_slice %get3A_3 {offsets = [0, 0], sizes = [1280, 1], strides = [1, 1]} : vector<1280x16xf32> to vector<1280x1xf32>
    %get3A_4 = arith.constant 1 : index
    %get3A_5 = arith.constant 0 : index
    %get3A_6 = arith.constant 0 : index
    %get3A_7 = vector.load %arg3[%get3A_4, %get3A_5, %get3A_6] : memref<2x1280x16xf32, #tpu.memory_space<vmem>>, vector<1x1280x16xf32>
    %get3A_8 = vector.shape_cast %get3A_7 : vector<1x1280x16xf32> to vector<1280x16xf32>
    %slice3A_9 = vector.extract_strided_slice %get3A_8 {offsets = [0, 0], sizes = [1280, 1], strides = [1, 1]} : vector<1280x16xf32> to vector<1280x1xf32>
    %add3A = arith.addf %slice3A, %slice3A_9 : vector<1280x1xf32>
    %add3A_10 = arith.constant 1.000000e+00 : f32
    %add3A_11 = vector.broadcast %add3A_10 : f32 to vector<1280x1xf32>
    %add3A_12 = arith.addf %add3A, %add3A_11 : vector<1280x1xf32>
    %mul3A = arith.constant 1280 : i32
    %mul3A_13 = arith.muli %arg0, %mul3A : i32
    %iota3A = tpu.iota {dimensions = array<i32: 0>} : vector<1280x1xi32>
    %add3A_14 = vector.broadcast %mul3A_13 : i32 to vector<1280x1xi32>
    %add3A_15 = arith.addi %add3A_14, %iota3A : vector<1280x1xi32>
    %lt3A = arith.constant 10000 : i32
    %lt3A_16 = vector.broadcast %lt3A : i32 to vector<1280x1xi32>
    %lt3A_17 = arith.cmpi slt, %add3A_15, %lt3A_16 : vector<1280x1xi32>
    %rsqrt3A = math.rsqrt %add3A_12 : vector<1280x1xf32>
    %jit3A = arith.constant 0.000000e+00 : f32
    %broadcast_in_dim3A = vector.broadcast %jit3A : f32 to vector<1280x1xf32>
    %select_n3A = arith.select %lt3A_17, %rsqrt3A, %broadcast_in_dim3A : vector<1280x1xi1>, vector<1280x1xf32>
    %get3A_18 = arith.constant 0 : index
    %get3A_19 = arith.constant 0 : index
    %get3A_20 = vector.load %arg1[%get3A_18, %get3A_19] : memref<1280x128xf32, #tpu.memory_space<vmem>>, vector<1280x128xf32>
    %get3A_21 = arith.constant 0 : index
    %get3A_22 = arith.constant 0 : index
    %get3A_23 = vector.load %arg2[%get3A_21, %get3A_22] : memref<128x64xf32, #tpu.memory_space<vmem>>, vector<128x64xf32>
    %dot_general3A = arith.constant dense<0.000000e+00> : vector<1280x64xf32>
    %dot_general3A_24 = tpu.matmul %get3A_20, %get3A_23, %dot_general3A {dimension_numbers = #tpu.dot_dimension_numbers<[1], [0], [0], [1], [0, 0, 1, 1], [], []>, transpose_lhs_hint = false} : vector<1280x128xf32>, vector<128x64xf32>, vector<1280x64xf32> -> vector<1280x64xf32>
    %mul3A_25 = vector.broadcast %select_n3A : vector<1280x1xf32> to vector<1280x64xf32>
    %mul3A_26 = arith.mulf %dot_general3A_24, %mul3A_25 : vector<1280x64xf32>
    %swap3A = arith.constant 0 : index
    %swap3A_27 = arith.constant 0 : index
    %swap3A_28 = vector.load %arg4[%swap3A, %swap3A_27] : memref<1280x64xf32, #tpu.memory_space<vmem>>, vector<1280x64xf32>
    tpu.vector_store %arg4[%swap3A, %swap3A_27], %mul3A_26 {strides = array<i32>} : memref<1280x64xf32, #tpu.memory_space<vmem>>, vector<1280x64xf32>,
    %swap3A_29 = arith.constant 0 : index
    %swap3A_30 = arith.constant 0 : index
    %swap3A_31 = vector.load %arg5[%swap3A_29, %swap3A_30] : memref<1280x1xf32, #tpu.memory_space<vmem>>, vector<1280x1xf32>
    tpu.vector_store %arg5[%swap3A_29, %swap3A_30], %select_n3A {strides = array<i32>} : memref<1280x1xf32, #tpu.memory_space<vmem>>, vector<1280x1xf32>,
    return
  }
  func.func @transform_0(%arg0: i32) -> (i32, i32) {
    %c0_i32 = arith.constant 0 : i32
    %c0_i32_0 = arith.constant 0 : i32
    return %arg0, %c0_i32 : i32, i32
  }
  func.func @transform_1(%arg0: i32) -> (i32, i32) {
    %c0_i32 = arith.constant 0 : i32
    %c0_i32_0 = arith.constant 0 : i32
    %c0_i32_1 = arith.constant 0 : i32
    return %c0_i32, %c0_i32_0 : i32, i32
  }
  func.func @transform_2(%arg0: i32) -> (i32, i32, i32) {
    %c0_i32 = arith.constant 0 : i32
    %c0_i32_0 = arith.constant 0 : i32
    %c0_i32_1 = arith.constant 0 : i32
    return %c0_i32, %arg0, %c0_i32_0 : i32, i32, i32
  }
  func.func @transform_3(%arg0: i32) -> (i32, i32) {
    %c0_i32 = arith.constant 0 : i32
    %c0_i32_0 = arith.constant 0 : i32
    return %arg0, %c0_i32 : i32, i32
  }
  func.func @transform_4(%arg0: i32) -> (i32, i32) {
    %c0_i32 = arith.constant 0 : i32
    %c0_i32_0 = arith.constant 0 : i32
    return %arg0, %c0_i32 : i32, i32
  }
}

module attributes {stable_mosaic.version = 14 : i64} {
  func.func @_mid_body(%arg0: i32, %arg1: memref<2x1280x64xf32, #tpu.memory_space<vmem>>, %arg2: memref<1280x64xf32, #tpu.memory_space<vmem>>, %arg3: memref<1280x1xf32, #tpu.memory_space<vmem>>, %arg4: memref<1x64xf32, #tpu.memory_space<vmem>>, %arg5: memref<64x64xf32, #tpu.memory_space<vmem>>, %arg6: memref<1280x64xf32, #tpu.memory_space<vmem>>) attributes {dimension_semantics = [#tpu.dimension_semantics<arbitrary>], iteration_bounds = array<i64: 8>, scalar_prefetch = 0 : i64, scratch_operands = 0 : i64, tpu.core_type = #tpu.core_type<tc>, window_params = [{transform_indices = @transform_0, window_bounds = array<i64: 2, 1280, 64>}, {transform_indices = @transform_1, window_bounds = array<i64: 1280, 64>}, {transform_indices = @transform_2, window_bounds = array<i64: 1280, 1>}, {pipeline_mode = #tpu.pipeline_mode<synchronous>, transform_indices = @transform_3, window_bounds = array<i64: 1, 64>}, {pipeline_mode = #tpu.pipeline_mode<synchronous>, transform_indices = @transform_4, window_bounds = array<i64: 64, 64>}, {transform_indices = @transform_5, window_bounds = array<i64: 1280, 64>}]} {
    %get3A = arith.constant 0 : index
    %get3A_0 = arith.constant 0 : index
    %get3A_1 = vector.load %arg3[%get3A, %get3A_0] : memref<1280x1xf32, #tpu.memory_space<vmem>>, vector<1280x1xf32>
    %get3A_2 = arith.constant 0 : index
    %get3A_3 = arith.constant 0 : index
    %get3A_4 = arith.constant 0 : index
    %get3A_5 = vector.load %arg1[%get3A_2, %get3A_3, %get3A_4] : memref<2x1280x64xf32, #tpu.memory_space<vmem>>, vector<1x1280x64xf32>
    %get3A_6 = vector.shape_cast %get3A_5 : vector<1x1280x64xf32> to vector<1280x64xf32>
    %get3A_7 = arith.constant 1 : index
    %get3A_8 = arith.constant 0 : index
    %get3A_9 = arith.constant 0 : index
    %get3A_10 = vector.load %arg1[%get3A_7, %get3A_8, %get3A_9] : memref<2x1280x64xf32, #tpu.memory_space<vmem>>, vector<1x1280x64xf32>
    %get3A_11 = vector.shape_cast %get3A_10 : vector<1x1280x64xf32> to vector<1280x64xf32>
    %add3A = arith.addf %get3A_6, %get3A_11 : vector<1280x64xf32>
    %get3A_12 = arith.constant 0 : index
    %get3A_13 = arith.constant 0 : index
    %get3A_14 = vector.load %arg2[%get3A_12, %get3A_13] : memref<1280x64xf32, #tpu.memory_space<vmem>>, vector<1280x64xf32>
    %add3A_15 = arith.addf %add3A, %get3A_14 : vector<1280x64xf32>
    %mul3A = vector.broadcast %get3A_1 : vector<1280x1xf32> to vector<1280x64xf32>
    %mul3A_16 = arith.mulf %mul3A, %add3A_15 : vector<1280x64xf32>
    %get3A_17 = arith.constant 0 : index
    %get3A_18 = arith.constant 0 : index
    %get3A_19 = vector.load %arg4[%get3A_17, %get3A_18] : memref<1x64xf32, #tpu.memory_space<vmem>>, vector<1x64xf32>
    %add3A_20 = vector.broadcast %get3A_19 : vector<1x64xf32> to vector<1280x64xf32>
    %add3A_21 = arith.addf %mul3A_16, %add3A_20 : vector<1280x64xf32>
    %max3A = arith.constant 0.000000e+00 : f32
    %max3A_22 = vector.broadcast %max3A : f32 to vector<1280x64xf32>
    %max3A_23 = arith.maximumf %add3A_21, %max3A_22 : vector<1280x64xf32>
    %get3A_24 = arith.constant 0 : index
    %get3A_25 = arith.constant 0 : index
    %get3A_26 = vector.load %arg5[%get3A_24, %get3A_25] : memref<64x64xf32, #tpu.memory_space<vmem>>, vector<64x64xf32>
    %dot_general3A = arith.constant dense<0.000000e+00> : vector<1280x64xf32>
    %dot_general3A_27 = tpu.matmul %max3A_23, %get3A_26, %dot_general3A {dimension_numbers = #tpu.dot_dimension_numbers<[1], [0], [0], [1], [0, 0, 1, 1], [], []>, transpose_lhs_hint = false} : vector<1280x64xf32>, vector<64x64xf32>, vector<1280x64xf32> -> vector<1280x64xf32>
    %mul3A_28 = vector.broadcast %get3A_1 : vector<1280x1xf32> to vector<1280x64xf32>
    %mul3A_29 = arith.mulf %dot_general3A_27, %mul3A_28 : vector<1280x64xf32>
    %swap3A = arith.constant 0 : index
    %swap3A_30 = arith.constant 0 : index
    %swap3A_31 = vector.load %arg6[%swap3A, %swap3A_30] : memref<1280x64xf32, #tpu.memory_space<vmem>>, vector<1280x64xf32>
    tpu.vector_store %arg6[%swap3A, %swap3A_30], %mul3A_29 {strides = array<i32>} : memref<1280x64xf32, #tpu.memory_space<vmem>>, vector<1280x64xf32>,
    return
  }
  func.func @transform_0(%arg0: i32) -> (i32, i32, i32) {
    %c0_i32 = arith.constant 0 : i32
    %c0_i32_0 = arith.constant 0 : i32
    %c0_i32_1 = arith.constant 0 : i32
    return %c0_i32, %arg0, %c0_i32_0 : i32, i32, i32
  }
  func.func @transform_1(%arg0: i32) -> (i32, i32) {
    %c0_i32 = arith.constant 0 : i32
    %c0_i32_0 = arith.constant 0 : i32
    return %arg0, %c0_i32 : i32, i32
  }
  func.func @transform_2(%arg0: i32) -> (i32, i32) {
    %c0_i32 = arith.constant 0 : i32
    %c0_i32_0 = arith.constant 0 : i32
    return %arg0, %c0_i32 : i32, i32
  }
  func.func @transform_3(%arg0: i32) -> (i32, i32) {
    %c0_i32 = arith.constant 0 : i32
    %c0_i32_0 = arith.constant 0 : i32
    %c0_i32_1 = arith.constant 0 : i32
    return %c0_i32, %c0_i32_0 : i32, i32
  }
  func.func @transform_4(%arg0: i32) -> (i32, i32) {
    %c0_i32 = arith.constant 0 : i32
    %c0_i32_0 = arith.constant 0 : i32
    %c0_i32_1 = arith.constant 0 : i32
    return %c0_i32, %c0_i32_0 : i32, i32
  }
  func.func @transform_5(%arg0: i32) -> (i32, i32) {
    %c0_i32 = arith.constant 0 : i32
    %c0_i32_0 = arith.constant 0 : i32
    return %arg0, %c0_i32 : i32, i32
  }
}

module attributes {stable_mosaic.version = 14 : i64} {
  func.func @_mid_body(%arg0: i32, %arg1: memref<2x1280x64xf32, #tpu.memory_space<vmem>>, %arg2: memref<1280x64xf32, #tpu.memory_space<vmem>>, %arg3: memref<1280x1xf32, #tpu.memory_space<vmem>>, %arg4: memref<1x64xf32, #tpu.memory_space<vmem>>, %arg5: memref<64x16xf32, #tpu.memory_space<vmem>>, %arg6: memref<1280x16xf32, #tpu.memory_space<vmem>>) attributes {dimension_semantics = [#tpu.dimension_semantics<arbitrary>], iteration_bounds = array<i64: 8>, scalar_prefetch = 0 : i64, scratch_operands = 0 : i64, tpu.core_type = #tpu.core_type<tc>, window_params = [{transform_indices = @transform_0, window_bounds = array<i64: 2, 1280, 64>}, {transform_indices = @transform_1, window_bounds = array<i64: 1280, 64>}, {transform_indices = @transform_2, window_bounds = array<i64: 1280, 1>}, {pipeline_mode = #tpu.pipeline_mode<synchronous>, transform_indices = @transform_3, window_bounds = array<i64: 1, 64>}, {pipeline_mode = #tpu.pipeline_mode<synchronous>, transform_indices = @transform_4, window_bounds = array<i64: 64, 16>}, {transform_indices = @transform_5, window_bounds = array<i64: 1280, 16>}]} {
    %get3A = arith.constant 0 : index
    %get3A_0 = arith.constant 0 : index
    %get3A_1 = vector.load %arg3[%get3A, %get3A_0] : memref<1280x1xf32, #tpu.memory_space<vmem>>, vector<1280x1xf32>
    %get3A_2 = arith.constant 0 : index
    %get3A_3 = arith.constant 0 : index
    %get3A_4 = arith.constant 0 : index
    %get3A_5 = vector.load %arg1[%get3A_2, %get3A_3, %get3A_4] : memref<2x1280x64xf32, #tpu.memory_space<vmem>>, vector<1x1280x64xf32>
    %get3A_6 = vector.shape_cast %get3A_5 : vector<1x1280x64xf32> to vector<1280x64xf32>
    %get3A_7 = arith.constant 1 : index
    %get3A_8 = arith.constant 0 : index
    %get3A_9 = arith.constant 0 : index
    %get3A_10 = vector.load %arg1[%get3A_7, %get3A_8, %get3A_9] : memref<2x1280x64xf32, #tpu.memory_space<vmem>>, vector<1x1280x64xf32>
    %get3A_11 = vector.shape_cast %get3A_10 : vector<1x1280x64xf32> to vector<1280x64xf32>
    %add3A = arith.addf %get3A_6, %get3A_11 : vector<1280x64xf32>
    %get3A_12 = arith.constant 0 : index
    %get3A_13 = arith.constant 0 : index
    %get3A_14 = vector.load %arg2[%get3A_12, %get3A_13] : memref<1280x64xf32, #tpu.memory_space<vmem>>, vector<1280x64xf32>
    %add3A_15 = arith.addf %add3A, %get3A_14 : vector<1280x64xf32>
    %mul3A = vector.broadcast %get3A_1 : vector<1280x1xf32> to vector<1280x64xf32>
    %mul3A_16 = arith.mulf %mul3A, %add3A_15 : vector<1280x64xf32>
    %get3A_17 = arith.constant 0 : index
    %get3A_18 = arith.constant 0 : index
    %get3A_19 = vector.load %arg4[%get3A_17, %get3A_18] : memref<1x64xf32, #tpu.memory_space<vmem>>, vector<1x64xf32>
    %add3A_20 = vector.broadcast %get3A_19 : vector<1x64xf32> to vector<1280x64xf32>
    %add3A_21 = arith.addf %mul3A_16, %add3A_20 : vector<1280x64xf32>
    %max3A = arith.constant 0.000000e+00 : f32
    %max3A_22 = vector.broadcast %max3A : f32 to vector<1280x64xf32>
    %max3A_23 = arith.maximumf %add3A_21, %max3A_22 : vector<1280x64xf32>
    %get3A_24 = arith.constant 0 : index
    %get3A_25 = arith.constant 0 : index
    %get3A_26 = vector.load %arg5[%get3A_24, %get3A_25] : memref<64x16xf32, #tpu.memory_space<vmem>>, vector<64x16xf32>
    %dot_general3A = arith.constant dense<0.000000e+00> : vector<1280x16xf32>
    %dot_general3A_27 = tpu.matmul %max3A_23, %get3A_26, %dot_general3A {dimension_numbers = #tpu.dot_dimension_numbers<[1], [0], [0], [1], [0, 0, 1, 1], [], []>, transpose_lhs_hint = false} : vector<1280x64xf32>, vector<64x16xf32>, vector<1280x16xf32> -> vector<1280x16xf32>
    %mul3A_28 = vector.broadcast %get3A_1 : vector<1280x1xf32> to vector<1280x16xf32>
    %mul3A_29 = arith.mulf %dot_general3A_27, %mul3A_28 : vector<1280x16xf32>
    %swap3A = arith.constant 0 : index
    %swap3A_30 = arith.constant 0 : index
    %swap3A_31 = vector.load %arg6[%swap3A, %swap3A_30] : memref<1280x16xf32, #tpu.memory_space<vmem>>, vector<1280x16xf32>
    tpu.vector_store %arg6[%swap3A, %swap3A_30], %mul3A_29 {strides = array<i32>} : memref<1280x16xf32, #tpu.memory_space<vmem>>, vector<1280x16xf32>,
    return
  }
  func.func @transform_0(%arg0: i32) -> (i32, i32, i32) {
    %c0_i32 = arith.constant 0 : i32
    %c0_i32_0 = arith.constant 0 : i32
    %c0_i32_1 = arith.constant 0 : i32
    return %c0_i32, %arg0, %c0_i32_0 : i32, i32, i32
  }
  func.func @transform_1(%arg0: i32) -> (i32, i32) {
    %c0_i32 = arith.constant 0 : i32
    %c0_i32_0 = arith.constant 0 : i32
    return %arg0, %c0_i32 : i32, i32
  }
  func.func @transform_2(%arg0: i32) -> (i32, i32) {
    %c0_i32 = arith.constant 0 : i32
    %c0_i32_0 = arith.constant 0 : i32
    return %arg0, %c0_i32 : i32, i32
  }
  func.func @transform_3(%arg0: i32) -> (i32, i32) {
    %c0_i32 = arith.constant 0 : i32
    %c0_i32_0 = arith.constant 0 : i32
    %c0_i32_1 = arith.constant 0 : i32
    return %c0_i32, %c0_i32_0 : i32, i32
  }
  func.func @transform_4(%arg0: i32) -> (i32, i32) {
    %c0_i32 = arith.constant 0 : i32
    %c0_i32_0 = arith.constant 0 : i32
    %c0_i32_1 = arith.constant 0 : i32
    return %c0_i32, %c0_i32_0 : i32, i32
  }
  func.func @transform_5(%arg0: i32) -> (i32, i32) {
    %c0_i32 = arith.constant 0 : i32
    %c0_i32_0 = arith.constant 0 : i32
    return %arg0, %c0_i32 : i32, i32
  }
}

module attributes {stable_mosaic.version = 14 : i64} {
  func.func @_final_body(%arg0: memref<2x10240x16xf32, #tpu.memory_space<vmem>>, %arg1: memref<10240x16xf32, #tpu.memory_space<vmem>>, %arg2: memref<10240x1xf32, #tpu.memory_space<vmem>>, %arg3: memref<1x16xf32, #tpu.memory_space<vmem>>, %arg4: memref<1x10240xi32, #tpu.memory_space<vmem>>, %arg5: memref<64x16xf32, #tpu.memory_space<vmem>>) attributes {dimension_semantics = [], scalar_prefetch = 0 : i64, scratch_operands = 0 : i64, tpu.core_type = #tpu.core_type<tc>} {
    %get3A = arith.constant 0 : index
    %get3A_0 = arith.constant 0 : index
    %get3A_1 = arith.constant 0 : index
    %get3A_2 = vector.load %arg0[%get3A, %get3A_0, %get3A_1] : memref<2x10240x16xf32, #tpu.memory_space<vmem>>, vector<1x10240x16xf32>
    %get3A_3 = vector.shape_cast %get3A_2 : vector<1x10240x16xf32> to vector<10240x16xf32>
    %get3A_4 = arith.constant 1 : index
    %get3A_5 = arith.constant 0 : index
    %get3A_6 = arith.constant 0 : index
    %get3A_7 = vector.load %arg0[%get3A_4, %get3A_5, %get3A_6] : memref<2x10240x16xf32, #tpu.memory_space<vmem>>, vector<1x10240x16xf32>
    %get3A_8 = vector.shape_cast %get3A_7 : vector<1x10240x16xf32> to vector<10240x16xf32>
    %add3A = arith.addf %get3A_3, %get3A_8 : vector<10240x16xf32>
    %get3A_9 = arith.constant 0 : index
    %get3A_10 = arith.constant 0 : index
    %get3A_11 = vector.load %arg2[%get3A_9, %get3A_10] : memref<10240x1xf32, #tpu.memory_space<vmem>>, vector<10240x1xf32>
    %get3A_12 = arith.constant 0 : index
    %get3A_13 = arith.constant 0 : index
    %get3A_14 = vector.load %arg1[%get3A_12, %get3A_13] : memref<10240x16xf32, #tpu.memory_space<vmem>>, vector<10240x16xf32>
    %add3A_15 = arith.addf %add3A, %get3A_14 : vector<10240x16xf32>
    %mul3A = vector.broadcast %get3A_11 : vector<10240x1xf32> to vector<10240x16xf32>
    %mul3A_16 = arith.mulf %mul3A, %add3A_15 : vector<10240x16xf32>
    %get3A_17 = arith.constant 0 : index
    %get3A_18 = arith.constant 0 : index
    %get3A_19 = vector.load %arg3[%get3A_17, %get3A_18] : memref<1x16xf32, #tpu.memory_space<vmem>>, vector<1x16xf32>
    %add3A_20 = vector.broadcast %get3A_19 : vector<1x16xf32> to vector<10240x16xf32>
    %add3A_21 = arith.addf %mul3A_16, %add3A_20 : vector<10240x16xf32>
    %iota3A = tpu.iota {dimensions = array<i32: 0>} : vector<64x10240xi32>
    %get3A_22 = arith.constant 0 : index
    %get3A_23 = arith.constant 0 : index
    %get3A_24 = vector.load %arg4[%get3A_22, %get3A_23] : memref<1x10240xi32, #tpu.memory_space<vmem>>, vector<1x10240xi32>
    %eq3A = vector.broadcast %get3A_24 : vector<1x10240xi32> to vector<64x10240xi32>
    %eq3A_25 = arith.cmpi eq, %eq3A, %iota3A : vector<64x10240xi32>
    %convert_element_type3A = arith.extui %eq3A_25 : vector<64x10240xi1> to vector<64x10240xi32>
    %convert_element_type3A_26 = arith.sitofp %convert_element_type3A : vector<64x10240xi32> to vector<64x10240xf32>
    %dot_general3A = arith.constant dense<0.000000e+00> : vector<64x16xf32>
    %dot_general3A_27 = tpu.matmul %convert_element_type3A_26, %add3A_21, %dot_general3A {dimension_numbers = #tpu.dot_dimension_numbers<[1], [0], [0], [1], [0, 0, 1, 1], [], []>, transpose_lhs_hint = false} : vector<64x10240xf32>, vector<10240x16xf32>, vector<64x16xf32> -> vector<64x16xf32>
    %reduce_sum3A = arith.constant dense<0.000000e+00> : vector<64xf32>
    %reduce_sum3A_28 = vector.multi_reduction <add>, %convert_element_type3A_26, %reduce_sum3A [1] : vector<64x10240xf32> to vector<64xf32>
    %broadcast_in_dim3A = vector.shape_cast %reduce_sum3A_28 : vector<64xf32> to vector<64x1xf32>
    %max3A = arith.constant 1.000000e+00 : f32
    %max3A_29 = vector.broadcast %max3A : f32 to vector<64x1xf32>
    %max3A_30 = arith.maximumf %broadcast_in_dim3A, %max3A_29 : vector<64x1xf32>
    %div3A = vector.broadcast %max3A_30 : vector<64x1xf32> to vector<64x16xf32>
    %div3A_31 = arith.divf %dot_general3A_27, %div3A : vector<64x16xf32>
    %swap3A = arith.constant 0 : index
    %swap3A_32 = arith.constant 0 : index
    %swap3A_33 = vector.load %arg5[%swap3A, %swap3A_32] : memref<64x16xf32, #tpu.memory_space<vmem>>, vector<64x16xf32>
    tpu.vector_store %arg5[%swap3A, %swap3A_32], %div3A_31 {strides = array<i32>} : memref<64x16xf32, #tpu.memory_space<vmem>>, vector<64x16xf32>,
    return
  }
}

</mosaic_0001>

<sc_bundles>
// kernel: kernel.10.cloned.1.call-start
scs
__scs_entry_jumppad:
0x0: {  	(pc) =	sbr.rel $0x88, $3  }
0x1: {  	(tag) =	ssettag $0x0;
	lr =	simm.s32 $0x1  }
0x2: {  	[smem:$0x3F98] =	sst lr;
	_ =	strace $0xD0000000  }
0x3: {  	_ = 	snop  }
0x4: {  	_ = 	snop  }
0x5: {  	_ = 	snop  }
0x6: {  	_ = 	snop  }
0x7: {  	_ = 	snop  }
__scs_overlays_trampoline_lowered:
0x8: {  	[smem:$0x3FA7] =	sst s0  }
0x9: {  	[smem:$0x3FA8] =	sst s1  }
0xa: {  	[smem:$0x3FA9] =	sst s2  }
0xb: {  	[smem:$0x3FAA] =	sst s3  }
0xc: {  	[smem:$0x3FAB] =	sst s4  }
0xd: {  	[smem:$0x3FAC] =	sst s5  }
0xe: {  	[smem:$0x3FAD] =	sst s6  }
0xf: {  	[smem:$0x3FAE] =	sst s7  }
0x10: {  	[smem:$0x3FAF] =	sst s8  }
0x11: {  	[smem:$0x3FB0] =	sst s9;
	s0 =	simm.s32 @!p0 $0x0  }
0x12: {  	s1 =	sld [smem:$0x3F96];
	s0 =	simm.s32 @p0 $0x1  }
0x13: {  	[smem:$0x3FB1] =	sst s0;
	s0 =	simm.s32 @!p1 $0x0  }
0x14: {  	s2 =	sld [smem:$0x3F95];
	s0 =	simm.s32 @p1 $0x1  }
0x15: {  	[smem:$0x3FB2] =	sst s0;
	s0 =	simm.s32 @!p2 $0x0  }
0x16: {  	s3 =	sld [smem:$0x3FDB];
	s0 =	simm.s32 @p2 $0x1  }
0x17: {  	s4 =	simm.s32 $0x1BF5;
	[smem:$0x3FB4] =	sst s0  }
0x18: {  	s0 =	sld [smem:$0x3F97];
	_ =	swait.ge [sflag:s4], $0x0  }
0x19: {  	s7 =	sld [smem:$0x3F98]  }
0x1a: {  	s8 =	sadd.s32 $0xFFFFE003, lr  }
0x1b: {  	s9 =	sadd.s32 $0xFFFFFEF7, lr;
	s5 =	simm.s32 $0xFFFFFFFF;
	p2 =	slt.u32 s8, $0xFFFFF086  }
0x1c: {  	p1 =	slt.u32 s9, $0xF7A;
	s5 =	simm.s32 @!p2 $0x0  }
0x1d: {  	s5 =	simm.s32 @p1 $0x1;
	p0 =	seq.s32 s7, s2  }
0x1e: {  	s7 =	smul.u32 @!p0 $0xF7A, s2;
	p2 =	seq.s32 @!p0 s5, $0x0  }
0x1f: {  	s9 =	smul.u32 $0xF7A, s1;
	s8 =	simm.s32 @!p0 $0x1BF5;
	p2 =	por !p2, p0  }
0x20: {  	[sflag:s8] =	ssyncset.s32 @!p0 $0xFFFFF086;
	s6 =	sadd.s32 @!p0 s3, s7;
	s7 =	simm.s32 @!p0 $0x108  }
0x21: {  	s3 =	sadd.s32 s3, s9;
	s6 =	sadd.s32 @!p0 $0x88, s6;
	s7 =	simm.s32 @p2 $0x1082  }
0x22: {  	[simem:s7], [sflag:s8] =	dma.local @!p0 [hbm:s6], $0xF7A  }
0x23: {  	s9 =	sor.u32 $0xD0000000, s2;
	s6 =	simm.s32 $0x108;
	_ =	swait.ge @!p0 [sflag:s8], $0x0  }
0x24: {  	s3 =	sadd.s32 $0x88, s3;
	s6 =	simm.s32 @!p1 $0x1082;
	[sflag:s4] =	ssyncset.s32 $0xFFFFF086  }
0x25: {  	[simem:s6], [sflag:s4] =	dma.local [hbm:s3], $0xF7A  }
0x26: {  	[smem:$0x3F98] =	sst s1;
	(tag) =	ssettag s2;
	_ =	strace s9  }
0x27: {  	s1 =	sld [smem:$0x3FA8]  }
0x28: {  	s2 =	sld [smem:$0x3FA9]  }
0x29: {  	s4 =	sld [smem:$0x3FAB]  }
0x2a: {  	p0 =	seq.s32 s5, $0x0;
	s5 =	sld [smem:$0x3FAC]  }
0x2b: {  	s6 =	sld [smem:$0x3FAD]  }
0x2c: {  	s7 =	sld [smem:$0x3FAE]  }
0x2d: {  	s3 =	simm.s32 $0x108;
	s8 =	sld [smem:$0x3FAF]  }
0x2e: {  	s3 =	simm.s32 @!p0 $0x1082;
	s9 =	sld [smem:$0x3FB0]  }
0x2f: {  	lr =	sadd.s32 s0, s3;
	s0 =	sld [smem:$0x3FA7]  }
0x30: {  	s3 =	sld [smem:$0x3FAA]  }
0x31: {  	[smem:$0x3FB3] =	sst s10  }
0x32: {  	s10 =	sld [smem:$0x3FB1];
	_ =	sdelay $0x3  }
0x33: {  	p0 =	seq.s32 s10, $0x1;
	s10 =	sld [smem:$0x3FB3];
	_ =	sdelay $0x3  }
0x34: {  	[smem:$0x3FB3] =	sst s10  }
0x35: {  	s10 =	sld [smem:$0x3FB2];
	_ =	sdelay $0x3  }
0x36: {  	p1 =	seq.s32 s10, $0x1;
	s10 =	sld [smem:$0x3FB3];
	_ =	sdelay $0x3  }
0x37: {  	[smem:$0x3FB3] =	sst s10  }
0x38: {  	s10 =	sld [smem:$0x3FB4]  }
0x39: {  	_ = 	snop;
	(pc) =	sbr.ind lr, $3  }
0x3a: {  	_ = 	snop  }
0x3b: {  	_ = 	snop  }
0x3c: {  	p2 =	seq.s32 s10, $0x1;
	s10 =	sld [smem:$0x3FB3]  }
0x3d: {  	_ =	shalt  }
0x3e: {  	_ =	shalt  }
0x3f: {  	_ =	shalt  }
0x40: {  	_ =	shalt  }
0x41: {  	_ =	shalt  }
0x42: {  	_ =	shalt  }
0x43: {  	_ =	shalt  }
0x44: {  	_ =	shalt  }
0x45: {  	_ =	shalt  }
0x46: {  	_ =	shalt  }
0x47: {  	_ =	shalt  }
0x48: {  	_ =	shalt  }
0x49: {  	_ =	shalt  }
0x4a: {  	_ =	shalt  }
0x4b: {  	_ =	shalt  }
0x4c: {  	_ =	shalt  }
0x4d: {  	_ =	shalt  }
0x4e: {  	_ =	shalt  }
0x4f: {  	_ =	shalt  }
0x50: {  	_ =	shalt  }
0x51: {  	_ =	shalt  }
0x52: {  	_ =	shalt  }
0x53: {  	_ =	shalt  }
0x54: {  	_ =	shalt  }
0x55: {  	_ =	shalt  }
0x56: {  	_ =	shalt  }
0x57: {  	_ =	shalt  }
0x58: {  	_ =	shalt  }
0x59: {  	_ =	shalt  }
0x5a: {  	_ =	shalt  }
0x5b: {  	_ =	shalt  }
0x5c: {  	_ =	shalt  }
0x5d: {  	_ =	shalt  }
0x5e: {  	_ =	shalt  }
0x5f: {  	_ =	shalt  }
0x60: {  	_ =	shalt  }
0x61: {  	_ =	shalt  }
0x62: {  	_ =	shalt  }
0x63: {  	_ =	shalt  }
0x64: {  	_ =	shalt  }
0x65: {  	_ =	shalt  }
0x66: {  	_ =	shalt  }
0x67: {  	_ =	shalt  }
0x68: {  	_ =	shalt  }
0x69: {  	_ =	shalt  }
0x6a: {  	_ =	shalt  }
0x6b: {  	_ =	shalt  }
0x6c: {  	_ =	shalt  }
0x6d: {  	_ =	shalt  }
0x6e: {  	_ =	shalt  }
0x6f: {  	_ =	shalt  }
0x70: {  	_ =	shalt  }
0x71: {  	_ =	shalt  }
0x72: {  	_ =	shalt  }
0x73: {  	_ =	shalt  }
0x74: {  	_ =	shalt  }
0x75: {  	_ =	shalt  }
0x76: {  	_ =	shalt  }
0x77: {  	_ =	shalt  }
0x78: {  	_ =	shalt  }
0x79: {  	_ =	shalt  }
0x7a: {  	_ =	shalt  }
0x7b: {  	_ =	shalt  }
0x7c: {  	_ =	shalt  }
0x7d: {  	_ =	shalt  }
0x7e: {  	_ =	shalt  }
0x7f: {  	_ =	shalt  }
0x80: {  	_ =	shalt  }
0x81: {  	_ =	shalt  }
0x82: {  	_ =	shalt  }
0x83: {  	_ =	shalt  }
0x84: {  	_ =	shalt  }
0x85: {  	_ =	shalt  }
0x86: {  	_ =	shalt  }
0x87: {  	_ =	shalt  }
.Lfunc_end0:
.L_simem_size_0:
called_computation_lowered:
.L_overlay_start_0:
0x88: {  	s2 =	sld [smem:$0x3FD9]  }
0x89: {  	s3 =	sld [smem:$0x3FFE];
	_ =	sdelay $0x1  }
0x8a: {  	s1 =	srdreg.scid  }
0x8b: {  	s0 =	sand.u32 $0x1, s1  }
0x8c: {  	s17 =	sshll.u32 s0, $0xA;
	s2 =	sadd.s32 s3, s2  }
0x8d: {  	s2 =	sadd.s32 s2, s17  }
0x8e: {  	[smem:$0x3FBF] =	sst s2  }
0x8f: {  	_ = 	snop  }
0x90: {  	s2 =	sld [smem:$0x3FD0];
	(tm) =	ssettm $0x1  }
0x91: {  	s18 =	sld [smem:$0x3FFB];
	_ =	sdelay $0x3  }
0x92: {  	_ =	strace s18  }
0x93: {  	s3 =	sld [smem:$0x3FFC];
	_ =	sdelay $0x3  }
0x94: {  	_ =	strace s3  }
0x95: {  	s3 =	sld [smem:$0x3FFD];
	_ =	sdelay $0x3  }
0x96: {  	_ =	strace s3  }
0x97: {  	_ =	strace $0x8FFFFFFF  }
0x98: {  	s19 =	sld [smem:$0x3FDB];
	_ =	sdelay $0x1  }
0x99: {  	s4 =	simm.s32 $_scs_section_size  }
0x9a: {  	s5 =	simm.s32 $_size__tile_overlayer_lowered;
	s6 =	simm.s32 $_tile_overlayer_lowered  }
0x9b: {  	s22 =	simm.s32 $0x1BFF;
	s21 =	sshll.u32 s6, $0x1;
	s3 =	sadd.s32 s4, s19  }
0x9c: {  	s7 =	simm.s32 $0x0;
	s20 =	sshll.u32 s5, $0x1;
	s5 =	sadd.s32 s21, s3  }
0x9d: {  	[timem:s7], [sflag:s22] =	dma.local [hbm:s5], s20  }
0x9e: {  	_ =	swait.ge [sflag:s22], s20  }
0x9f: {  	s4 =	ssub.s32 $0x0, s20;
	[sflag:s22] =	ssyncset.done $0x0  }
0xa0: {  	[sflag:s22] =	ssyncadd.s32 s4;
	_ =	sdelay $0x1  }
0xa1: {  	s23 =	simm.s32 $0x1B8B  }
0xa2: {  	_ =	swait.ge [sflag:s23], $0x1  }
0xa3: {  	[sflag:s23] =	ssyncset.done $0x0  }
0xa4: {  	s25 =	simm.s32 $0x1B8E;
	s24 =	sld [smem:$0x3FFE];
	[sflag:s23] =	ssyncadd.s32 $0xFFFFFFFF  }
0xa5: {  	s26 =	simm.s32 $execute0_lowered;
	[smem:$0x3FD2] =	sst s25  }
0xa6: {  	s5 =	sshll.u32 s26, $0x1;
	_ =	strace $0x80000046;
	[dreg:$0x1] =	wrdreg $0xFFFFFFFF  }
0xa7: {  	s28 =	simm.s32 $_size_execute0_lowered;
	s3 =	sadd.s32 s3, s5;
	[dreg:$0x0] =	wrdreg $0x0  }
0xa8: {  	s5 =	sshll.u32 s28, $0x1;
	[dreg:$0x2] =	wrdreg s3  }
0xa9: {  	[dreg:$0x3] =	wrdreg s5  }
0xaa: {  	[dreg:$0x4] =	wrdreg $0xC0  }
0xab: {  	_ =	task [dreg:s7], $0x5FFFF  }
0xac: {  	[dreg:$0x1] =	wrdreg $0xFFFFFFFF  }
0xad: {  	[dreg:$0x0] =	wrdreg $0x60  }
0xae: {  	[dreg:$0x2] =	wrdreg s24  }
0xaf: {  	[dreg:$0x3] =	wrdreg s2  }
0xb0: {  	[dreg:$0x4] =	wrdreg $0x30000  }
0xb1: {  	[dreg:$0x5] =	wrdreg $0x9  }
0xb2: {  	_ =	task.clear_ibuf [dreg:s7], $0x6FFFF;
	_ =	strace $0x90000046  }
0xb3: {  	s29 =	simm.s32 $0x9;
	_ =	strace $0x80000048  }
0xb4: {  	_ =	swait.ge [sflag:s29], $0x1  }
0xb5: {  	[sflag:s29] =	ssyncadd.s32 $0xFFFFFFFF  }
0xb6: {  	_ =	strace $0x90000048  }
0xb7: {  	_ =	sfence  }
0xb8: {  	s30 =	sld [smem:$0x0];
	_ =	sdelay $0x2  }
0xb9: {  	s31 =	sshll.u32 s1, $0xD;
	s1 =	sshrl.u32 s1, $0x2  }
0xba: {  	s3 =	sand.u32 $0x4000, s31;
	s1 =	sadd.s32 s1, s30  }
0xbb: {  	s0 =	sor.u32 s3, s0;
	s1 =	sshll.u32 s1, $0x11  }
0xbc: {  	s0 =	sor.u32 s1, s0  }
0xbd: {  	s0 =	sadd.s32 $0x8F2B, s0  }
0xbe: {  	[sflag:s0] =	ssyncadd.remote.s32 $0x1  }
0xbf: {  	_ =	sfence.sel $0xFFFF  }
0xc0: {  	[dreg:$0x0] =	wrdreg $0xFFFFFFFF;
	(pc) =	sbr.abs _section_cstart, $3  }
0xc1: {  	[dreg:$0x1] =	wrdreg $0xFFFFFFFF  }
0xc2: {  	_ =	task.clear_ibuf [dreg:s7], $0x2FFFF;
	_ =	strace $0x9FFFFFFF  }
0xc3: {  	(tm) =	ssettm $0x7FFFFFFF  }
tec
execute0_lowered:
.L_overlay_start_1:
0x0: {  	(tag) =	ssettag $0x1  }
0x1: {  	s6 =	rddreg [dreg:$0x0]  }
0x2: {  	s2 =	rddreg [dreg:$0x1]  }
0x3: {  	s1 =	srdreg.scid;
	s0 =	stileid.u32  }
0x4: {  	s3 =	rddreg [dreg:$0x2];
	s4 =	simm.s32 $0x0;
	s12 =	simm.s32 $0x80  }
0x5: {  	s5 =	sand.u32 $0x1, s1;
	s7 =	sshll.u32 s0, $0x1;
	s1 =	rddreg [dreg:$0x3]  }
0x6: {  	[smem:$0x7FF] =	sst s4;
	s11 =	smul.u32 $0x2800, s0;
	s30 =	sshll.u32 s0, $0x6  }
0x7: {  	s7 =	sor.u32 s5, s7;
	_ =	strace $0x80000047;
	s8 =	smul.u32 $0x5000, s5  }
0x8: {  	s9 =	ssub.s32 $0x2, s5;
	s5 =	sadd.s32 $0xC000, s6;
	s7 =	smul.u32 $0x500, s7  }
0x9: {  	s10 =	sshrl.u32 s9, $0x1;
	s31 =	sadd.s32 s11, s3;
	s14 =	sshrl.u32 s11, $0x3  }
0xa: {  	s11 =	simm.s32 $0x2800;
	s8 =	sadd.s32 s8, s6;
	s9 =	ssub.s32 s9, s10  }
0xb: {  	s10 =	simm.s32 $0x1;
	s7 =	sadd.s32 s7, s6;
	s6 =	sor.u32 $0x1C01, s30  }
0xc: {  	s13 =	sadd.s32 $0xC600, s8;
	s8 =	smax.u32 s9, $0x1;
	s9 =	sshrl.u32 s31, $0x3  }
0xd: {  	s7 =	sadd.s32 $0x2000, s7;
	s13 =	sadd.s32 s14, s13;
	s14 =	simm.s32 $0x0  }
.LBB2_1:
0xe: {  	[spmem:s9], [sflag:s6] =	dma.local [hbm:s5], $0x500  }
0xf: {  	_ =	swait.ge [sflag:s10], $0x500  }
0x10: {  	[sflag:s10] =	ssyncset.done $0x0  }
0x11: {  	[sflag:s10] =	ssyncadd.s32 $0xFFFFFB00  }
0x12: {  	[tilespmem:s4], [sflag:$0x1] =	stream.linear.gather [hbm4b:s7+s4], $0x2800, $0x38;
	[tilespmem:$0x5800] =	vst v63  }
0x13: {  	_ =	swait.ge [sflag:s10], $0x2800  }
0x14: {  	[sflag:s10] =	ssyncset.done $0x0  }
0x15: {  	[sflag:s10] =	ssyncadd.s32 $0xFFFFD800  }
0x16: {  	[tilespmem:s11], [sflag:$0x1] =	stream.linear.gather [hbm4b:s2+s4], $0x800, $0x38;
	[tilespmem:$0x5800] =	vst v63  }
0x17: {  	_ =	swait.ge [sflag:s10], $0x800  }
0x18: {  	[sflag:s10] =	ssyncset.done $0x0  }
0x19: {  	[sflag:s10] =	ssyncadd.s32 $0xFFFFF800  }
0x1a: {  	s15 =	simm.s32 $0x0;
	[bflag:$0x0] =	sbarrier.arrive $0xFFFF  }
0x1b: {  	[spmem:s3] =	stream.indirect.scatter.add.f32 [tilespmem:s11], [sflag:$0x1], $0x10, s15, s12, $0xb8;
	[tilespmem:$0x5800] =	vst v63  }
0x1c: {  	_ =	swait.ge [sflag:s10], $0x800  }
0x1d: {  	s15 =	simm.s32 $0x200;
	[sflag:s10] =	ssyncset.done $0x0  }
.LBB2_2:
0x1e: {  	s16 =	sshra.s32 s15, $0x2;
	[sflag:s10] =	ssyncadd.s32 $0xFFFFF800;
	p0 =	sne.s32 s15, $0x9E00  }
0x1f: {  	[spmem:s3] =	stream.indirect.scatter.add.f32 [tilespmem:s11], [sflag:$0x1], $0x10, s16, s12, $0xb8;
	[tilespmem:$0x5800] =	vst v63  }
.Ltmp0:
0x20: {  	_ = 	snop;
	(pc) =	sbr.rel @p0 .LBB2_2-.Ltmp0, $4  }
0x21: {  	_ = 	snop  }
0x22: {  	s15 =	sadd.s32 $0x200, s15  }
0x23: {  	_ =	swait.ge [sflag:s10], $0x800  }
0x24: {  	[sflag:s10] =	ssyncset.done $0x0  }
0x25: {  	s14 =	sadd.s32 $0x1, s14  }
0x26: {  	[sflag:s10] =	ssyncadd.s32 $0xFFFFF800;
	p0 =	sne.s32 s14, s8  }
.Ltmp1:
0x27: {  	[bflag:$0x0] =	sbarrier.arrive $0xFFFF;
	(pc) =	sbr.rel @p0 .LBB2_1-.Ltmp1, $4  }
0x28: {  	[hbm:s13], [sflag:s6] =	dma.local [spmem:s9], $0x500  }
0x29: {  	_ =	swait.ge [sflag:s10], $0x500  }
0x2a: {  	[sflag:s10] =	ssyncset.done $0x0  }
0x2b: {  	[sflag:s10] =	ssyncadd.s32 $0xFFFFFB00  }
0x2c: {  	_ =	sfence.sel $0x180000  }
0x2d: {  	[bflag:$0x0] =	sbarrier.arrive $0xFFFF  }
0x2e: {  	p0 =	sne.s32 s0, $0x0;
	_ =	strace $0x90000047  }
0x2f: {  	s0 =	sadd.s32 @!p0 $0x100000, s1;
	[bflag:$0x2] =	sbarrier.arrive $0xFFFF  }
0x30: {  	[sflag:s0] =	ssyncadd.tile.s32 @!p0 $0x1;
	_ =	shalt  }
.Lfunc_end2:
_tile_overlayer_lowered:
.L_overlay_start_2:
0x31: {  	(tag) =	ssettag $0x2  }
0x32: {  	s0 =	rddreg [dreg:$0x0];
	s2 =	stileid.u32  }
0x33: {  	s1 =	rddreg [dreg:$0x1];
	p0 =	sne.s32 s2, $0x0  }
0x34: {  	s3 =	rddreg [dreg:$0x2];
	[bflag:$0x3] =	sbarrier.arrive $0xFFFF;
	s2 =	simm.s32 @!p0 $0x1C01  }
0x35: {  	[timem:s3], [sflag:s2] =	dma.local @!p0 [hbm:s0], s1  }
0x36: {  	s0 =	simm.s32 @!p0 $0x1  }
0x37: {  	_ =	swait.ge @!p0 [sflag:s0], s1  }
0x38: {  	s1 =	ssub.s32 @!p0 $0x0, s1;
	[sflag:s0] =	ssyncset.done @!p0 $0x0  }
0x39: {  	[sflag:s0] =	ssyncadd.s32 @!p0 s1  }
0x3a: {  	[bflag:$0x3] =	sbarrier.arrive $0xFFFF  }
0x3b: {  	_ =	shalt  }

// kernel: kernel.13.cloned.1.call-start
scs
__scs_entry_jumppad:
0x0: {  	(pc) =	sbr.rel $0x88, $3  }
0x1: {  	(tag) =	ssettag $0x0;
	lr =	simm.s32 $0x1  }
0x2: {  	[smem:$0x3F98] =	sst lr;
	_ =	strace $0xD0000000  }
0x3: {  	_ = 	snop  }
0x4: {  	_ = 	snop  }
0x5: {  	_ = 	snop  }
0x6: {  	_ = 	snop  }
0x7: {  	_ = 	snop  }
__scs_overlays_trampoline_lowered:
0x8: {  	[smem:$0x3FA7] =	sst s0  }
0x9: {  	[smem:$0x3FA8] =	sst s1  }
0xa: {  	[smem:$0x3FA9] =	sst s2  }
0xb: {  	[smem:$0x3FAA] =	sst s3  }
0xc: {  	[smem:$0x3FAB] =	sst s4  }
0xd: {  	[smem:$0x3FAC] =	sst s5  }
0xe: {  	[smem:$0x3FAD] =	sst s6  }
0xf: {  	[smem:$0x3FAE] =	sst s7  }
0x10: {  	[smem:$0x3FAF] =	sst s8  }
0x11: {  	[smem:$0x3FB0] =	sst s9;
	s0 =	simm.s32 @!p0 $0x0  }
0x12: {  	s1 =	sld [smem:$0x3F96];
	s0 =	simm.s32 @p0 $0x1  }
0x13: {  	[smem:$0x3FB1] =	sst s0;
	s0 =	simm.s32 @!p1 $0x0  }
0x14: {  	s2 =	sld [smem:$0x3F95];
	s0 =	simm.s32 @p1 $0x1  }
0x15: {  	[smem:$0x3FB2] =	sst s0;
	s0 =	simm.s32 @!p2 $0x0  }
0x16: {  	s3 =	sld [smem:$0x3FDB];
	s0 =	simm.s32 @p2 $0x1  }
0x17: {  	s4 =	simm.s32 $0x1BF5;
	[smem:$0x3FB4] =	sst s0  }
0x18: {  	s0 =	sld [smem:$0x3F97];
	_ =	swait.ge [sflag:s4], $0x0  }
0x19: {  	s7 =	sld [smem:$0x3F98]  }
0x1a: {  	s8 =	sadd.s32 $0xFFFFE003, lr  }
0x1b: {  	s9 =	sadd.s32 $0xFFFFFEF7, lr;
	s5 =	simm.s32 $0xFFFFFFFF;
	p2 =	slt.u32 s8, $0xFFFFF086  }
0x1c: {  	p1 =	slt.u32 s9, $0xF7A;
	s5 =	simm.s32 @!p2 $0x0  }
0x1d: {  	s5 =	simm.s32 @p1 $0x1;
	p0 =	seq.s32 s7, s2  }
0x1e: {  	s7 =	smul.u32 @!p0 $0xF7A, s2;
	p2 =	seq.s32 @!p0 s5, $0x0  }
0x1f: {  	s9 =	smul.u32 $0xF7A, s1;
	s8 =	simm.s32 @!p0 $0x1BF5;
	p2 =	por !p2, p0  }
0x20: {  	[sflag:s8] =	ssyncset.s32 @!p0 $0xFFFFF086;
	s6 =	sadd.s32 @!p0 s3, s7;
	s7 =	simm.s32 @!p0 $0x108  }
0x21: {  	s3 =	sadd.s32 s3, s9;
	s6 =	sadd.s32 @!p0 $0x88, s6;
	s7 =	simm.s32 @p2 $0x1082  }
0x22: {  	[simem:s7], [sflag:s8] =	dma.local @!p0 [hbm:s6], $0xF7A  }
0x23: {  	s9 =	sor.u32 $0xD0000000, s2;
	s6 =	simm.s32 $0x108;
	_ =	swait.ge @!p0 [sflag:s8], $0x0  }
0x24: {  	s3 =	sadd.s32 $0x88, s3;
	s6 =	simm.s32 @!p1 $0x1082;
	[sflag:s4] =	ssyncset.s32 $0xFFFFF086  }
0x25: {  	[simem:s6], [sflag:s4] =	dma.local [hbm:s3], $0xF7A  }
0x26: {  	[smem:$0x3F98] =	sst s1;
	(tag) =	ssettag s2;
	_ =	strace s9  }
0x27: {  	s1 =	sld [smem:$0x3FA8]  }
0x28: {  	s2 =	sld [smem:$0x3FA9]  }
0x29: {  	s4 =	sld [smem:$0x3FAB]  }
0x2a: {  	p0 =	seq.s32 s5, $0x0;
	s5 =	sld [smem:$0x3FAC]  }
0x2b: {  	s6 =	sld [smem:$0x3FAD]  }
0x2c: {  	s7 =	sld [smem:$0x3FAE]  }
0x2d: {  	s3 =	simm.s32 $0x108;
	s8 =	sld [smem:$0x3FAF]  }
0x2e: {  	s3 =	simm.s32 @!p0 $0x1082;
	s9 =	sld [smem:$0x3FB0]  }
0x2f: {  	lr =	sadd.s32 s0, s3;
	s0 =	sld [smem:$0x3FA7]  }
0x30: {  	s3 =	sld [smem:$0x3FAA]  }
0x31: {  	[smem:$0x3FB3] =	sst s10  }
0x32: {  	s10 =	sld [smem:$0x3FB1];
	_ =	sdelay $0x3  }
0x33: {  	p0 =	seq.s32 s10, $0x1;
	s10 =	sld [smem:$0x3FB3];
	_ =	sdelay $0x3  }
0x34: {  	[smem:$0x3FB3] =	sst s10  }
0x35: {  	s10 =	sld [smem:$0x3FB2];
	_ =	sdelay $0x3  }
0x36: {  	p1 =	seq.s32 s10, $0x1;
	s10 =	sld [smem:$0x3FB3];
	_ =	sdelay $0x3  }
0x37: {  	[smem:$0x3FB3] =	sst s10  }
0x38: {  	s10 =	sld [smem:$0x3FB4]  }
0x39: {  	_ = 	snop;
	(pc) =	sbr.ind lr, $3  }
0x3a: {  	_ = 	snop  }
0x3b: {  	_ = 	snop  }
0x3c: {  	p2 =	seq.s32 s10, $0x1;
	s10 =	sld [smem:$0x3FB3]  }
0x3d: {  	_ =	shalt  }
0x3e: {  	_ =	shalt  }
0x3f: {  	_ =	shalt  }
0x40: {  	_ =	shalt  }
0x41: {  	_ =	shalt  }
0x42: {  	_ =	shalt  }
0x43: {  	_ =	shalt  }
0x44: {  	_ =	shalt  }
0x45: {  	_ =	shalt  }
0x46: {  	_ =	shalt  }
0x47: {  	_ =	shalt  }
0x48: {  	_ =	shalt  }
0x49: {  	_ =	shalt  }
0x4a: {  	_ =	shalt  }
0x4b: {  	_ =	shalt  }
0x4c: {  	_ =	shalt  }
0x4d: {  	_ =	shalt  }
0x4e: {  	_ =	shalt  }
0x4f: {  	_ =	shalt  }
0x50: {  	_ =	shalt  }
0x51: {  	_ =	shalt  }
0x52: {  	_ =	shalt  }
0x53: {  	_ =	shalt  }
0x54: {  	_ =	shalt  }
0x55: {  	_ =	shalt  }
0x56: {  	_ =	shalt  }
0x57: {  	_ =	shalt  }
0x58: {  	_ =	shalt  }
0x59: {  	_ =	shalt  }
0x5a: {  	_ =	shalt  }
0x5b: {  	_ =	shalt  }
0x5c: {  	_ =	shalt  }
0x5d: {  	_ =	shalt  }
0x5e: {  	_ =	shalt  }
0x5f: {  	_ =	shalt  }
0x60: {  	_ =	shalt  }
0x61: {  	_ =	shalt  }
0x62: {  	_ =	shalt  }
0x63: {  	_ =	shalt  }
0x64: {  	_ =	shalt  }
0x65: {  	_ =	shalt  }
0x66: {  	_ =	shalt  }
0x67: {  	_ =	shalt  }
0x68: {  	_ =	shalt  }
0x69: {  	_ =	shalt  }
0x6a: {  	_ =	shalt  }
0x6b: {  	_ =	shalt  }
0x6c: {  	_ =	shalt  }
0x6d: {  	_ =	shalt  }
0x6e: {  	_ =	shalt  }
0x6f: {  	_ =	shalt  }
0x70: {  	_ =	shalt  }
0x71: {  	_ =	shalt  }
0x72: {  	_ =	shalt  }
0x73: {  	_ =	shalt  }
0x74: {  	_ =	shalt  }
0x75: {  	_ =	shalt  }
0x76: {  	_ =	shalt  }
0x77: {  	_ =	shalt  }
0x78: {  	_ =	shalt  }
0x79: {  	_ =	shalt  }
0x7a: {  	_ =	shalt  }
0x7b: {  	_ =	shalt  }
0x7c: {  	_ =	shalt  }
0x7d: {  	_ =	shalt  }
0x7e: {  	_ =	shalt  }
0x7f: {  	_ =	shalt  }
0x80: {  	_ =	shalt  }
0x81: {  	_ =	shalt  }
0x82: {  	_ =	shalt  }
0x83: {  	_ =	shalt  }
0x84: {  	_ =	shalt  }
0x85: {  	_ =	shalt  }
0x86: {  	_ =	shalt  }
0x87: {  	_ =	shalt  }
.Lfunc_end0:
.L_simem_size_0:
called_computation.1_lowered:
.L_overlay_start_0:
0x88: {  	s2 =	sld [smem:$0x3FD9]  }
0x89: {  	s3 =	sld [smem:$0x3FFE];
	_ =	sdelay $0x1  }
0x8a: {  	s1 =	srdreg.scid  }
0x8b: {  	s0 =	sand.u32 $0x1, s1  }
0x8c: {  	s16 =	sshll.u32 s0, $0xA;
	s2 =	sadd.s32 s3, s2  }
0x8d: {  	s2 =	sadd.s32 s2, s16  }
0x8e: {  	[smem:$0x3FBF] =	sst s2  }
0x8f: {  	_ = 	snop  }
0x90: {  	(tm) =	ssettm $0x1  }
0x91: {  	s17 =	sld [smem:$0x3FFB];
	_ =	sdelay $0x3  }
0x92: {  	_ =	strace s17  }
0x93: {  	s2 =	sld [smem:$0x3FFC];
	_ =	sdelay $0x3  }
0x94: {  	_ =	strace s2  }
0x95: {  	s2 =	sld [smem:$0x3FFD];
	_ =	sdelay $0x3  }
0x96: {  	_ =	strace s2  }
0x97: {  	_ =	strace $0x8FFFFFFF  }
0x98: {  	s18 =	sld [smem:$0x3FDB];
	_ =	sdelay $0x1  }
0x99: {  	s19 =	simm.s32 $_scs_section_size  }
0x9a: {  	s4 =	simm.s32 $_size__tile_overlayer_lowered;
	s5 =	simm.s32 $_tile_overlayer_lowered  }
0x9b: {  	s22 =	simm.s32 $0x1BFF;
	s21 =	sshll.u32 s5, $0x1;
	s2 =	sadd.s32 s19, s18  }
0x9c: {  	s6 =	simm.s32 $0x0;
	s20 =	sshll.u32 s4, $0x1;
	s4 =	sadd.s32 s21, s2  }
0x9d: {  	[timem:s6], [sflag:s22] =	dma.local [hbm:s4], s20  }
0x9e: {  	_ =	swait.ge [sflag:s22], s20  }
0x9f: {  	s3 =	ssub.s32 $0x0, s20;
	[sflag:s22] =	ssyncset.done $0x0  }
0xa0: {  	[sflag:s22] =	ssyncadd.s32 s3;
	_ =	sdelay $0x1  }
0xa1: {  	s23 =	simm.s32 $0x1B8B  }
0xa2: {  	_ =	swait.ge [sflag:s23], $0x1  }
0xa3: {  	[sflag:s23] =	ssyncset.done $0x0  }
0xa4: {  	s25 =	simm.s32 $0x1B8E;
	s24 =	sld [smem:$0x3FFE];
	[sflag:s23] =	ssyncadd.s32 $0xFFFFFFFF  }
0xa5: {  	s26 =	simm.s32 $execute0_lowered;
	[smem:$0x3FD2] =	sst s25  }
0xa6: {  	s4 =	sshll.u32 s26, $0x1;
	_ =	strace $0x80000049;
	[dreg:$0x1] =	wrdreg $0xFFFFFFFF  }
0xa7: {  	s28 =	simm.s32 $_size_execute0_lowered;
	s2 =	sadd.s32 s2, s4;
	[dreg:$0x0] =	wrdreg $0x0  }
0xa8: {  	s4 =	sshll.u32 s28, $0x1;
	[dreg:$0x2] =	wrdreg s2  }
0xa9: {  	[dreg:$0x3] =	wrdreg s4  }
0xaa: {  	[dreg:$0x4] =	wrdreg $0xC0  }
0xab: {  	_ =	task [dreg:s6], $0x5FFFF  }
0xac: {  	[dreg:$0x1] =	wrdreg $0xFFFFFFFF  }
0xad: {  	[dreg:$0x0] =	wrdreg $0x60  }
0xae: {  	[dreg:$0x2] =	wrdreg s24  }
0xaf: {  	[dreg:$0x3] =	wrdreg $0xC8000  }
0xb0: {  	[dreg:$0x4] =	wrdreg $0x9  }
0xb1: {  	_ =	task.clear_ibuf [dreg:s6], $0x5FFFF;
	_ =	strace $0x90000049  }
0xb2: {  	s29 =	simm.s32 $0x9;
	_ =	strace $0x8000004B  }
0xb3: {  	_ =	swait.ge [sflag:s29], $0x1  }
0xb4: {  	[sflag:s29] =	ssyncadd.s32 $0xFFFFFFFF  }
0xb5: {  	_ =	strace $0x9000004B  }
0xb6: {  	_ =	sfence  }
0xb7: {  	s30 =	sld [smem:$0x0];
	_ =	sdelay $0x2  }
0xb8: {  	s31 =	sshll.u32 s1, $0xD;
	s1 =	sshrl.u32 s1, $0x2  }
0xb9: {  	s3 =	sand.u32 $0x4000, s31;
	s1 =	sadd.s32 s1, s30  }
0xba: {  	s0 =	sor.u32 s3, s0;
	s1 =	sshll.u32 s1, $0x11  }
0xbb: {  	s0 =	sor.u32 s1, s0  }
0xbc: {  	s0 =	sadd.s32 $0x8F2B, s0  }
0xbd: {  	[sflag:s0] =	ssyncadd.remote.s32 $0x1  }
0xbe: {  	_ =	sfence.sel $0xFFFF  }
0xbf: {  	[dreg:$0x0] =	wrdreg $0xFFFFFFFF;
	(pc) =	sbr.abs _section_cstart, $3  }
0xc0: {  	[dreg:$0x1] =	wrdreg $0xFFFFFFFF  }
0xc1: {  	_ =	task.clear_ibuf [dreg:s6], $0x2FFFF;
	_ =	strace $0x9FFFFFFF  }
0xc2: {  	(tm) =	ssettm $0x7FFFFFFF  }
0xc3: {  	_ =	shalt  }
tec
execute0_lowered:
.L_overlay_start_1:
0x0: {  	(tag) =	ssettag $0x1  }
0x1: {  	s6 =	rddreg [dreg:$0x0]  }
0x2: {  	s1 =	rddreg [dreg:$0x1]  }
0x3: {  	s0 =	rddreg [dreg:$0x2]  }
0x4: {  	s2 =	simm.s32 $0x0;
	s3 =	srdreg.scid;
	s16 =	simm.s32 $0x8800  }
0x5: {  	s17 =	simm.s32 $0x1;
	s18 =	simm.s32 $0xA800;
	s19 =	simm.s32 $0x2  }
0x6: {  	[smem:$0x7FF] =	sst s2;
	s7 =	sand.u32 $0x1, s3;
	s4 =	sadd.s32 $0x20600, s6  }
0x7: {  	s3 =	stileid.u32;
	s9 =	sadd.s32 $0x16600, s6;
	s8 =	smul.u32 $0x14000, s7  }
0x8: {  	s10 =	sadd.s32 $0x2000, s6;
	s5 =	sadd.s32 $0xC600, s6;
	s11 =	smul.u32 $0x28000, s3  }
0x9: {  	_ =	strace $0x8000004A;
	s25 =	ssub.s32 $0x2, s7;
	s13 =	smul.u32 $0xC00, s3  }
0xa: {  	s28 =	sshll.u32 s3, $0x6;
	s29 =	smul.u32 $0x880, s3;
	p0 =	seq.s32 s7, $0x1  }
0xb: {  	s31 =	smul.u32 $0xA000, s3;
	s26 =	sshrl.u32 s25, $0x1;
	s12 =	sadd.s32 s8, s6  }
0xc: {  	s11 =	sshrl.u32 s11, $0x2;
	s14 =	ssub.s32 s25, s26;
	s6 =	sor.u32 $0x1C03, s28  }
0xd: {  	s30 =	sshrl.u32 s13, $0x3;
	s7 =	sadd.s32 s9, s29;
	s8 =	sadd.s32 s10, s29  }
.Ltmp0:
0xe: {  	s21 =	sshrl.u32 s31, $0x3;
	s22 =	sadd.s32 s31, s1;
	(pc) =	sbr.rel .LBB2_1-.Ltmp0, $4  }
0xf: {  	s13 =	simm.s32 $0x3;
	s15 =	sadd.s32 s11, s1;
	s11 =	sadd.s32 $0x8800, s30  }
0x10: {  	s20 =	sadd.s32 $0x34600, s12;
	s9 =	sadd.s32 s9, s11;
	s10 =	sadd.s32 s10, s11  }
0x11: {  	s11 =	smax.u32 s14, $0x1;
	s12 =	sshrl.u32 s15, $0x3;
	s14 =	simm.s32 $0x4400  }
0x12: {  	s15 =	simm.s32 $0x80;
	s20 =	sadd.s32 s21, s20;
	s21 =	sshrl.u32 s22, $0x3  }
.LBB2_4:
0x13: {  	s22 =	simm.s32 $0x8780;
	s23 =	simm.s32 $0x8700;
	s24 =	simm.s32 $0x4380  }
.LBB2_8:
0x14: {  	_ =	swait.ge [sflag:s17], $0x2000  }
0x15: {  	[sflag:s17] =	ssyncset.done $0x0  }
0x16: {  	[sflag:s17] =	ssyncadd.s32 $0xFFFFE000  }
0x17: {  	[tilespmem:s18], [sflag:$0x2] =	stream.indirect.gather [hbm4b:s4+s15], $0x40, s24, s15, $0xb8;
	[tilespmem:$0x16800] =	vst v63  }
0x18: {  	_ = 	snop  }
0x19: {  	[spmem:s1] =	stream.indirect.scatter.add.f32 [tilespmem:s16], [sflag:$0x3], $0x40, s23, s15, $0xb8;
	[tilespmem:$0x16800] =	vst v63  }
0x1a: {  	_ =	swait.ge [sflag:s13], $0x2000  }
0x1b: {  	[sflag:s13] =	ssyncset.done $0x0  }
0x1c: {  	[sflag:s13] =	ssyncadd.s32 $0xFFFFE000  }
0x1d: {  	_ =	swait.ge [sflag:s19], $0x2000  }
0x1e: {  	[sflag:s19] =	ssyncset.done $0x0  }
0x1f: {  	[sflag:s19] =	ssyncadd.s32 $0xFFFFE000  }
0x20: {  	[spmem:s1] =	stream.indirect.scatter.add.f32 [tilespmem:s18], [sflag:$0x3], $0x40, s22, s15, $0xb8;
	[tilespmem:$0x16800] =	vst v63  }
0x21: {  	_ =	swait.ge [sflag:s13], $0x2000  }
0x22: {  	s2 =	sadd.s32 $0x1, s2;
	[sflag:s13] =	ssyncset.done $0x0  }
0x23: {  	p1 =	sne.s32 s2, s11;
	[sflag:s13] =	ssyncadd.s32 $0xFFFFE000  }
.Ltmp1:
0x24: {  	[bflag:$0x0] =	sbarrier.arrive $0xFFFF;
	(pc) =	sbr.rel @!p1 .LBB2_9-.Ltmp1, $4  }
0x25: {  	[hbm:s20], [sflag:s6] =	dma.local [spmem:s21], $0x1400  }
0x26: {  	_ =	swait.ge [sflag:s13], $0x1400  }
0x27: {  	[sflag:s13] =	ssyncset.done $0x0  }
0x28: {  	[sflag:s13] =	ssyncadd.s32 $0xFFFFEC00  }
.LBB2_1:
0x29: {  	[spmem:s12], [sflag:s6] =	dma.local [hbm:s5], $0x1400  }
.Ltmp2:
0x2a: {  	_ =	swait.ge [sflag:s13], $0x1400;
	(pc) =	sbr.rel @!p0 .LBB2_2-.Ltmp2, $4  }
0x2b: {  	[sflag:s13] =	ssyncset.done $0x0  }
0x2c: {  	[sflag:s13] =	ssyncadd.s32 $0xFFFFEC00  }
0x2d: {  	[bflag:$0x0] =	sbarrier.arrive $0xFFFF  }
0x2e: {  	s22 =	simm.s32 $0x0  }
0x2f: {  	[tilespmem:s22], [sflag:$0x3] =	stream.linear.gather [hbm4b:s9+s22], $0xC00, $0x38;
	[tilespmem:$0x16800] =	vst v63  }
0x30: {  	_ =	swait.ge [sflag:s13], $0xC00  }
0x31: {  	[sflag:s13] =	ssyncset.done $0x0  }
0x32: {  	[sflag:s13] =	ssyncadd.s32 $0xFFFFF400  }
0x33: {  	[tilespmem:s14], [sflag:$0x3] =	stream.linear.gather [hbm4b:s10+s22], $0xC00, $0x38;
	[tilespmem:$0x16800] =	vst v63  }
0x34: {  	_ =	swait.ge [sflag:s13], $0xC00  }
0x35: {  	[sflag:s13] =	ssyncset.done $0x0  }
0x36: {  	[sflag:s13] =	ssyncadd.s32 $0xFFFFF400  }
0x37: {  	[tilespmem:s16], [sflag:$0x1] =	stream.indirect.gather [hbm4b:s4+s15], $0x40, s22, s15, $0xb8;
	[tilespmem:$0x16800] =	vst v63  }
.LBB2_6:
0x38: {  	_ =	swait.ge [sflag:s17], $0x2000  }
0x39: {  	s23 =	sshra.s32 s22, $0x2;
	[sflag:s17] =	ssyncset.done $0x0  }
0x3a: {  	s24 =	sadd.s32 $0x80, s23;
	[sflag:s17] =	ssyncadd.s32 $0xFFFFE000  }
0x3b: {  	[tilespmem:s18], [sflag:$0x2] =	stream.indirect.gather [hbm4b:s4+s15], $0x40, s24, s15, $0xb8;
	[tilespmem:$0x16800] =	vst v63  }
0x3c: {  	s30 =	sadd.s32 $0x4400, s23  }
0x3d: {  	[spmem:s1] =	stream.indirect.scatter.add.f32 [tilespmem:s16], [sflag:$0x3], $0x40, s30, s15, $0xb8;
	[tilespmem:$0x16800] =	vst v63  }
0x3e: {  	_ =	swait.ge [sflag:s13], $0x2000  }
0x3f: {  	[sflag:s13] =	ssyncset.done $0x0  }
0x40: {  	[sflag:s13] =	ssyncadd.s32 $0xFFFFE000  }
0x41: {  	_ =	swait.ge [sflag:s19], $0x2000  }
0x42: {  	[sflag:s19] =	ssyncset.done $0x0  }
0x43: {  	p1 =	sne.s32 s22, $0x2800;
	s31 =	sadd.s32 $0x100, s23;
	[sflag:s19] =	ssyncadd.s32 $0xFFFFE000  }
0x44: {  	[tilespmem:s16], [sflag:$0x1] =	stream.indirect.gather [hbm4b:s4+s15], $0x40, s31, s15, $0xb8;
	[tilespmem:$0x16800] =	vst v63  }
.Ltmp3:
0x45: {  	s23 =	sadd.s32 $0x4480, s23;
	(pc) =	sbr.rel @p1 .LBB2_6-.Ltmp3, $4  }
0x46: {  	[spmem:s1] =	stream.indirect.scatter.add.f32 [tilespmem:s18], [sflag:$0x3], $0x40, s23, s15, $0xb8;
	[tilespmem:$0x16800] =	vst v63  }
0x47: {  	_ =	swait.ge [sflag:s13], $0x2000  }
0x48: {  	[sflag:s13] =	ssyncset.done $0x0  }
0x49: {  	s22 =	sadd.s32 $0x400, s22;
	[sflag:s13] =	ssyncadd.s32 $0xFFFFE000  }
.Ltmp4:
0x4a: {  	(pc) =	sbr.rel .LBB2_8-.Ltmp4, $2  }
0x4b: {  	_ =	sdelay $0x2  }
0x4c: {  	s22 =	simm.s32 $0x4F80;
	s23 =	simm.s32 $0x4F00;
	s24 =	simm.s32 $0xB80  }
.LBB2_2:
0x4d: {  	[tilespmem:s22], [sflag:$0x3] =	stream.linear.gather [hbm4b:s7+s22], $0x4400, $0x38;
	[tilespmem:$0x16800] =	vst v63  }
0x4e: {  	_ =	swait.ge [sflag:s13], $0x4400  }
0x4f: {  	[sflag:s13] =	ssyncset.done $0x0  }
0x50: {  	[sflag:s13] =	ssyncadd.s32 $0xFFFFBC00  }
0x51: {  	[tilespmem:s14], [sflag:$0x3] =	stream.linear.gather [hbm4b:s8+s22], $0x4400, $0x38;
	[tilespmem:$0x16800] =	vst v63  }
0x52: {  	_ =	swait.ge [sflag:s13], $0x4400  }
0x53: {  	[sflag:s13] =	ssyncset.done $0x0  }
0x54: {  	[sflag:s13] =	ssyncadd.s32 $0xFFFFBC00  }
0x55: {  	[tilespmem:s16], [sflag:$0x1] =	stream.indirect.gather [hbm4b:s4+s15], $0x40, s22, s15, $0xb8;
	[tilespmem:$0x16800] =	vst v63  }
.LBB2_3:
0x56: {  	_ =	swait.ge [sflag:s17], $0x2000  }
0x57: {  	s23 =	sshra.s32 s22, $0x2;
	[sflag:s17] =	ssyncset.done $0x0  }
0x58: {  	s24 =	sadd.s32 $0x80, s23;
	[sflag:s17] =	ssyncadd.s32 $0xFFFFE000  }
0x59: {  	[tilespmem:s18], [sflag:$0x2] =	stream.indirect.gather [hbm4b:s4+s15], $0x40, s24, s15, $0xb8;
	[tilespmem:$0x16800] =	vst v63  }
0x5a: {  	s30 =	sadd.s32 $0x4400, s23  }
0x5b: {  	[spmem:s1] =	stream.indirect.scatter.add.f32 [tilespmem:s16], [sflag:$0x3], $0x40, s30, s15, $0xb8;
	[tilespmem:$0x16800] =	vst v63  }
0x5c: {  	_ =	swait.ge [sflag:s13], $0x2000  }
0x5d: {  	[sflag:s13] =	ssyncset.done $0x0  }
0x5e: {  	[sflag:s13] =	ssyncadd.s32 $0xFFFFE000  }
0x5f: {  	_ =	swait.ge [sflag:s19], $0x2000  }
0x60: {  	[sflag:s19] =	ssyncset.done $0x0  }
0x61: {  	p1 =	seq.s32 s22, $0x10800;
	s31 =	sadd.s32 $0x100, s23;
	[sflag:s19] =	ssyncadd.s32 $0xFFFFE000  }
0x62: {  	[tilespmem:s16], [sflag:$0x1] =	stream.indirect.gather [hbm4b:s4+s15], $0x40, s31, s15, $0xb8;
	[tilespmem:$0x16800] =	vst v63  }
.Ltmp5:
0x63: {  	s23 =	sadd.s32 $0x4480, s23;
	(pc) =	sbr.rel @!p1 .LBB2_3-.Ltmp5, $4  }
0x64: {  	[spmem:s1] =	stream.indirect.scatter.add.f32 [tilespmem:s18], [sflag:$0x3], $0x40, s23, s15, $0xb8;
	[tilespmem:$0x16800] =	vst v63  }
0x65: {  	_ =	swait.ge [sflag:s13], $0x2000  }
0x66: {  	[sflag:s13] =	ssyncset.done $0x0  }
0x67: {  	s22 =	sadd.s32 $0x400, s22;
	[sflag:s13] =	ssyncadd.s32 $0xFFFFE000  }
.Ltmp6:
0x68: {  	_ = 	snop;
	(pc) =	sbr.rel .LBB2_4-.Ltmp6, $1  }
0x69: {  	_ =	sdelay $0x3  }
.LBB2_9:
0x6a: {  	_ =	sfence.sel $0x180000  }
0x6b: {  	[bflag:$0x0] =	sbarrier.arrive $0xFFFF  }
0x6c: {  	p0 =	sne.s32 s3, $0x0;
	_ =	strace $0x9000004A  }
0x6d: {  	s0 =	sadd.s32 @!p0 $0x100000, s0;
	[bflag:$0x2] =	sbarrier.arrive $0xFFFF  }
0x6e: {  	[sflag:s0] =	ssyncadd.tile.s32 @!p0 $0x1;
	_ =	shalt  }
.Lfunc_end2:
_tile_overlayer_lowered:
.L_overlay_start_2:
0x6f: {  	(tag) =	ssettag $0x2  }
0x70: {  	s0 =	rddreg [dreg:$0x0];
	s2 =	stileid.u32  }
0x71: {  	s1 =	rddreg [dreg:$0x1];
	p0 =	sne.s32 s2, $0x0  }
0x72: {  	s3 =	rddreg [dreg:$0x2];
	[bflag:$0x3] =	sbarrier.arrive $0xFFFF;
	s2 =	simm.s32 @!p0 $0x1C03  }
0x73: {  	[timem:s3], [sflag:s2] =	dma.local @!p0 [hbm:s0], s1  }
0x74: {  	s0 =	simm.s32 @!p0 $0x3  }
0x75: {  	_ =	swait.ge @!p0 [sflag:s0], s1  }
0x76: {  	s1 =	ssub.s32 @!p0 $0x0, s1;
	[sflag:s0] =	ssyncset.done @!p0 $0x0  }
0x77: {  	[sflag:s0] =	ssyncadd.s32 @!p0 s1  }
0x78: {  	[bflag:$0x3] =	sbarrier.arrive $0xFFFF  }
0x79: {  	_ =	shalt  }

// kernel: kernel.16.cloned.1.call-start
scs
__scs_entry_jumppad:
0x0: {  	(pc) =	sbr.rel $0x88, $3  }
0x1: {  	(tag) =	ssettag $0x0;
	lr =	simm.s32 $0x1  }
0x2: {  	[smem:$0x3F98] =	sst lr;
	_ =	strace $0xD0000000  }
0x3: {  	_ = 	snop  }
0x4: {  	_ = 	snop  }
0x5: {  	_ = 	snop  }
0x6: {  	_ = 	snop  }
0x7: {  	_ = 	snop  }
__scs_overlays_trampoline_lowered:
0x8: {  	[smem:$0x3FA7] =	sst s0  }
0x9: {  	[smem:$0x3FA8] =	sst s1  }
0xa: {  	[smem:$0x3FA9] =	sst s2  }
0xb: {  	[smem:$0x3FAA] =	sst s3  }
0xc: {  	[smem:$0x3FAB] =	sst s4  }
0xd: {  	[smem:$0x3FAC] =	sst s5  }
0xe: {  	[smem:$0x3FAD] =	sst s6  }
0xf: {  	[smem:$0x3FAE] =	sst s7  }
0x10: {  	[smem:$0x3FAF] =	sst s8  }
0x11: {  	[smem:$0x3FB0] =	sst s9;
	s0 =	simm.s32 @!p0 $0x0  }
0x12: {  	s1 =	sld [smem:$0x3F96];
	s0 =	simm.s32 @p0 $0x1  }
0x13: {  	[smem:$0x3FB1] =	sst s0;
	s0 =	simm.s32 @!p1 $0x0  }
0x14: {  	s2 =	sld [smem:$0x3F95];
	s0 =	simm.s32 @p1 $0x1  }
0x15: {  	[smem:$0x3FB2] =	sst s0;
	s0 =	simm.s32 @!p2 $0x0  }
0x16: {  	s3 =	sld [smem:$0x3FDB];
	s0 =	simm.s32 @p2 $0x1  }
0x17: {  	s4 =	simm.s32 $0x1BF5;
	[smem:$0x3FB4] =	sst s0  }
0x18: {  	s0 =	sld [smem:$0x3F97];
	_ =	swait.ge [sflag:s4], $0x0  }
0x19: {  	s7 =	sld [smem:$0x3F98]  }
0x1a: {  	s8 =	sadd.s32 $0xFFFFE003, lr  }
0x1b: {  	s9 =	sadd.s32 $0xFFFFFEF7, lr;
	s5 =	simm.s32 $0xFFFFFFFF;
	p2 =	slt.u32 s8, $0xFFFFF086  }
0x1c: {  	p1 =	slt.u32 s9, $0xF7A;
	s5 =	simm.s32 @!p2 $0x0  }
0x1d: {  	s5 =	simm.s32 @p1 $0x1;
	p0 =	seq.s32 s7, s2  }
0x1e: {  	s7 =	smul.u32 @!p0 $0xF7A, s2;
	p2 =	seq.s32 @!p0 s5, $0x0  }
0x1f: {  	s9 =	smul.u32 $0xF7A, s1;
	s8 =	simm.s32 @!p0 $0x1BF5;
	p2 =	por !p2, p0  }
0x20: {  	[sflag:s8] =	ssyncset.s32 @!p0 $0xFFFFF086;
	s6 =	sadd.s32 @!p0 s3, s7;
	s7 =	simm.s32 @!p0 $0x108  }
0x21: {  	s3 =	sadd.s32 s3, s9;
	s6 =	sadd.s32 @!p0 $0x88, s6;
	s7 =	simm.s32 @p2 $0x1082  }
0x22: {  	[simem:s7], [sflag:s8] =	dma.local @!p0 [hbm:s6], $0xF7A  }
0x23: {  	s9 =	sor.u32 $0xD0000000, s2;
	s6 =	simm.s32 $0x108;
	_ =	swait.ge @!p0 [sflag:s8], $0x0  }
0x24: {  	s3 =	sadd.s32 $0x88, s3;
	s6 =	simm.s32 @!p1 $0x1082;
	[sflag:s4] =	ssyncset.s32 $0xFFFFF086  }
0x25: {  	[simem:s6], [sflag:s4] =	dma.local [hbm:s3], $0xF7A  }
0x26: {  	[smem:$0x3F98] =	sst s1;
	(tag) =	ssettag s2;
	_ =	strace s9  }
0x27: {  	s1 =	sld [smem:$0x3FA8]  }
0x28: {  	s2 =	sld [smem:$0x3FA9]  }
0x29: {  	s4 =	sld [smem:$0x3FAB]  }
0x2a: {  	p0 =	seq.s32 s5, $0x0;
	s5 =	sld [smem:$0x3FAC]  }
0x2b: {  	s6 =	sld [smem:$0x3FAD]  }
0x2c: {  	s7 =	sld [smem:$0x3FAE]  }
0x2d: {  	s3 =	simm.s32 $0x108;
	s8 =	sld [smem:$0x3FAF]  }
0x2e: {  	s3 =	simm.s32 @!p0 $0x1082;
	s9 =	sld [smem:$0x3FB0]  }
0x2f: {  	lr =	sadd.s32 s0, s3;
	s0 =	sld [smem:$0x3FA7]  }
0x30: {  	s3 =	sld [smem:$0x3FAA]  }
0x31: {  	[smem:$0x3FB3] =	sst s10  }
0x32: {  	s10 =	sld [smem:$0x3FB1];
	_ =	sdelay $0x3  }
0x33: {  	p0 =	seq.s32 s10, $0x1;
	s10 =	sld [smem:$0x3FB3];
	_ =	sdelay $0x3  }
0x34: {  	[smem:$0x3FB3] =	sst s10  }
0x35: {  	s10 =	sld [smem:$0x3FB2];
	_ =	sdelay $0x3  }
0x36: {  	p1 =	seq.s32 s10, $0x1;
	s10 =	sld [smem:$0x3FB3];
	_ =	sdelay $0x3  }
0x37: {  	[smem:$0x3FB3] =	sst s10  }
0x38: {  	s10 =	sld [smem:$0x3FB4]  }
0x39: {  	_ = 	snop;
	(pc) =	sbr.ind lr, $3  }
0x3a: {  	_ = 	snop  }
0x3b: {  	_ = 	snop  }
0x3c: {  	p2 =	seq.s32 s10, $0x1;
	s10 =	sld [smem:$0x3FB3]  }
0x3d: {  	_ =	shalt  }
0x3e: {  	_ =	shalt  }
0x3f: {  	_ =	shalt  }
0x40: {  	_ =	shalt  }
0x41: {  	_ =	shalt  }
0x42: {  	_ =	shalt  }
0x43: {  	_ =	shalt  }
0x44: {  	_ =	shalt  }
0x45: {  	_ =	shalt  }
0x46: {  	_ =	shalt  }
0x47: {  	_ =	shalt  }
0x48: {  	_ =	shalt  }
0x49: {  	_ =	shalt  }
0x4a: {  	_ =	shalt  }
0x4b: {  	_ =	shalt  }
0x4c: {  	_ =	shalt  }
0x4d: {  	_ =	shalt  }
0x4e: {  	_ =	shalt  }
0x4f: {  	_ =	shalt  }
0x50: {  	_ =	shalt  }
0x51: {  	_ =	shalt  }
0x52: {  	_ =	shalt  }
0x53: {  	_ =	shalt  }
0x54: {  	_ =	shalt  }
0x55: {  	_ =	shalt  }
0x56: {  	_ =	shalt  }
0x57: {  	_ =	shalt  }
0x58: {  	_ =	shalt  }
0x59: {  	_ =	shalt  }
0x5a: {  	_ =	shalt  }
0x5b: {  	_ =	shalt  }
0x5c: {  	_ =	shalt  }
0x5d: {  	_ =	shalt  }
0x5e: {  	_ =	shalt  }
0x5f: {  	_ =	shalt  }
0x60: {  	_ =	shalt  }
0x61: {  	_ =	shalt  }
0x62: {  	_ =	shalt  }
0x63: {  	_ =	shalt  }
0x64: {  	_ =	shalt  }
0x65: {  	_ =	shalt  }
0x66: {  	_ =	shalt  }
0x67: {  	_ =	shalt  }
0x68: {  	_ =	shalt  }
0x69: {  	_ =	shalt  }
0x6a: {  	_ =	shalt  }
0x6b: {  	_ =	shalt  }
0x6c: {  	_ =	shalt  }
0x6d: {  	_ =	shalt  }
0x6e: {  	_ =	shalt  }
0x6f: {  	_ =	shalt  }
0x70: {  	_ =	shalt  }
0x71: {  	_ =	shalt  }
0x72: {  	_ =	shalt  }
0x73: {  	_ =	shalt  }
0x74: {  	_ =	shalt  }
0x75: {  	_ =	shalt  }
0x76: {  	_ =	shalt  }
0x77: {  	_ =	shalt  }
0x78: {  	_ =	shalt  }
0x79: {  	_ =	shalt  }
0x7a: {  	_ =	shalt  }
0x7b: {  	_ =	shalt  }
0x7c: {  	_ =	shalt  }
0x7d: {  	_ =	shalt  }
0x7e: {  	_ =	shalt  }
0x7f: {  	_ =	shalt  }
0x80: {  	_ =	shalt  }
0x81: {  	_ =	shalt  }
0x82: {  	_ =	shalt  }
0x83: {  	_ =	shalt  }
0x84: {  	_ =	shalt  }
0x85: {  	_ =	shalt  }
0x86: {  	_ =	shalt  }
0x87: {  	_ =	shalt  }
.Lfunc_end0:
.L_simem_size_0:
called_computation.2_lowered:
.L_overlay_start_0:
0x88: {  	s2 =	sld [smem:$0x3FD9]  }
0x89: {  	s3 =	sld [smem:$0x3FFE];
	_ =	sdelay $0x1  }
0x8a: {  	s1 =	srdreg.scid  }
0x8b: {  	s0 =	sand.u32 $0x1, s1  }
0x8c: {  	s16 =	sshll.u32 s0, $0xA;
	s2 =	sadd.s32 s3, s2  }
0x8d: {  	s2 =	sadd.s32 s2, s16  }
0x8e: {  	[smem:$0x3FBF] =	sst s2  }
0x8f: {  	_ = 	snop  }
0x90: {  	(tm) =	ssettm $0x1  }
0x91: {  	s17 =	sld [smem:$0x3FFB];
	_ =	sdelay $0x3  }
0x92: {  	_ =	strace s17  }
0x93: {  	s2 =	sld [smem:$0x3FFC];
	_ =	sdelay $0x3  }
0x94: {  	_ =	strace s2  }
0x95: {  	s2 =	sld [smem:$0x3FFD];
	_ =	sdelay $0x3  }
0x96: {  	_ =	strace s2  }
0x97: {  	_ =	strace $0x8FFFFFFF  }
0x98: {  	s18 =	sld [smem:$0x3FDB];
	_ =	sdelay $0x1  }
0x99: {  	s19 =	simm.s32 $_scs_section_size  }
0x9a: {  	s4 =	simm.s32 $_size__tile_overlayer_lowered;
	s5 =	simm.s32 $_tile_overlayer_lowered  }
0x9b: {  	s22 =	simm.s32 $0x1BFF;
	s21 =	sshll.u32 s5, $0x1;
	s2 =	sadd.s32 s19, s18  }
0x9c: {  	s6 =	simm.s32 $0x0;
	s20 =	sshll.u32 s4, $0x1;
	s4 =	sadd.s32 s21, s2  }
0x9d: {  	[timem:s6], [sflag:s22] =	dma.local [hbm:s4], s20  }
0x9e: {  	_ =	swait.ge [sflag:s22], s20  }
0x9f: {  	s3 =	ssub.s32 $0x0, s20;
	[sflag:s22] =	ssyncset.done $0x0  }
0xa0: {  	[sflag:s22] =	ssyncadd.s32 s3;
	_ =	sdelay $0x1  }
0xa1: {  	s23 =	simm.s32 $0x1B8B  }
0xa2: {  	_ =	swait.ge [sflag:s23], $0x1  }
0xa3: {  	[sflag:s23] =	ssyncset.done $0x0  }
0xa4: {  	s25 =	simm.s32 $0x1B8E;
	s24 =	sld [smem:$0x3FFE];
	[sflag:s23] =	ssyncadd.s32 $0xFFFFFFFF  }
0xa5: {  	s26 =	simm.s32 $execute0_lowered;
	[smem:$0x3FD2] =	sst s25  }
0xa6: {  	s4 =	sshll.u32 s26, $0x1;
	_ =	strace $0x8000004C;
	[dreg:$0x1] =	wrdreg $0xFFFFFFFF  }
0xa7: {  	s28 =	simm.s32 $_size_execute0_lowered;
	s2 =	sadd.s32 s2, s4;
	[dreg:$0x0] =	wrdreg $0x0  }
0xa8: {  	s4 =	sshll.u32 s28, $0x1;
	[dreg:$0x2] =	wrdreg s2  }
0xa9: {  	[dreg:$0x3] =	wrdreg s4  }
0xaa: {  	[dreg:$0x4] =	wrdreg $0xC0  }
0xab: {  	_ =	task [dreg:s6], $0x5FFFF  }
0xac: {  	[dreg:$0x1] =	wrdreg $0xFFFFFFFF  }
0xad: {  	[dreg:$0x0] =	wrdreg $0x60  }
0xae: {  	[dreg:$0x2] =	wrdreg s24  }
0xaf: {  	[dreg:$0x3] =	wrdreg $0xC8000  }
0xb0: {  	[dreg:$0x4] =	wrdreg $0x9  }
0xb1: {  	_ =	task.clear_ibuf [dreg:s6], $0x5FFFF;
	_ =	strace $0x9000004C  }
0xb2: {  	s29 =	simm.s32 $0x9;
	_ =	strace $0x8000004E  }
0xb3: {  	_ =	swait.ge [sflag:s29], $0x1  }
0xb4: {  	[sflag:s29] =	ssyncadd.s32 $0xFFFFFFFF  }
0xb5: {  	_ =	strace $0x9000004E  }
0xb6: {  	_ =	sfence  }
0xb7: {  	s30 =	sld [smem:$0x0];
	_ =	sdelay $0x2  }
0xb8: {  	s31 =	sshll.u32 s1, $0xD;
	s1 =	sshrl.u32 s1, $0x2  }
0xb9: {  	s3 =	sand.u32 $0x4000, s31;
	s1 =	sadd.s32 s1, s30  }
0xba: {  	s0 =	sor.u32 s3, s0;
	s1 =	sshll.u32 s1, $0x11  }
0xbb: {  	s0 =	sor.u32 s1, s0  }
0xbc: {  	s0 =	sadd.s32 $0x8F2B, s0  }
0xbd: {  	[sflag:s0] =	ssyncadd.remote.s32 $0x1  }
0xbe: {  	_ =	sfence.sel $0xFFFF  }
0xbf: {  	[dreg:$0x0] =	wrdreg $0xFFFFFFFF;
	(pc) =	sbr.abs _section_cstart, $3  }
0xc0: {  	[dreg:$0x1] =	wrdreg $0xFFFFFFFF  }
0xc1: {  	_ =	task.clear_ibuf [dreg:s6], $0x2FFFF;
	_ =	strace $0x9FFFFFFF  }
0xc2: {  	(tm) =	ssettm $0x7FFFFFFF  }
0xc3: {  	_ =	shalt  }
tec
execute0_lowered:
.L_overlay_start_1:
0x0: {  	(tag) =	ssettag $0x1  }
0x1: {  	s6 =	rddreg [dreg:$0x0]  }
0x2: {  	s1 =	rddreg [dreg:$0x1]  }
0x3: {  	s0 =	rddreg [dreg:$0x2]  }
0x4: {  	s2 =	simm.s32 $0x0;
	s3 =	srdreg.scid;
	s16 =	simm.s32 $0x8800  }
0x5: {  	s17 =	simm.s32 $0x1;
	s18 =	simm.s32 $0xA800;
	s19 =	simm.s32 $0x2  }
0x6: {  	[smem:$0x7FF] =	sst s2;
	s7 =	sand.u32 $0x1, s3;
	s4 =	sadd.s32 $0x20600, s6  }
0x7: {  	s3 =	stileid.u32;
	s9 =	sadd.s32 $0x16600, s6;
	s8 =	smul.u32 $0x14000, s7  }
0x8: {  	s10 =	sadd.s32 $0x2000, s6;
	s5 =	sadd.s32 $0xC600, s6;
	s11 =	smul.u32 $0x28000, s3  }
0x9: {  	_ =	strace $0x8000004D;
	s25 =	ssub.s32 $0x2, s7;
	s13 =	smul.u32 $0xC00, s3  }
0xa: {  	s28 =	sshll.u32 s3, $0x6;
	s29 =	smul.u32 $0x880, s3;
	p0 =	seq.s32 s7, $0x1  }
0xb: {  	s31 =	smul.u32 $0xA000, s3;
	s26 =	sshrl.u32 s25, $0x1;
	s12 =	sadd.s32 s8, s6  }
0xc: {  	s11 =	sshrl.u32 s11, $0x2;
	s14 =	ssub.s32 s25, s26;
	s6 =	sor.u32 $0x1C03, s28  }
0xd: {  	s30 =	sshrl.u32 s13, $0x3;
	s7 =	sadd.s32 s9, s29;
	s8 =	sadd.s32 s10, s29  }
.Ltmp0:
0xe: {  	s21 =	sshrl.u32 s31, $0x3;
	s22 =	sadd.s32 s31, s1;
	(pc) =	sbr.rel .LBB2_1-.Ltmp0, $4  }
0xf: {  	s13 =	simm.s32 $0x3;
	s15 =	sadd.s32 s11, s1;
	s11 =	sadd.s32 $0x8800, s30  }
0x10: {  	s20 =	sadd.s32 $0x34600, s12;
	s9 =	sadd.s32 s9, s11;
	s10 =	sadd.s32 s10, s11  }
0x11: {  	s11 =	smax.u32 s14, $0x1;
	s12 =	sshrl.u32 s15, $0x3;
	s14 =	simm.s32 $0x4400  }
0x12: {  	s15 =	simm.s32 $0x80;
	s20 =	sadd.s32 s21, s20;
	s21 =	sshrl.u32 s22, $0x3  }
.LBB2_4:
0x13: {  	s22 =	simm.s32 $0x8780;
	s23 =	simm.s32 $0x8700;
	s24 =	simm.s32 $0x4380  }
.LBB2_8:
0x14: {  	_ =	swait.ge [sflag:s17], $0x2000  }
0x15: {  	[sflag:s17] =	ssyncset.done $0x0  }
0x16: {  	[sflag:s17] =	ssyncadd.s32 $0xFFFFE000  }
0x17: {  	[tilespmem:s18], [sflag:$0x2] =	stream.indirect.gather [hbm4b:s4+s15], $0x40, s24, s15, $0xb8;
	[tilespmem:$0x16800] =	vst v63  }
0x18: {  	_ = 	snop  }
0x19: {  	[spmem:s1] =	stream.indirect.scatter.add.f32 [tilespmem:s16], [sflag:$0x3], $0x40, s23, s15, $0xb8;
	[tilespmem:$0x16800] =	vst v63  }
0x1a: {  	_ =	swait.ge [sflag:s13], $0x2000  }
0x1b: {  	[sflag:s13] =	ssyncset.done $0x0  }
0x1c: {  	[sflag:s13] =	ssyncadd.s32 $0xFFFFE000  }
0x1d: {  	_ =	swait.ge [sflag:s19], $0x2000  }
0x1e: {  	[sflag:s19] =	ssyncset.done $0x0  }
0x1f: {  	[sflag:s19] =	ssyncadd.s32 $0xFFFFE000  }
0x20: {  	[spmem:s1] =	stream.indirect.scatter.add.f32 [tilespmem:s18], [sflag:$0x3], $0x40, s22, s15, $0xb8;
	[tilespmem:$0x16800] =	vst v63  }
0x21: {  	_ =	swait.ge [sflag:s13], $0x2000  }
0x22: {  	s2 =	sadd.s32 $0x1, s2;
	[sflag:s13] =	ssyncset.done $0x0  }
0x23: {  	p1 =	sne.s32 s2, s11;
	[sflag:s13] =	ssyncadd.s32 $0xFFFFE000  }
.Ltmp1:
0x24: {  	[bflag:$0x0] =	sbarrier.arrive $0xFFFF;
	(pc) =	sbr.rel @!p1 .LBB2_9-.Ltmp1, $4  }
0x25: {  	[hbm:s20], [sflag:s6] =	dma.local [spmem:s21], $0x1400  }
0x26: {  	_ =	swait.ge [sflag:s13], $0x1400  }
0x27: {  	[sflag:s13] =	ssyncset.done $0x0  }
0x28: {  	[sflag:s13] =	ssyncadd.s32 $0xFFFFEC00  }
.LBB2_1:
0x29: {  	[spmem:s12], [sflag:s6] =	dma.local [hbm:s5], $0x1400  }
.Ltmp2:
0x2a: {  	_ =	swait.ge [sflag:s13], $0x1400;
	(pc) =	sbr.rel @!p0 .LBB2_2-.Ltmp2, $4  }
0x2b: {  	[sflag:s13] =	ssyncset.done $0x0  }
0x2c: {  	[sflag:s13] =	ssyncadd.s32 $0xFFFFEC00  }
0x2d: {  	[bflag:$0x0] =	sbarrier.arrive $0xFFFF  }
0x2e: {  	s22 =	simm.s32 $0x0  }
0x2f: {  	[tilespmem:s22], [sflag:$0x3] =	stream.linear.gather [hbm4b:s9+s22], $0xC00, $0x38;
	[tilespmem:$0x16800] =	vst v63  }
0x30: {  	_ =	swait.ge [sflag:s13], $0xC00  }
0x31: {  	[sflag:s13] =	ssyncset.done $0x0  }
0x32: {  	[sflag:s13] =	ssyncadd.s32 $0xFFFFF400  }
0x33: {  	[tilespmem:s14], [sflag:$0x3] =	stream.linear.gather [hbm4b:s10+s22], $0xC00, $0x38;
	[tilespmem:$0x16800] =	vst v63  }
0x34: {  	_ =	swait.ge [sflag:s13], $0xC00  }
0x35: {  	[sflag:s13] =	ssyncset.done $0x0  }
0x36: {  	[sflag:s13] =	ssyncadd.s32 $0xFFFFF400  }
0x37: {  	[tilespmem:s16], [sflag:$0x1] =	stream.indirect.gather [hbm4b:s4+s15], $0x40, s22, s15, $0xb8;
	[tilespmem:$0x16800] =	vst v63  }
.LBB2_6:
0x38: {  	_ =	swait.ge [sflag:s17], $0x2000  }
0x39: {  	s23 =	sshra.s32 s22, $0x2;
	[sflag:s17] =	ssyncset.done $0x0  }
0x3a: {  	s24 =	sadd.s32 $0x80, s23;
	[sflag:s17] =	ssyncadd.s32 $0xFFFFE000  }
0x3b: {  	[tilespmem:s18], [sflag:$0x2] =	stream.indirect.gather [hbm4b:s4+s15], $0x40, s24, s15, $0xb8;
	[tilespmem:$0x16800] =	vst v63  }
0x3c: {  	s30 =	sadd.s32 $0x4400, s23  }
0x3d: {  	[spmem:s1] =	stream.indirect.scatter.add.f32 [tilespmem:s16], [sflag:$0x3], $0x40, s30, s15, $0xb8;
	[tilespmem:$0x16800] =	vst v63  }
0x3e: {  	_ =	swait.ge [sflag:s13], $0x2000  }
0x3f: {  	[sflag:s13] =	ssyncset.done $0x0  }
0x40: {  	[sflag:s13] =	ssyncadd.s32 $0xFFFFE000  }
0x41: {  	_ =	swait.ge [sflag:s19], $0x2000  }
0x42: {  	[sflag:s19] =	ssyncset.done $0x0  }
0x43: {  	p1 =	sne.s32 s22, $0x2800;
	s31 =	sadd.s32 $0x100, s23;
	[sflag:s19] =	ssyncadd.s32 $0xFFFFE000  }
0x44: {  	[tilespmem:s16], [sflag:$0x1] =	stream.indirect.gather [hbm4b:s4+s15], $0x40, s31, s15, $0xb8;
	[tilespmem:$0x16800] =	vst v63  }
.Ltmp3:
0x45: {  	s23 =	sadd.s32 $0x4480, s23;
	(pc) =	sbr.rel @p1 .LBB2_6-.Ltmp3, $4  }
0x46: {  	[spmem:s1] =	stream.indirect.scatter.add.f32 [tilespmem:s18], [sflag:$0x3], $0x40, s23, s15, $0xb8;
	[tilespmem:$0x16800] =	vst v63  }
0x47: {  	_ =	swait.ge [sflag:s13], $0x2000  }
0x48: {  	[sflag:s13] =	ssyncset.done $0x0  }
0x49: {  	s22 =	sadd.s32 $0x400, s22;
	[sflag:s13] =	ssyncadd.s32 $0xFFFFE000  }
.Ltmp4:
0x4a: {  	(pc) =	sbr.rel .LBB2_8-.Ltmp4, $2  }
0x4b: {  	_ =	sdelay $0x2  }
0x4c: {  	s22 =	simm.s32 $0x4F80;
	s23 =	simm.s32 $0x4F00;
	s24 =	simm.s32 $0xB80  }
.LBB2_2:
0x4d: {  	[tilespmem:s22], [sflag:$0x3] =	stream.linear.gather [hbm4b:s7+s22], $0x4400, $0x38;
	[tilespmem:$0x16800] =	vst v63  }
0x4e: {  	_ =	swait.ge [sflag:s13], $0x4400  }
0x4f: {  	[sflag:s13] =	ssyncset.done $0x0  }
0x50: {  	[sflag:s13] =	ssyncadd.s32 $0xFFFFBC00  }
0x51: {  	[tilespmem:s14], [sflag:$0x3] =	stream.linear.gather [hbm4b:s8+s22], $0x4400, $0x38;
	[tilespmem:$0x16800] =	vst v63  }
0x52: {  	_ =	swait.ge [sflag:s13], $0x4400  }
0x53: {  	[sflag:s13] =	ssyncset.done $0x0  }
0x54: {  	[sflag:s13] =	ssyncadd.s32 $0xFFFFBC00  }
0x55: {  	[tilespmem:s16], [sflag:$0x1] =	stream.indirect.gather [hbm4b:s4+s15], $0x40, s22, s15, $0xb8;
	[tilespmem:$0x16800] =	vst v63  }
.LBB2_3:
0x56: {  	_ =	swait.ge [sflag:s17], $0x2000  }
0x57: {  	s23 =	sshra.s32 s22, $0x2;
	[sflag:s17] =	ssyncset.done $0x0  }
0x58: {  	s24 =	sadd.s32 $0x80, s23;
	[sflag:s17] =	ssyncadd.s32 $0xFFFFE000  }
0x59: {  	[tilespmem:s18], [sflag:$0x2] =	stream.indirect.gather [hbm4b:s4+s15], $0x40, s24, s15, $0xb8;
	[tilespmem:$0x16800] =	vst v63  }
0x5a: {  	s30 =	sadd.s32 $0x4400, s23  }
0x5b: {  	[spmem:s1] =	stream.indirect.scatter.add.f32 [tilespmem:s16], [sflag:$0x3], $0x40, s30, s15, $0xb8;
	[tilespmem:$0x16800] =	vst v63  }
0x5c: {  	_ =	swait.ge [sflag:s13], $0x2000  }
0x5d: {  	[sflag:s13] =	ssyncset.done $0x0  }
0x5e: {  	[sflag:s13] =	ssyncadd.s32 $0xFFFFE000  }
0x5f: {  	_ =	swait.ge [sflag:s19], $0x2000  }
0x60: {  	[sflag:s19] =	ssyncset.done $0x0  }
0x61: {  	p1 =	seq.s32 s22, $0x10800;
	s31 =	sadd.s32 $0x100, s23;
	[sflag:s19] =	ssyncadd.s32 $0xFFFFE000  }
0x62: {  	[tilespmem:s16], [sflag:$0x1] =	stream.indirect.gather [hbm4b:s4+s15], $0x40, s31, s15, $0xb8;
	[tilespmem:$0x16800] =	vst v63  }
.Ltmp5:
0x63: {  	s23 =	sadd.s32 $0x4480, s23;
	(pc) =	sbr.rel @!p1 .LBB2_3-.Ltmp5, $4  }
0x64: {  	[spmem:s1] =	stream.indirect.scatter.add.f32 [tilespmem:s18], [sflag:$0x3], $0x40, s23, s15, $0xb8;
	[tilespmem:$0x16800] =	vst v63  }
0x65: {  	_ =	swait.ge [sflag:s13], $0x2000  }
0x66: {  	[sflag:s13] =	ssyncset.done $0x0  }
0x67: {  	s22 =	sadd.s32 $0x400, s22;
	[sflag:s13] =	ssyncadd.s32 $0xFFFFE000  }
.Ltmp6:
0x68: {  	_ = 	snop;
	(pc) =	sbr.rel .LBB2_4-.Ltmp6, $1  }
0x69: {  	_ =	sdelay $0x3  }
.LBB2_9:
0x6a: {  	_ =	sfence.sel $0x180000  }
0x6b: {  	[bflag:$0x0] =	sbarrier.arrive $0xFFFF  }
0x6c: {  	p0 =	sne.s32 s3, $0x0;
	_ =	strace $0x9000004D  }
0x6d: {  	s0 =	sadd.s32 @!p0 $0x100000, s0;
	[bflag:$0x2] =	sbarrier.arrive $0xFFFF  }
0x6e: {  	[sflag:s0] =	ssyncadd.tile.s32 @!p0 $0x1;
	_ =	shalt  }
.Lfunc_end2:
_tile_overlayer_lowered:
.L_overlay_start_2:
0x6f: {  	(tag) =	ssettag $0x2  }
0x70: {  	s0 =	rddreg [dreg:$0x0];
	s2 =	stileid.u32  }
0x71: {  	s1 =	rddreg [dreg:$0x1];
	p0 =	sne.s32 s2, $0x0  }
0x72: {  	s3 =	rddreg [dreg:$0x2];
	[bflag:$0x3] =	sbarrier.arrive $0xFFFF;
	s2 =	simm.s32 @!p0 $0x1C03  }
0x73: {  	[timem:s3], [sflag:s2] =	dma.local @!p0 [hbm:s0], s1  }
0x74: {  	s0 =	simm.s32 @!p0 $0x3  }
0x75: {  	_ =	swait.ge @!p0 [sflag:s0], s1  }
0x76: {  	s1 =	ssub.s32 @!p0 $0x0, s1;
	[sflag:s0] =	ssyncset.done @!p0 $0x0  }
0x77: {  	[sflag:s0] =	ssyncadd.s32 @!p0 s1  }
0x78: {  	[bflag:$0x3] =	sbarrier.arrive $0xFFFF  }
0x79: {  	_ =	shalt  }

// kernel: kernel.19.cloned.1.call-start
scs
__scs_entry_jumppad:
0x0: {  	(pc) =	sbr.rel $0x88, $3  }
0x1: {  	(tag) =	ssettag $0x0;
	lr =	simm.s32 $0x1  }
0x2: {  	[smem:$0x3F98] =	sst lr;
	_ =	strace $0xD0000000  }
0x3: {  	_ = 	snop  }
0x4: {  	_ = 	snop  }
0x5: {  	_ = 	snop  }
0x6: {  	_ = 	snop  }
0x7: {  	_ = 	snop  }
__scs_overlays_trampoline_lowered:
0x8: {  	[smem:$0x3FA7] =	sst s0  }
0x9: {  	[smem:$0x3FA8] =	sst s1  }
0xa: {  	[smem:$0x3FA9] =	sst s2  }
0xb: {  	[smem:$0x3FAA] =	sst s3  }
0xc: {  	[smem:$0x3FAB] =	sst s4  }
0xd: {  	[smem:$0x3FAC] =	sst s5  }
0xe: {  	[smem:$0x3FAD] =	sst s6  }
0xf: {  	[smem:$0x3FAE] =	sst s7  }
0x10: {  	[smem:$0x3FAF] =	sst s8  }
0x11: {  	[smem:$0x3FB0] =	sst s9;
	s0 =	simm.s32 @!p0 $0x0  }
0x12: {  	s1 =	sld [smem:$0x3F96];
	s0 =	simm.s32 @p0 $0x1  }
0x13: {  	[smem:$0x3FB1] =	sst s0;
	s0 =	simm.s32 @!p1 $0x0  }
0x14: {  	s2 =	sld [smem:$0x3F95];
	s0 =	simm.s32 @p1 $0x1  }
0x15: {  	[smem:$0x3FB2] =	sst s0;
	s0 =	simm.s32 @!p2 $0x0  }
0x16: {  	s3 =	sld [smem:$0x3FDB];
	s0 =	simm.s32 @p2 $0x1  }
0x17: {  	s4 =	simm.s32 $0x1BF5;
	[smem:$0x3FB4] =	sst s0  }
0x18: {  	s0 =	sld [smem:$0x3F97];
	_ =	swait.ge [sflag:s4], $0x0  }
0x19: {  	s7 =	sld [smem:$0x3F98]  }
0x1a: {  	s8 =	sadd.s32 $0xFFFFE003, lr  }
0x1b: {  	s9 =	sadd.s32 $0xFFFFFEF7, lr;
	s5 =	simm.s32 $0xFFFFFFFF;
	p2 =	slt.u32 s8, $0xFFFFF086  }
0x1c: {  	p1 =	slt.u32 s9, $0xF7A;
	s5 =	simm.s32 @!p2 $0x0  }
0x1d: {  	s5 =	simm.s32 @p1 $0x1;
	p0 =	seq.s32 s7, s2  }
0x1e: {  	s7 =	smul.u32 @!p0 $0xF7A, s2;
	p2 =	seq.s32 @!p0 s5, $0x0  }
0x1f: {  	s9 =	smul.u32 $0xF7A, s1;
	s8 =	simm.s32 @!p0 $0x1BF5;
	p2 =	por !p2, p0  }
0x20: {  	[sflag:s8] =	ssyncset.s32 @!p0 $0xFFFFF086;
	s6 =	sadd.s32 @!p0 s3, s7;
	s7 =	simm.s32 @!p0 $0x108  }
0x21: {  	s3 =	sadd.s32 s3, s9;
	s6 =	sadd.s32 @!p0 $0x88, s6;
	s7 =	simm.s32 @p2 $0x1082  }
0x22: {  	[simem:s7], [sflag:s8] =	dma.local @!p0 [hbm:s6], $0xF7A  }
0x23: {  	s9 =	sor.u32 $0xD0000000, s2;
	s6 =	simm.s32 $0x108;
	_ =	swait.ge @!p0 [sflag:s8], $0x0  }
0x24: {  	s3 =	sadd.s32 $0x88, s3;
	s6 =	simm.s32 @!p1 $0x1082;
	[sflag:s4] =	ssyncset.s32 $0xFFFFF086  }
0x25: {  	[simem:s6], [sflag:s4] =	dma.local [hbm:s3], $0xF7A  }
0x26: {  	[smem:$0x3F98] =	sst s1;
	(tag) =	ssettag s2;
	_ =	strace s9  }
0x27: {  	s1 =	sld [smem:$0x3FA8]  }
0x28: {  	s2 =	sld [smem:$0x3FA9]  }
0x29: {  	s4 =	sld [smem:$0x3FAB]  }
0x2a: {  	p0 =	seq.s32 s5, $0x0;
	s5 =	sld [smem:$0x3FAC]  }
0x2b: {  	s6 =	sld [smem:$0x3FAD]  }
0x2c: {  	s7 =	sld [smem:$0x3FAE]  }
0x2d: {  	s3 =	simm.s32 $0x108;
	s8 =	sld [smem:$0x3FAF]  }
0x2e: {  	s3 =	simm.s32 @!p0 $0x1082;
	s9 =	sld [smem:$0x3FB0]  }
0x2f: {  	lr =	sadd.s32 s0, s3;
	s0 =	sld [smem:$0x3FA7]  }
0x30: {  	s3 =	sld [smem:$0x3FAA]  }
0x31: {  	[smem:$0x3FB3] =	sst s10  }
0x32: {  	s10 =	sld [smem:$0x3FB1];
	_ =	sdelay $0x3  }
0x33: {  	p0 =	seq.s32 s10, $0x1;
	s10 =	sld [smem:$0x3FB3];
	_ =	sdelay $0x3  }
0x34: {  	[smem:$0x3FB3] =	sst s10  }
0x35: {  	s10 =	sld [smem:$0x3FB2];
	_ =	sdelay $0x3  }
0x36: {  	p1 =	seq.s32 s10, $0x1;
	s10 =	sld [smem:$0x3FB3];
	_ =	sdelay $0x3  }
0x37: {  	[smem:$0x3FB3] =	sst s10  }
0x38: {  	s10 =	sld [smem:$0x3FB4]  }
0x39: {  	_ = 	snop;
	(pc) =	sbr.ind lr, $3  }
0x3a: {  	_ = 	snop  }
0x3b: {  	_ = 	snop  }
0x3c: {  	p2 =	seq.s32 s10, $0x1;
	s10 =	sld [smem:$0x3FB3]  }
0x3d: {  	_ =	shalt  }
0x3e: {  	_ =	shalt  }
0x3f: {  	_ =	shalt  }
0x40: {  	_ =	shalt  }
0x41: {  	_ =	shalt  }
0x42: {  	_ =	shalt  }
0x43: {  	_ =	shalt  }
0x44: {  	_ =	shalt  }
0x45: {  	_ =	shalt  }
0x46: {  	_ =	shalt  }
0x47: {  	_ =	shalt  }
0x48: {  	_ =	shalt  }
0x49: {  	_ =	shalt  }
0x4a: {  	_ =	shalt  }
0x4b: {  	_ =	shalt  }
0x4c: {  	_ =	shalt  }
0x4d: {  	_ =	shalt  }
0x4e: {  	_ =	shalt  }
0x4f: {  	_ =	shalt  }
0x50: {  	_ =	shalt  }
0x51: {  	_ =	shalt  }
0x52: {  	_ =	shalt  }
0x53: {  	_ =	shalt  }
0x54: {  	_ =	shalt  }
0x55: {  	_ =	shalt  }
0x56: {  	_ =	shalt  }
0x57: {  	_ =	shalt  }
0x58: {  	_ =	shalt  }
0x59: {  	_ =	shalt  }
0x5a: {  	_ =	shalt  }
0x5b: {  	_ =	shalt  }
0x5c: {  	_ =	shalt  }
0x5d: {  	_ =	shalt  }
0x5e: {  	_ =	shalt  }
0x5f: {  	_ =	shalt  }
0x60: {  	_ =	shalt  }
0x61: {  	_ =	shalt  }
0x62: {  	_ =	shalt  }
0x63: {  	_ =	shalt  }
0x64: {  	_ =	shalt  }
0x65: {  	_ =	shalt  }
0x66: {  	_ =	shalt  }
0x67: {  	_ =	shalt  }
0x68: {  	_ =	shalt  }
0x69: {  	_ =	shalt  }
0x6a: {  	_ =	shalt  }
0x6b: {  	_ =	shalt  }
0x6c: {  	_ =	shalt  }
0x6d: {  	_ =	shalt  }
0x6e: {  	_ =	shalt  }
0x6f: {  	_ =	shalt  }
0x70: {  	_ =	shalt  }
0x71: {  	_ =	shalt  }
0x72: {  	_ =	shalt  }
0x73: {  	_ =	shalt  }
0x74: {  	_ =	shalt  }
0x75: {  	_ =	shalt  }
0x76: {  	_ =	shalt  }
0x77: {  	_ =	shalt  }
0x78: {  	_ =	shalt  }
0x79: {  	_ =	shalt  }
0x7a: {  	_ =	shalt  }
0x7b: {  	_ =	shalt  }
0x7c: {  	_ =	shalt  }
0x7d: {  	_ =	shalt  }
0x7e: {  	_ =	shalt  }
0x7f: {  	_ =	shalt  }
0x80: {  	_ =	shalt  }
0x81: {  	_ =	shalt  }
0x82: {  	_ =	shalt  }
0x83: {  	_ =	shalt  }
0x84: {  	_ =	shalt  }
0x85: {  	_ =	shalt  }
0x86: {  	_ =	shalt  }
0x87: {  	_ =	shalt  }
.Lfunc_end0:
.L_simem_size_0:
called_computation.3_lowered:
.L_overlay_start_0:
0x88: {  	s2 =	sld [smem:$0x3FD9]  }
0x89: {  	s3 =	sld [smem:$0x3FFE];
	_ =	sdelay $0x1  }
0x8a: {  	s1 =	srdreg.scid  }
0x8b: {  	s0 =	sand.u32 $0x1, s1  }
0x8c: {  	s16 =	sshll.u32 s0, $0xA;
	s2 =	sadd.s32 s3, s2  }
0x8d: {  	s2 =	sadd.s32 s2, s16  }
0x8e: {  	[smem:$0x3FBF] =	sst s2  }
0x8f: {  	_ = 	snop  }
0x90: {  	(tm) =	ssettm $0x1  }
0x91: {  	s17 =	sld [smem:$0x3FFB];
	_ =	sdelay $0x3  }
0x92: {  	_ =	strace s17  }
0x93: {  	s2 =	sld [smem:$0x3FFC];
	_ =	sdelay $0x3  }
0x94: {  	_ =	strace s2  }
0x95: {  	s2 =	sld [smem:$0x3FFD];
	_ =	sdelay $0x3  }
0x96: {  	_ =	strace s2  }
0x97: {  	_ =	strace $0x8FFFFFFF  }
0x98: {  	s18 =	sld [smem:$0x3FDB];
	_ =	sdelay $0x1  }
0x99: {  	s19 =	simm.s32 $_scs_section_size  }
0x9a: {  	s4 =	simm.s32 $_size__tile_overlayer_lowered;
	s5 =	simm.s32 $_tile_overlayer_lowered  }
0x9b: {  	s22 =	simm.s32 $0x1BFF;
	s21 =	sshll.u32 s5, $0x1;
	s2 =	sadd.s32 s19, s18  }
0x9c: {  	s6 =	simm.s32 $0x0;
	s20 =	sshll.u32 s4, $0x1;
	s4 =	sadd.s32 s21, s2  }
0x9d: {  	[timem:s6], [sflag:s22] =	dma.local [hbm:s4], s20  }
0x9e: {  	_ =	swait.ge [sflag:s22], s20  }
0x9f: {  	s3 =	ssub.s32 $0x0, s20;
	[sflag:s22] =	ssyncset.done $0x0  }
0xa0: {  	[sflag:s22] =	ssyncadd.s32 s3;
	_ =	sdelay $0x1  }
0xa1: {  	s23 =	simm.s32 $0x1B8B  }
0xa2: {  	_ =	swait.ge [sflag:s23], $0x1  }
0xa3: {  	[sflag:s23] =	ssyncset.done $0x0  }
0xa4: {  	s25 =	simm.s32 $0x1B8E;
	s24 =	sld [smem:$0x3FFE];
	[sflag:s23] =	ssyncadd.s32 $0xFFFFFFFF  }
0xa5: {  	s26 =	simm.s32 $execute0_lowered;
	[smem:$0x3FD2] =	sst s25  }
0xa6: {  	s4 =	sshll.u32 s26, $0x1;
	_ =	strace $0x8000004F;
	[dreg:$0x1] =	wrdreg $0xFFFFFFFF  }
0xa7: {  	s28 =	simm.s32 $_size_execute0_lowered;
	s2 =	sadd.s32 s2, s4;
	[dreg:$0x0] =	wrdreg $0x0  }
0xa8: {  	s4 =	sshll.u32 s28, $0x1;
	[dreg:$0x2] =	wrdreg s2  }
0xa9: {  	[dreg:$0x3] =	wrdreg s4  }
0xaa: {  	[dreg:$0x4] =	wrdreg $0xC0  }
0xab: {  	_ =	task [dreg:s6], $0x5FFFF  }
0xac: {  	[dreg:$0x1] =	wrdreg $0xFFFFFFFF  }
0xad: {  	[dreg:$0x0] =	wrdreg $0x60  }
0xae: {  	[dreg:$0x2] =	wrdreg s24  }
0xaf: {  	[dreg:$0x3] =	wrdreg $0x78000  }
0xb0: {  	[dreg:$0x4] =	wrdreg $0x9  }
0xb1: {  	_ =	task.clear_ibuf [dreg:s6], $0x5FFFF;
	_ =	strace $0x9000004F  }
0xb2: {  	s29 =	simm.s32 $0x9;
	_ =	strace $0x80000051  }
0xb3: {  	_ =	swait.ge [sflag:s29], $0x1  }
0xb4: {  	[sflag:s29] =	ssyncadd.s32 $0xFFFFFFFF  }
0xb5: {  	_ =	strace $0x90000051  }
0xb6: {  	_ =	sfence  }
0xb7: {  	s30 =	sld [smem:$0x0];
	_ =	sdelay $0x2  }
0xb8: {  	s31 =	sshll.u32 s1, $0xD;
	s1 =	sshrl.u32 s1, $0x2  }
0xb9: {  	s3 =	sand.u32 $0x4000, s31;
	s1 =	sadd.s32 s1, s30  }
0xba: {  	s0 =	sor.u32 s3, s0;
	s1 =	sshll.u32 s1, $0x11  }
0xbb: {  	s0 =	sor.u32 s1, s0  }
0xbc: {  	s0 =	sadd.s32 $0x8F2B, s0  }
0xbd: {  	[sflag:s0] =	ssyncadd.remote.s32 $0x1  }
0xbe: {  	_ =	sfence.sel $0xFFFF  }
0xbf: {  	[dreg:$0x0] =	wrdreg $0xFFFFFFFF;
	(pc) =	sbr.abs _section_cstart, $3  }
0xc0: {  	[dreg:$0x1] =	wrdreg $0xFFFFFFFF  }
0xc1: {  	_ =	task.clear_ibuf [dreg:s6], $0x2FFFF;
	_ =	strace $0x9FFFFFFF  }
0xc2: {  	(tm) =	ssettm $0x7FFFFFFF  }
0xc3: {  	_ =	shalt  }
tec
execute0_lowered:
.L_overlay_start_1:
0x0: {  	(tag) =	ssettag $0x1  }
0x1: {  	s6 =	rddreg [dreg:$0x0]  }
0x2: {  	s1 =	rddreg [dreg:$0x1]  }
0x3: {  	s0 =	rddreg [dreg:$0x2]  }
0x4: {  	s2 =	simm.s32 $0x0;
	s3 =	srdreg.scid;
	s16 =	simm.s32 $0x6800  }
0x5: {  	s17 =	simm.s32 $0x1;
	s18 =	simm.s32 $0x7000;
	s19 =	simm.s32 $0x2  }
0x6: {  	[smem:$0x7FF] =	sst s2;
	s7 =	sand.u32 $0x1, s3;
	s4 =	sadd.s32 $0xC600, s6  }
0x7: {  	s3 =	stileid.u32;
	s9 =	sadd.s32 $0x16600, s6;
	s8 =	smul.u32 $0x5000, s7  }
0x8: {  	s10 =	sadd.s32 $0x2000, s6;
	s5 =	sadd.s32 $0xC000, s6;
	s11 =	smul.u32 $0xA000, s3  }
0x9: {  	_ =	strace $0x80000050;
	s25 =	ssub.s32 $0x2, s7;
	s13 =	smul.u32 $0x1C00, s3  }
0xa: {  	s28 =	sshll.u32 s3, $0x6;
	s29 =	smul.u32 $0x680, s3;
	p0 =	seq.s32 s7, $0x1  }
0xb: {  	s31 =	smul.u32 $0x2800, s3;
	s26 =	sshrl.u32 s25, $0x1;
	s12 =	sadd.s32 s8, s6  }
0xc: {  	s11 =	sshrl.u32 s11, $0x2;
	s14 =	ssub.s32 s25, s26;
	s6 =	sor.u32 $0x1C03, s28  }
0xd: {  	s30 =	sshrl.u32 s13, $0x3;
	s7 =	sadd.s32 s9, s29;
	s8 =	sadd.s32 s10, s29  }
.Ltmp0:
0xe: {  	s21 =	sshrl.u32 s31, $0x3;
	s22 =	sadd.s32 s31, s1;
	(pc) =	sbr.rel .LBB2_1-.Ltmp0, $4  }
0xf: {  	s13 =	simm.s32 $0x3;
	s15 =	sadd.s32 s11, s1;
	s11 =	sadd.s32 $0x6800, s30  }
0x10: {  	s20 =	sadd.s32 $0x20600, s12;
	s9 =	sadd.s32 s9, s11;
	s10 =	sadd.s32 s10, s11  }
0x11: {  	s11 =	smax.u32 s14, $0x1;
	s12 =	sshrl.u32 s15, $0x3;
	s14 =	simm.s32 $0x3400  }
0x12: {  	s15 =	simm.s32 $0x80;
	s20 =	sadd.s32 s21, s20;
	s21 =	sshrl.u32 s22, $0x3  }
.LBB2_4:
0x13: {  	s22 =	simm.s32 $0x6780;
	s23 =	simm.s32 $0x6700;
	s24 =	simm.s32 $0x3380  }
.LBB2_8:
0x14: {  	_ =	swait.ge [sflag:s17], $0x800  }
0x15: {  	[sflag:s17] =	ssyncset.done $0x0  }
0x16: {  	[sflag:s17] =	ssyncadd.s32 $0xFFFFF800  }
0x17: {  	[tilespmem:s18], [sflag:$0x2] =	stream.indirect.gather [hbm4b:s4+s15], $0x10, s24, s15, $0xb8;
	[tilespmem:$0xA000] =	vst v63  }
0x18: {  	_ = 	snop  }
0x19: {  	[spmem:s1] =	stream.indirect.scatter.add.f32 [tilespmem:s16], [sflag:$0x3], $0x10, s23, s15, $0xb8;
	[tilespmem:$0xA000] =	vst v63  }
0x1a: {  	_ =	swait.ge [sflag:s13], $0x800  }
0x1b: {  	[sflag:s13] =	ssyncset.done $0x0  }
0x1c: {  	[sflag:s13] =	ssyncadd.s32 $0xFFFFF800  }
0x1d: {  	_ =	swait.ge [sflag:s19], $0x800  }
0x1e: {  	[sflag:s19] =	ssyncset.done $0x0  }
0x1f: {  	[sflag:s19] =	ssyncadd.s32 $0xFFFFF800  }
0x20: {  	[spmem:s1] =	stream.indirect.scatter.add.f32 [tilespmem:s18], [sflag:$0x3], $0x10, s22, s15, $0xb8;
	[tilespmem:$0xA000] =	vst v63  }
0x21: {  	_ =	swait.ge [sflag:s13], $0x800  }
0x22: {  	s2 =	sadd.s32 $0x1, s2;
	[sflag:s13] =	ssyncset.done $0x0  }
0x23: {  	p1 =	sne.s32 s2, s11;
	[sflag:s13] =	ssyncadd.s32 $0xFFFFF800  }
.Ltmp1:
0x24: {  	[bflag:$0x0] =	sbarrier.arrive $0xFFFF;
	(pc) =	sbr.rel @!p1 .LBB2_9-.Ltmp1, $4  }
0x25: {  	[hbm:s20], [sflag:s6] =	dma.local [spmem:s21], $0x500  }
0x26: {  	_ =	swait.ge [sflag:s13], $0x500  }
0x27: {  	[sflag:s13] =	ssyncset.done $0x0  }
0x28: {  	[sflag:s13] =	ssyncadd.s32 $0xFFFFFB00  }
.LBB2_1:
0x29: {  	[spmem:s12], [sflag:s6] =	dma.local [hbm:s5], $0x500  }
.Ltmp2:
0x2a: {  	_ =	swait.ge [sflag:s13], $0x500;
	(pc) =	sbr.rel @!p0 .LBB2_2-.Ltmp2, $4  }
0x2b: {  	[sflag:s13] =	ssyncset.done $0x0  }
0x2c: {  	[sflag:s13] =	ssyncadd.s32 $0xFFFFFB00  }
0x2d: {  	[bflag:$0x0] =	sbarrier.arrive $0xFFFF  }
0x2e: {  	s22 =	simm.s32 $0x0  }
0x2f: {  	[tilespmem:s22], [sflag:$0x3] =	stream.linear.gather [hbm4b:s9+s22], $0x1C00, $0x38;
	[tilespmem:$0xA000] =	vst v63  }
0x30: {  	_ =	swait.ge [sflag:s13], $0x1C00  }
0x31: {  	[sflag:s13] =	ssyncset.done $0x0  }
0x32: {  	[sflag:s13] =	ssyncadd.s32 $0xFFFFE400  }
0x33: {  	[tilespmem:s14], [sflag:$0x3] =	stream.linear.gather [hbm4b:s10+s22], $0x1C00, $0x38;
	[tilespmem:$0xA000] =	vst v63  }
0x34: {  	_ =	swait.ge [sflag:s13], $0x1C00  }
0x35: {  	[sflag:s13] =	ssyncset.done $0x0  }
0x36: {  	[sflag:s13] =	ssyncadd.s32 $0xFFFFE400  }
0x37: {  	[tilespmem:s16], [sflag:$0x1] =	stream.indirect.gather [hbm4b:s4+s15], $0x10, s22, s15, $0xb8;
	[tilespmem:$0xA000] =	vst v63  }
.LBB2_6:
0x38: {  	_ =	swait.ge [sflag:s17], $0x800  }
0x39: {  	s23 =	sshra.s32 s22, $0x2;
	[sflag:s17] =	ssyncset.done $0x0  }
0x3a: {  	s24 =	sadd.s32 $0x80, s23;
	[sflag:s17] =	ssyncadd.s32 $0xFFFFF800  }
0x3b: {  	[tilespmem:s18], [sflag:$0x2] =	stream.indirect.gather [hbm4b:s4+s15], $0x10, s24, s15, $0xb8;
	[tilespmem:$0xA000] =	vst v63  }
0x3c: {  	s30 =	sadd.s32 $0x3400, s23  }
0x3d: {  	[spmem:s1] =	stream.indirect.scatter.add.f32 [tilespmem:s16], [sflag:$0x3], $0x10, s30, s15, $0xb8;
	[tilespmem:$0xA000] =	vst v63  }
0x3e: {  	_ =	swait.ge [sflag:s13], $0x800  }
0x3f: {  	[sflag:s13] =	ssyncset.done $0x0  }
0x40: {  	[sflag:s13] =	ssyncadd.s32 $0xFFFFF800  }
0x41: {  	_ =	swait.ge [sflag:s19], $0x800  }
0x42: {  	[sflag:s19] =	ssyncset.done $0x0  }
0x43: {  	p1 =	sne.s32 s22, $0x6800;
	s31 =	sadd.s32 $0x100, s23;
	[sflag:s19] =	ssyncadd.s32 $0xFFFFF800  }
0x44: {  	[tilespmem:s16], [sflag:$0x1] =	stream.indirect.gather [hbm4b:s4+s15], $0x10, s31, s15, $0xb8;
	[tilespmem:$0xA000] =	vst v63  }
.Ltmp3:
0x45: {  	s23 =	sadd.s32 $0x3480, s23;
	(pc) =	sbr.rel @p1 .LBB2_6-.Ltmp3, $4  }
0x46: {  	[spmem:s1] =	stream.indirect.scatter.add.f32 [tilespmem:s18], [sflag:$0x3], $0x10, s23, s15, $0xb8;
	[tilespmem:$0xA000] =	vst v63  }
0x47: {  	_ =	swait.ge [sflag:s13], $0x800  }
0x48: {  	[sflag:s13] =	ssyncset.done $0x0  }
0x49: {  	s22 =	sadd.s32 $0x400, s22;
	[sflag:s13] =	ssyncadd.s32 $0xFFFFF800  }
.Ltmp4:
0x4a: {  	(pc) =	sbr.rel .LBB2_8-.Ltmp4, $2  }
0x4b: {  	_ =	sdelay $0x2  }
0x4c: {  	s22 =	simm.s32 $0x4F80;
	s23 =	simm.s32 $0x4F00;
	s24 =	simm.s32 $0x1B80  }
.LBB2_2:
0x4d: {  	[tilespmem:s22], [sflag:$0x3] =	stream.linear.gather [hbm4b:s7+s22], $0x3400, $0x38;
	[tilespmem:$0xA000] =	vst v63  }
0x4e: {  	_ =	swait.ge [sflag:s13], $0x3400  }
0x4f: {  	[sflag:s13] =	ssyncset.done $0x0  }
0x50: {  	[sflag:s13] =	ssyncadd.s32 $0xFFFFCC00  }
0x51: {  	[tilespmem:s14], [sflag:$0x3] =	stream.linear.gather [hbm4b:s8+s22], $0x3400, $0x38;
	[tilespmem:$0xA000] =	vst v63  }
0x52: {  	_ =	swait.ge [sflag:s13], $0x3400  }
0x53: {  	[sflag:s13] =	ssyncset.done $0x0  }
0x54: {  	[sflag:s13] =	ssyncadd.s32 $0xFFFFCC00  }
0x55: {  	[tilespmem:s16], [sflag:$0x1] =	stream.indirect.gather [hbm4b:s4+s15], $0x10, s22, s15, $0xb8;
	[tilespmem:$0xA000] =	vst v63  }
.LBB2_3:
0x56: {  	_ =	swait.ge [sflag:s17], $0x800  }
0x57: {  	s23 =	sshra.s32 s22, $0x2;
	[sflag:s17] =	ssyncset.done $0x0  }
0x58: {  	s24 =	sadd.s32 $0x80, s23;
	[sflag:s17] =	ssyncadd.s32 $0xFFFFF800  }
0x59: {  	[tilespmem:s18], [sflag:$0x2] =	stream.indirect.gather [hbm4b:s4+s15], $0x10, s24, s15, $0xb8;
	[tilespmem:$0xA000] =	vst v63  }
0x5a: {  	s30 =	sadd.s32 $0x3400, s23  }
0x5b: {  	[spmem:s1] =	stream.indirect.scatter.add.f32 [tilespmem:s16], [sflag:$0x3], $0x10, s30, s15, $0xb8;
	[tilespmem:$0xA000] =	vst v63  }
0x5c: {  	_ =	swait.ge [sflag:s13], $0x800  }
0x5d: {  	[sflag:s13] =	ssyncset.done $0x0  }
0x5e: {  	[sflag:s13] =	ssyncadd.s32 $0xFFFFF800  }
0x5f: {  	_ =	swait.ge [sflag:s19], $0x800  }
0x60: {  	[sflag:s19] =	ssyncset.done $0x0  }
0x61: {  	p1 =	seq.s32 s22, $0xC800;
	s31 =	sadd.s32 $0x100, s23;
	[sflag:s19] =	ssyncadd.s32 $0xFFFFF800  }
0x62: {  	[tilespmem:s16], [sflag:$0x1] =	stream.indirect.gather [hbm4b:s4+s15], $0x10, s31, s15, $0xb8;
	[tilespmem:$0xA000] =	vst v63  }
.Ltmp5:
0x63: {  	s23 =	sadd.s32 $0x3480, s23;
	(pc) =	sbr.rel @!p1 .LBB2_3-.Ltmp5, $4  }
0x64: {  	[spmem:s1] =	stream.indirect.scatter.add.f32 [tilespmem:s18], [sflag:$0x3], $0x10, s23, s15, $0xb8;
	[tilespmem:$0xA000] =	vst v63  }
0x65: {  	_ =	swait.ge [sflag:s13], $0x800  }
0x66: {  	[sflag:s13] =	ssyncset.done $0x0  }
0x67: {  	s22 =	sadd.s32 $0x400, s22;
	[sflag:s13] =	ssyncadd.s32 $0xFFFFF800  }
.Ltmp6:
0x68: {  	_ = 	snop;
	(pc) =	sbr.rel .LBB2_4-.Ltmp6, $1  }
0x69: {  	_ =	sdelay $0x3  }
.LBB2_9:
0x6a: {  	_ =	sfence.sel $0x180000  }
0x6b: {  	[bflag:$0x0] =	sbarrier.arrive $0xFFFF  }
0x6c: {  	p0 =	sne.s32 s3, $0x0;
	_ =	strace $0x90000050  }
0x6d: {  	s0 =	sadd.s32 @!p0 $0x100000, s0;
	[bflag:$0x2] =	sbarrier.arrive $0xFFFF  }
0x6e: {  	[sflag:s0] =	ssyncadd.tile.s32 @!p0 $0x1;
	_ =	shalt  }
.Lfunc_end2:
_tile_overlayer_lowered:
.L_overlay_start_2:
0x6f: {  	(tag) =	ssettag $0x2  }
0x70: {  	s0 =	rddreg [dreg:$0x0];
	s2 =	stileid.u32  }
0x71: {  	s1 =	rddreg [dreg:$0x1];
	p0 =	sne.s32 s2, $0x0  }
0x72: {  	s3 =	rddreg [dreg:$0x2];
	[bflag:$0x3] =	sbarrier.arrive $0xFFFF;
	s2 =	simm.s32 @!p0 $0x1C03  }
0x73: {  	[timem:s3], [sflag:s2] =	dma.local @!p0 [hbm:s0], s1  }
0x74: {  	s0 =	simm.s32 @!p0 $0x3  }
0x75: {  	_ =	swait.ge @!p0 [sflag:s0], s1  }
0x76: {  	s1 =	ssub.s32 @!p0 $0x0, s1;
	[sflag:s0] =	ssyncset.done @!p0 $0x0  }
0x77: {  	[sflag:s0] =	ssyncadd.s32 @!p0 s1  }
0x78: {  	[bflag:$0x3] =	sbarrier.arrive $0xFFFF  }
0x79: {  	_ =	shalt  }

</sc_bundles>
